<compile_context>
chip_gen: v7x
topology: tpu7x:2x2x1
jax: 0.10.2.dev20260603
libtpu: 0.0.44.dev20260713+nightly
codegen_flags: <defaults>
</compile_context>

<pallas_src>
import functools
import numpy as np
import jax
import jax.numpy as jnp
from jax import lax
from jax.experimental import pallas as pl
from jax.experimental.pallas import tpu as pltpu
from jax.experimental.pallas import tpu_sc as plsc

_RATIO = 0.6
_ROT_FACTOR = 0.1


def _mask_params(B, H, W):
    rng = np.random.default_rng(0)
    lo = int(min(H * 0.5, W * 0.3))
    hi = int(max(H * 0.5, W * 0.3)) + 1
    ms = int(2 * max(H, W))
    rows = []
    for _ in range(B):
        g = int(rng.integers(lo, hi))
        if _RATIO == 1:
            l = int(rng.integers(1, g + 1))
        else:
            l = int(min(max(int(g * _RATIO + 0.5), 1), g - 1))
        s1 = int(rng.integers(0, g + 1))
        s2 = int(rng.integers(0, g + 1))
        ang = float(rng.uniform(-_ROT_FACTOR * 2.0 * np.pi,
                                _ROT_FACTOR * 2.0 * np.pi))
        n = ms // g
        rows.append([np.cos(ang), np.sin(ang), float(g), float(l),
                     float(n), float(s1), float(s2), 1.0 / g])
    return np.asarray(rows, dtype=np.float32)


def _floor_pos(v):
    return v.astype(jnp.int32).astype(jnp.float32)


def _stripe_pair(jf, sv, gv, lv, nv, rgv):
    t = jnp.maximum(jf - sv, 0.0)
    k0 = _floor_pos(t * rgv + 0.5)
    rem0 = t - k0 * gv
    wrapn = jnp.where(rem0 < 0.0, 1.0, 0.0)
    k = k0 - wrapn
    rem = rem0 + wrapn * gv
    ok0 = jnp.where((jf >= sv) & (rem < lv) & (k < nv), 1.0, 0.0)
    remp = rem + 1.0
    wrap = jnp.where(remp >= gv, 1.0, 0.0)
    rem1 = remp - wrap * gv
    k1 = k + wrap
    ok1 = jnp.where((jf + 1.0 >= sv) & (rem1 < lv) & (k1 < nv), 1.0, 0.0)
    return ok0, ok1


def _sc_kernel_fn(B, C, H, W, MS, RY, cy, offh, offw, NC,
                  x_hbm, p_hbm, o_hbm, pv, ibuf, obuf,
                  isem0, isem1, osem0, osem1):
    wid = lax.axis_index("s") * NC + lax.axis_index("c")
    nchunk = H // RY
    iota_f = lax.iota(jnp.int32, 16).astype(jnp.float32)
    isems = (isem0, isem1)
    osems = (osem0, osem1)

    @pl.when(wid < B)
    def _():
        b = wid
        pltpu.sync_copy(p_hbm.at[b], pv)
        ca = pv[0]
        sa = pv[1]
        gv = pv[2]
        lv = pv[3]
        nv = pv[4]
        s1 = pv[5]
        s2 = pv[6]
        rgv = pv[7]

        def start_in(kk, slot):
            ry = kk * RY
            for c in range(C):
                pltpu.async_copy(x_hbm.at[b, c, pl.ds(ry, RY)],
                                 ibuf.at[slot, c], isems[slot])

        def wait_in(kk, slot):
            ry = kk * RY
            for c in range(C):
                pltpu.make_async_copy(x_hbm.at[b, c, pl.ds(ry, RY)],
                                      ibuf.at[slot, c], isems[slot]).wait()

        def start_out(kk, slot):
            ry = kk * RY
            for c in range(C):
                pltpu.async_copy(obuf.at[slot, c],
                                 o_hbm.at[b, c, pl.ds(ry, RY)], osems[slot])

        def wait_out(kk, slot):
            ry = kk * RY
            for c in range(C):
                pltpu.make_async_copy(obuf.at[slot, c],
                                      o_hbm.at[b, c, pl.ds(ry, RY)],
                                      osems[slot]).wait()

        def compute(kk, slot):
            def row_body(rr, _):
                yf = (kk * RY + rr + offh).astype(jnp.float32) - cy
                ysb = ca * yf + cy
                xsb = -sa * yf + cy

                @plsc.parallel_loop(0, W // 16, unroll=2)
                def x_body(jx):
                    xf = iota_f + (jx * 16).astype(jnp.float32) + (offw - cy)
                    ys = sa * xf + ysb
                    xs = ca * xf + xsb
                    y0 = _floor_pos(ys)
                    x0 = _floor_pos(xs)
                    fy = ys - y0
                    fx = xs - x0
                    r0, r1 = _stripe_pair(y0, s1, gv, lv, nv, rgv)
                    c0, c1 = _stripe_pair(x0, s2, gv, lv, nv, rgv)
                    R = r0 + fy * (r1 - r0)
                    Cv = c0 + fx * (c1 - c0)
                    m = R + Cv - R * Cv
                    for c in range(C):
                        v = ibuf[slot, c, rr, pl.ds(jx * 16, 16)]
                        obuf[slot, c, rr, pl.ds(jx * 16, 16)] = v * m
                return 0

            lax.fori_loop(0, RY, row_body, 0)

        start_in(0, 0)
        if nchunk > 1:
            start_in(1, 1)

        def chunk2_body(k2, _):
            for par in range(2):
                kk = k2 * 2 + par
                wait_in(kk, par)

                @pl.when(kk >= 2)
                def _(kk=kk, par=par):
                    wait_out(kk - 2, par)

                compute(kk, par)
                start_out(kk, par)

                @pl.when(kk + 2 < nchunk)
                def _(kk=kk, par=par):
                    start_in(kk + 2, par)
            return 0

        lax.fori_loop(0, nchunk // 2, chunk2_body, 0)
        for par in range(2):
            if nchunk - 2 + par >= 0:
                wait_out(nchunk - 2 + par, par)


def kernel(images):
    B, H, W, C = images.shape
    ms = int(2 * max(H, W))
    cy = float((ms - 1) / 2.0)
    offh = (ms - H) // 2
    offw = (ms - W) // 2
    params = np.repeat(_mask_params(B, H, W)[:, :, None], 16, axis=2)
    params = jnp.asarray(params)

    RY = 8
    x = jnp.transpose(images, (0, 3, 1, 2))

    info = plsc.get_sparse_core_info()
    NC = info.num_cores
    mesh = plsc.VectorSubcoreMesh(core_axis_name="c", subcore_axis_name="s")
    body = functools.partial(_sc_kernel_fn, B, C, H, W, ms, RY, cy,
                             offh, offw, NC)
    sck = pl.kernel(
        body,
        mesh=mesh,
        out_type=jax.ShapeDtypeStruct((B, C, H, W), jnp.float32),
        scratch_types=[
            pltpu.VMEM((8, 16), jnp.float32),
            pltpu.VMEM((2, C, RY, W), jnp.float32),
            pltpu.VMEM((2, C, RY, W), jnp.float32),
            pltpu.SemaphoreType.DMA,
            pltpu.SemaphoreType.DMA,
            pltpu.SemaphoreType.DMA,
            pltpu.SemaphoreType.DMA,
        ],
    )
    out = sck(x, params)
    return jnp.transpose(out, (0, 2, 3, 1))

# --- scband reference (transcript-rebuilt; emitter-appended) ---
"""Pipeline reference for scband-grid-mask-36575941493177 (READ-ONLY COPY).

The authoritative reference and input builder live on the scoring server;
editing this copy changes nothing except your own understanding.
"""

import jax, jax.numpy as jnp
import numpy as np
from jax.scipy.ndimage import map_coordinates

RATIO = 0.6
ROT_FACTOR = 0.1
FILL_VALUE = 1  # undefined attr in original source; keras_cv GridMask uses 1 (kept regions)


def _make_grid_mask(rng, H, W, ratio):
    mask_size = int(2 * max(H, W))
    mask = jnp.zeros((mask_size, mask_size), dtype=jnp.int32)
    lo = int(min(H * 0.5, W * 0.3))
    hi = int(max(H * 0.5, W * 0.3)) + 1
    gridblock = int(rng.integers(lo, hi))
    if ratio == 1:
        length = int(rng.integers(1, gridblock + 1))
    else:
        length = int(min(max(int(gridblock * ratio + 0.5), 1), gridblock - 1))
    for _ in range(2):
        start_w = int(rng.integers(0, gridblock + 1))
        for i in range(mask_size // gridblock):
            start = gridblock * i + start_w
            end = min(start + length, mask_size)
            if end > start:
                # tf.tensor_scatter_nd_update over whole rows == row-slice overwrite
                mask = mask.at[start:end, :].set(FILL_VALUE)
        mask = mask.T
    return mask


def _rotate(img2d, angle):
    # bilinear rotation about center, reflect fill (keras RandomRotation defaults)
    H, W = img2d.shape
    cy = (H - 1) / 2.0
    cx = (W - 1) / 2.0
    yy, xx = jnp.meshgrid(jnp.arange(H, dtype=jnp.float32), jnp.arange(W, dtype=jnp.float32), indexing='ij')
    cos_a = jnp.cos(angle)
    sin_a = jnp.sin(angle)
    ys = cos_a * (yy - cy) + sin_a * (xx - cx) + cy
    xs = -sin_a * (yy - cy) + cos_a * (xx - cx) + cx
    return map_coordinates(img2d, [ys, xs], order=1, mode='reflect')


def _crop(mask, H, W):
    hh = mask.shape[0]
    ww = mask.shape[1]
    return mask[(hh - H) // 2:(hh - H) // 2 + H, (ww - W) // 2:(ww - W) // 2 + W]


def setup_inputs(seed: int = 0) -> dict:
    key = jax.random.key(seed)
    images = jax.random.uniform(key, (32, 512, 512, 3), dtype=jnp.float32) * 255.0
    return {'images': images}


def reference(images):
    B, H, W, C = images.shape
    rng = np.random.default_rng(0)
    outs = []
    for b in range(B):
        grid = _make_grid_mask(rng, H, W, RATIO).astype(jnp.float32)
        angle = float(rng.uniform(-ROT_FACTOR * 2.0 * np.pi, ROT_FACTOR * 2.0 * np.pi))
        grid = _rotate(grid, angle)
        m = _crop(grid, H, W).astype(images.dtype)
        outs.append(images[b] * m[:, :, None])
    return jnp.stack(outs, axis=0)

if __name__ == "__main__":
    import jax
    _d = setup_inputs()
    print(jax.jit(kernel)(*tuple(_d.values())))

</pallas_src>

<mosaic_0001>
#map = affine_map<(d0, d1) -> (0, 0, 0, 0)>
#map1 = affine_map<(d0, d1) -> (0, 0, 0)>
module attributes {stable_mosaic.version = 14 : i64} {
  func.func @_sc_kernel_fn(%arg0: i32, %arg1: i32, %arg2: memref<32x3x512x512xf32, #tpu.memory_space<hbm>>, %arg3: memref<32x8x16xf32, #tpu.memory_space<hbm>>, %arg4: memref<32x3x512x512xf32, #tpu.memory_space<hbm>>, %arg5: memref<8x16xf32, #tpu.memory_space<vmem>>, %arg6: memref<2x3x8x512xf32, #tpu.memory_space<vmem>>, %arg7: memref<2x3x8x512xf32, #tpu.memory_space<vmem>>, %arg8: memref<!tpu.dma_semaphore, #tpu.memory_space<semaphore_mem>>, %arg9: memref<!tpu.dma_semaphore, #tpu.memory_space<semaphore_mem>>, %arg10: memref<!tpu.dma_semaphore, #tpu.memory_space<semaphore_mem>>, %arg11: memref<!tpu.dma_semaphore, #tpu.memory_space<semaphore_mem>>) attributes {dimension_semantics = [#tpu.dimension_semantics<core_parallel>, #tpu.dimension_semantics<subcore_parallel>], iteration_bounds = array<i64: 2, 16>, scalar_prefetch = 0 : i64, scratch_operands = 7 : i64, tpu.core_type = #tpu.core_type<sc_vector_subcore>, window_params = [{transform_indices = #map}, {transform_indices = #map1}, {transform_indices = #map}]} {
    %mul3A = arith.constant 2 : i32
    %mul3A_0 = arith.muli %arg1, %mul3A : i32
    %add3A = arith.addi %mul3A_0, %arg0 : i32
    %iota3A = tpu.iota {dimensions = array<i32: 0>} : vector<16xi32>
    %convert_element_type3A = arith.sitofp %iota3A : vector<16xi32> to vector<16xf32>
    %lt3A = arith.constant 32 : i32
    %lt3A_1 = arith.cmpi slt, %add3A, %lt3A : i32
    %convert_element_type3A_2 = arith.extui %lt3A_1 : i1 to i32
    %cond3A = arith.constant 0 : i32
    %cond3A_3 = arith.cmpi ne, %convert_element_type3A_2, %cond3A : i32
    scf.if %cond3A_3 {
      "tpu.region"() ({
        %run_scoped3A = tpu.sem_alloc : memref<!tpu.dma_semaphore, #tpu.memory_space<semaphore_mem>>
        %dma_start3A_275 = arith.constant 0 : i32
        %dma_start3A_276 = arith.constant 0 : i32
        %dma_start3A_277 = tpu.memref_slice %arg3[%add3A, %dma_start3A_275, %dma_start3A_276] : memref<32x8x16xf32, #tpu.memory_space<hbm>> -> memref<1x8x16xf32, #tpu.memory_space<hbm>>
        %dma_start3A_278 = tpu.memref_squeeze %dma_start3A_277 : memref<1x8x16xf32, #tpu.memory_space<hbm>> -> memref<8x16xf32, #tpu.memory_space<hbm>>
        %dma_start3A_279 = arith.constant 0 : i32
        %dma_start3A_280 = arith.constant 0 : i32
        %dma_start3A_281 = tpu.memref_slice %arg3[%add3A, %dma_start3A_279, %dma_start3A_280] : memref<32x8x16xf32, #tpu.memory_space<hbm>> -> memref<1x8x16xf32, #tpu.memory_space<hbm>>
        %dma_start3A_282 = tpu.memref_squeeze %dma_start3A_281 : memref<1x8x16xf32, #tpu.memory_space<hbm>> -> memref<8x16xf32, #tpu.memory_space<hbm>>
        tpu.enqueue_dma source(%dma_start3A_282 : memref<8x16xf32, #tpu.memory_space<hbm>>) target(%arg5 : memref<8x16xf32, #tpu.memory_space<vmem>>) target_semaphore(%run_scoped3A : memref<!tpu.dma_semaphore, #tpu.memory_space<semaphore_mem>>)
        %dma_wait3A_283 = arith.constant 0 : i32
        %dma_wait3A_284 = arith.constant 0 : i32
        %dma_wait3A_285 = tpu.memref_slice %arg3[%add3A, %dma_wait3A_283, %dma_wait3A_284] : memref<32x8x16xf32, #tpu.memory_space<hbm>> -> memref<1x8x16xf32, #tpu.memory_space<hbm>>
        %dma_wait3A_286 = tpu.memref_squeeze %dma_wait3A_285 : memref<1x8x16xf32, #tpu.memory_space<hbm>> -> memref<8x16xf32, #tpu.memory_space<hbm>>
        %dma_wait3A_287 = arith.constant 0 : i32
        %dma_wait3A_288 = arith.constant 0 : i32
        %dma_wait3A_289 = tpu.memref_slice %arg3[%add3A, %dma_wait3A_287, %dma_wait3A_288] : memref<32x8x16xf32, #tpu.memory_space<hbm>> -> memref<1x8x16xf32, #tpu.memory_space<hbm>>
        %dma_wait3A_290 = tpu.memref_squeeze %dma_wait3A_289 : memref<1x8x16xf32, #tpu.memory_space<hbm>> -> memref<8x16xf32, #tpu.memory_space<hbm>>
        tpu.wait_dma2 semaphore(%run_scoped3A : memref<!tpu.dma_semaphore, #tpu.memory_space<semaphore_mem>>) src(%dma_wait3A_290 : memref<8x16xf32, #tpu.memory_space<hbm>>) dst(%arg5 : memref<8x16xf32, #tpu.memory_space<vmem>>)
        tpu.yield
      }) : () -> ()
      %get3A = arith.constant 0 : i32
      %get3A_4 = arith.index_cast %get3A : i32 to index
      %get3A_5 = arith.constant 0 : index
      %get3A_6 = tpu.vector_load %arg5[%get3A_4, %get3A_5] {strides = array<i32>} : memref<8x16xf32, #tpu.memory_space<vmem>>, vector<1x16xf32>,
      %get3A_7 = vector.shape_cast %get3A_6 : vector<1x16xf32> to vector<16xf32>
      %get3A_8 = arith.constant 1 : i32
      %get3A_9 = arith.index_cast %get3A_8 : i32 to index
      %get3A_10 = arith.constant 0 : index
      %get3A_11 = tpu.vector_load %arg5[%get3A_9, %get3A_10] {strides = array<i32>} : memref<8x16xf32, #tpu.memory_space<vmem>>, vector<1x16xf32>,
      %get3A_12 = vector.shape_cast %get3A_11 : vector<1x16xf32> to vector<16xf32>
      %get3A_13 = arith.constant 2 : i32
      %get3A_14 = arith.index_cast %get3A_13 : i32 to index
      %get3A_15 = arith.constant 0 : index
      %get3A_16 = tpu.vector_load %arg5[%get3A_14, %get3A_15] {strides = array<i32>} : memref<8x16xf32, #tpu.memory_space<vmem>>, vector<1x16xf32>,
      %get3A_17 = vector.shape_cast %get3A_16 : vector<1x16xf32> to vector<16xf32>
      %get3A_18 = arith.constant 3 : i32
      %get3A_19 = arith.index_cast %get3A_18 : i32 to index
      %get3A_20 = arith.constant 0 : index
      %get3A_21 = tpu.vector_load %arg5[%get3A_19, %get3A_20] {strides = array<i32>} : memref<8x16xf32, #tpu.memory_space<vmem>>, vector<1x16xf32>,
      %get3A_22 = vector.shape_cast %get3A_21 : vector<1x16xf32> to vector<16xf32>
      %get3A_23 = arith.constant 4 : i32
      %get3A_24 = arith.index_cast %get3A_23 : i32 to index
      %get3A_25 = arith.constant 0 : index
      %get3A_26 = tpu.vector_load %arg5[%get3A_24, %get3A_25] {strides = array<i32>} : memref<8x16xf32, #tpu.memory_space<vmem>>, vector<1x16xf32>,
      %get3A_27 = vector.shape_cast %get3A_26 : vector<1x16xf32> to vector<16xf32>
      %get3A_28 = arith.constant 5 : i32
      %get3A_29 = arith.index_cast %get3A_28 : i32 to index
      %get3A_30 = arith.constant 0 : index
      %get3A_31 = tpu.vector_load %arg5[%get3A_29, %get3A_30] {strides = array<i32>} : memref<8x16xf32, #tpu.memory_space<vmem>>, vector<1x16xf32>,
      %get3A_32 = vector.shape_cast %get3A_31 : vector<1x16xf32> to vector<16xf32>
      %get3A_33 = arith.constant 6 : i32
      %get3A_34 = arith.index_cast %get3A_33 : i32 to index
      %get3A_35 = arith.constant 0 : index
      %get3A_36 = tpu.vector_load %arg5[%get3A_34, %get3A_35] {strides = array<i32>} : memref<8x16xf32, #tpu.memory_space<vmem>>, vector<1x16xf32>,
      %get3A_37 = vector.shape_cast %get3A_36 : vector<1x16xf32> to vector<16xf32>
      %get3A_38 = arith.constant 7 : i32
      %get3A_39 = arith.index_cast %get3A_38 : i32 to index
      %get3A_40 = arith.constant 0 : index
      %get3A_41 = tpu.vector_load %arg5[%get3A_39, %get3A_40] {strides = array<i32>} : memref<8x16xf32, #tpu.memory_space<vmem>>, vector<1x16xf32>,
      %get3A_42 = vector.shape_cast %get3A_41 : vector<1x16xf32> to vector<16xf32>
      %dma_start3A = arith.constant 0 : i32
      %dma_start3A_43 = arith.constant 0 : i32
      %dma_start3A_44 = arith.constant 0 : i32
      %dma_start3A_45 = arith.constant 0 : i32
      %dma_start3A_46 = arith.constant 0 : i32
      %dma_start3A_47 = tpu.memref_slice %arg6[%dma_start3A_43, %dma_start3A_44, %dma_start3A_45, %dma_start3A_46] : memref<2x3x8x512xf32, #tpu.memory_space<vmem>> -> memref<1x1x8x512xf32, #tpu.memory_space<vmem>>
      %dma_start3A_48 = tpu.memref_squeeze %dma_start3A_47 : memref<1x1x8x512xf32, #tpu.memory_space<vmem>> -> memref<8x512xf32, #tpu.memory_space<vmem>>
      %dma_start3A_49 = arith.constant 0 : i32
      %dma_start3A_50 = arith.constant 0 : i32
      %dma_start3A_51 = tpu.memref_slice %arg2[%add3A, %dma_start3A, %dma_start3A_49, %dma_start3A_50] : memref<32x3x512x512xf32, #tpu.memory_space<hbm>> -> memref<1x1x8x512xf32, #tpu.memory_space<hbm>>
      %dma_start3A_52 = tpu.memref_squeeze %dma_start3A_51 : memref<1x1x8x512xf32, #tpu.memory_space<hbm>> -> memref<8x512xf32, #tpu.memory_space<hbm>>
      %dma_start3A_53 = arith.constant 0 : i32
      %dma_start3A_54 = arith.constant 0 : i32
      %dma_start3A_55 = tpu.memref_slice %arg6[%dma_start3A_43, %dma_start3A_44, %dma_start3A_53, %dma_start3A_54] : memref<2x3x8x512xf32, #tpu.memory_space<vmem>> -> memref<1x1x8x512xf32, #tpu.memory_space<vmem>>
      %dma_start3A_56 = tpu.memref_squeeze %dma_start3A_55 : memref<1x1x8x512xf32, #tpu.memory_space<vmem>> -> memref<8x512xf32, #tpu.memory_space<vmem>>
      %dma_start3A_57 = arith.constant 0 : i32
      %dma_start3A_58 = arith.constant 0 : i32
      %dma_start3A_59 = tpu.memref_slice %arg2[%add3A, %dma_start3A, %dma_start3A_57, %dma_start3A_58] : memref<32x3x512x512xf32, #tpu.memory_space<hbm>> -> memref<1x1x8x512xf32, #tpu.memory_space<hbm>>
      %dma_start3A_60 = tpu.memref_squeeze %dma_start3A_59 : memref<1x1x8x512xf32, #tpu.memory_space<hbm>> -> memref<8x512xf32, #tpu.memory_space<hbm>>
      tpu.enqueue_dma source(%dma_start3A_60 : memref<8x512xf32, #tpu.memory_space<hbm>>) target(%dma_start3A_56 : memref<8x512xf32, #tpu.memory_space<vmem>>) target_semaphore(%arg8 : memref<!tpu.dma_semaphore, #tpu.memory_space<semaphore_mem>>)
      %dma_start3A_61 = arith.constant 1 : i32
      %dma_start3A_62 = arith.constant 0 : i32
      %dma_start3A_63 = arith.constant 1 : i32
      %dma_start3A_64 = arith.constant 0 : i32
      %dma_start3A_65 = arith.constant 0 : i32
      %dma_start3A_66 = tpu.memref_slice %arg6[%dma_start3A_62, %dma_start3A_63, %dma_start3A_64, %dma_start3A_65] : memref<2x3x8x512xf32, #tpu.memory_space<vmem>> -> memref<1x1x8x512xf32, #tpu.memory_space<vmem>>
      %dma_start3A_67 = tpu.memref_squeeze %dma_start3A_66 : memref<1x1x8x512xf32, #tpu.memory_space<vmem>> -> memref<8x512xf32, #tpu.memory_space<vmem>>
      %dma_start3A_68 = arith.constant 0 : i32
      %dma_start3A_69 = arith.constant 0 : i32
      %dma_start3A_70 = tpu.memref_slice %arg2[%add3A, %dma_start3A_61, %dma_start3A_68, %dma_start3A_69] : memref<32x3x512x512xf32, #tpu.memory_space<hbm>> -> memref<1x1x8x512xf32, #tpu.memory_space<hbm>>
      %dma_start3A_71 = tpu.memref_squeeze %dma_start3A_70 : memref<1x1x8x512xf32, #tpu.memory_space<hbm>> -> memref<8x512xf32, #tpu.memory_space<hbm>>
      %dma_start3A_72 = arith.constant 0 : i32
      %dma_start3A_73 = arith.constant 0 : i32
      %dma_start3A_74 = tpu.memref_slice %arg6[%dma_start3A_62, %dma_start3A_63, %dma_start3A_72, %dma_start3A_73] : memref<2x3x8x512xf32, #tpu.memory_space<vmem>> -> memref<1x1x8x512xf32, #tpu.memory_space<vmem>>
      %dma_start3A_75 = tpu.memref_squeeze %dma_start3A_74 : memref<1x1x8x512xf32, #tpu.memory_space<vmem>> -> memref<8x512xf32, #tpu.memory_space<vmem>>
      %dma_start3A_76 = arith.constant 0 : i32
      %dma_start3A_77 = arith.constant 0 : i32
      %dma_start3A_78 = tpu.memref_slice %arg2[%add3A, %dma_start3A_61, %dma_start3A_76, %dma_start3A_77] : memref<32x3x512x512xf32, #tpu.memory_space<hbm>> -> memref<1x1x8x512xf32, #tpu.memory_space<hbm>>
      %dma_start3A_79 = tpu.memref_squeeze %dma_start3A_78 : memref<1x1x8x512xf32, #tpu.memory_space<hbm>> -> memref<8x512xf32, #tpu.memory_space<hbm>>
      tpu.enqueue_dma source(%dma_start3A_79 : memref<8x512xf32, #tpu.memory_space<hbm>>) target(%dma_start3A_75 : memref<8x512xf32, #tpu.memory_space<vmem>>) target_semaphore(%arg8 : memref<!tpu.dma_semaphore, #tpu.memory_space<semaphore_mem>>)
      %dma_start3A_80 = arith.constant 2 : i32
      %dma_start3A_81 = arith.constant 0 : i32
      %dma_start3A_82 = arith.constant 2 : i32
      %dma_start3A_83 = arith.constant 0 : i32
      %dma_start3A_84 = arith.constant 0 : i32
      %dma_start3A_85 = tpu.memref_slice %arg6[%dma_start3A_81, %dma_start3A_82, %dma_start3A_83, %dma_start3A_84] : memref<2x3x8x512xf32, #tpu.memory_space<vmem>> -> memref<1x1x8x512xf32, #tpu.memory_space<vmem>>
      %dma_start3A_86 = tpu.memref_squeeze %dma_start3A_85 : memref<1x1x8x512xf32, #tpu.memory_space<vmem>> -> memref<8x512xf32, #tpu.memory_space<vmem>>
      %dma_start3A_87 = arith.constant 0 : i32
      %dma_start3A_88 = arith.constant 0 : i32
      %dma_start3A_89 = tpu.memref_slice %arg2[%add3A, %dma_start3A_80, %dma_start3A_87, %dma_start3A_88] : memref<32x3x512x512xf32, #tpu.memory_space<hbm>> -> memref<1x1x8x512xf32, #tpu.memory_space<hbm>>
      %dma_start3A_90 = tpu.memref_squeeze %dma_start3A_89 : memref<1x1x8x512xf32, #tpu.memory_space<hbm>> -> memref<8x512xf32, #tpu.memory_space<hbm>>
      %dma_start3A_91 = arith.constant 0 : i32
      %dma_start3A_92 = arith.constant 0 : i32
      %dma_start3A_93 = tpu.memref_slice %arg6[%dma_start3A_81, %dma_start3A_82, %dma_start3A_91, %dma_start3A_92] : memref<2x3x8x512xf32, #tpu.memory_space<vmem>> -> memref<1x1x8x512xf32, #tpu.memory_space<vmem>>
      %dma_start3A_94 = tpu.memref_squeeze %dma_start3A_93 : memref<1x1x8x512xf32, #tpu.memory_space<vmem>> -> memref<8x512xf32, #tpu.memory_space<vmem>>
      %dma_start3A_95 = arith.constant 0 : i32
      %dma_start3A_96 = arith.constant 0 : i32
      %dma_start3A_97 = tpu.memref_slice %arg2[%add3A, %dma_start3A_80, %dma_start3A_95, %dma_start3A_96] : memref<32x3x512x512xf32, #tpu.memory_space<hbm>> -> memref<1x1x8x512xf32, #tpu.memory_space<hbm>>
      %dma_start3A_98 = tpu.memref_squeeze %dma_start3A_97 : memref<1x1x8x512xf32, #tpu.memory_space<hbm>> -> memref<8x512xf32, #tpu.memory_space<hbm>>
      tpu.enqueue_dma source(%dma_start3A_98 : memref<8x512xf32, #tpu.memory_space<hbm>>) target(%dma_start3A_94 : memref<8x512xf32, #tpu.memory_space<vmem>>) target_semaphore(%arg8 : memref<!tpu.dma_semaphore, #tpu.memory_space<semaphore_mem>>)
      %dma_start3A_99 = arith.constant 0 : i32
      %dma_start3A_100 = arith.constant 1 : i32
      %dma_start3A_101 = arith.constant 0 : i32
      %dma_start3A_102 = arith.constant 0 : i32
      %dma_start3A_103 = arith.constant 0 : i32
      %dma_start3A_104 = tpu.memref_slice %arg6[%dma_start3A_100, %dma_start3A_101, %dma_start3A_102, %dma_start3A_103] : memref<2x3x8x512xf32, #tpu.memory_space<vmem>> -> memref<1x1x8x512xf32, #tpu.memory_space<vmem>>
      %dma_start3A_105 = tpu.memref_squeeze %dma_start3A_104 : memref<1x1x8x512xf32, #tpu.memory_space<vmem>> -> memref<8x512xf32, #tpu.memory_space<vmem>>
      %dma_start3A_106 = arith.constant 8 : i32
      %dma_start3A_107 = arith.constant 0 : i32
      %dma_start3A_108 = tpu.memref_slice %arg2[%add3A, %dma_start3A_99, %dma_start3A_106, %dma_start3A_107] : memref<32x3x512x512xf32, #tpu.memory_space<hbm>> -> memref<1x1x8x512xf32, #tpu.memory_space<hbm>>
      %dma_start3A_109 = tpu.memref_squeeze %dma_start3A_108 : memref<1x1x8x512xf32, #tpu.memory_space<hbm>> -> memref<8x512xf32, #tpu.memory_space<hbm>>
      %dma_start3A_110 = arith.constant 0 : i32
      %dma_start3A_111 = arith.constant 0 : i32
      %dma_start3A_112 = tpu.memref_slice %arg6[%dma_start3A_100, %dma_start3A_101, %dma_start3A_110, %dma_start3A_111] : memref<2x3x8x512xf32, #tpu.memory_space<vmem>> -> memref<1x1x8x512xf32, #tpu.memory_space<vmem>>
      %dma_start3A_113 = tpu.memref_squeeze %dma_start3A_112 : memref<1x1x8x512xf32, #tpu.memory_space<vmem>> -> memref<8x512xf32, #tpu.memory_space<vmem>>
      %dma_start3A_114 = arith.constant 8 : i32
      %dma_start3A_115 = arith.constant 0 : i32
      %dma_start3A_116 = tpu.memref_slice %arg2[%add3A, %dma_start3A_99, %dma_start3A_114, %dma_start3A_115] : memref<32x3x512x512xf32, #tpu.memory_space<hbm>> -> memref<1x1x8x512xf32, #tpu.memory_space<hbm>>
      %dma_start3A_117 = tpu.memref_squeeze %dma_start3A_116 : memref<1x1x8x512xf32, #tpu.memory_space<hbm>> -> memref<8x512xf32, #tpu.memory_space<hbm>>
      tpu.enqueue_dma source(%dma_start3A_117 : memref<8x512xf32, #tpu.memory_space<hbm>>) target(%dma_start3A_113 : memref<8x512xf32, #tpu.memory_space<vmem>>) target_semaphore(%arg9 : memref<!tpu.dma_semaphore, #tpu.memory_space<semaphore_mem>>)
      %dma_start3A_118 = arith.constant 1 : i32
      %dma_start3A_119 = arith.constant 1 : i32
      %dma_start3A_120 = arith.constant 1 : i32
      %dma_start3A_121 = arith.constant 0 : i32
      %dma_start3A_122 = arith.constant 0 : i32
      %dma_start3A_123 = tpu.memref_slice %arg6[%dma_start3A_119, %dma_start3A_120, %dma_start3A_121, %dma_start3A_122] : memref<2x3x8x512xf32, #tpu.memory_space<vmem>> -> memref<1x1x8x512xf32, #tpu.memory_space<vmem>>
      %dma_start3A_124 = tpu.memref_squeeze %dma_start3A_123 : memref<1x1x8x512xf32, #tpu.memory_space<vmem>> -> memref<8x512xf32, #tpu.memory_space<vmem>>
      %dma_start3A_125 = arith.constant 8 : i32
      %dma_start3A_126 = arith.constant 0 : i32
      %dma_start3A_127 = tpu.memref_slice %arg2[%add3A, %dma_start3A_118, %dma_start3A_125, %dma_start3A_126] : memref<32x3x512x512xf32, #tpu.memory_space<hbm>> -> memref<1x1x8x512xf32, #tpu.memory_space<hbm>>
      %dma_start3A_128 = tpu.memref_squeeze %dma_start3A_127 : memref<1x1x8x512xf32, #tpu.memory_space<hbm>> -> memref<8x512xf32, #tpu.memory_space<hbm>>
      %dma_start3A_129 = arith.constant 0 : i32
      %dma_start3A_130 = arith.constant 0 : i32
      %dma_start3A_131 = tpu.memref_slice %arg6[%dma_start3A_119, %dma_start3A_120, %dma_start3A_129, %dma_start3A_130] : memref<2x3x8x512xf32, #tpu.memory_space<vmem>> -> memref<1x1x8x512xf32, #tpu.memory_space<vmem>>
      %dma_start3A_132 = tpu.memref_squeeze %dma_start3A_131 : memref<1x1x8x512xf32, #tpu.memory_space<vmem>> -> memref<8x512xf32, #tpu.memory_space<vmem>>
      %dma_start3A_133 = arith.constant 8 : i32
      %dma_start3A_134 = arith.constant 0 : i32
      %dma_start3A_135 = tpu.memref_slice %arg2[%add3A, %dma_start3A_118, %dma_start3A_133, %dma_start3A_134] : memref<32x3x512x512xf32, #tpu.memory_space<hbm>> -> memref<1x1x8x512xf32, #tpu.memory_space<hbm>>
      %dma_start3A_136 = tpu.memref_squeeze %dma_start3A_135 : memref<1x1x8x512xf32, #tpu.memory_space<hbm>> -> memref<8x512xf32, #tpu.memory_space<hbm>>
      tpu.enqueue_dma source(%dma_start3A_136 : memref<8x512xf32, #tpu.memory_space<hbm>>) target(%dma_start3A_132 : memref<8x512xf32, #tpu.memory_space<vmem>>) target_semaphore(%arg9 : memref<!tpu.dma_semaphore, #tpu.memory_space<semaphore_mem>>)
      %dma_start3A_137 = arith.constant 2 : i32
      %dma_start3A_138 = arith.constant 1 : i32
      %dma_start3A_139 = arith.constant 2 : i32
      %dma_start3A_140 = arith.constant 0 : i32
      %dma_start3A_141 = arith.constant 0 : i32
      %dma_start3A_142 = tpu.memref_slice %arg6[%dma_start3A_138, %dma_start3A_139, %dma_start3A_140, %dma_start3A_141] : memref<2x3x8x512xf32, #tpu.memory_space<vmem>> -> memref<1x1x8x512xf32, #tpu.memory_space<vmem>>
      %dma_start3A_143 = tpu.memref_squeeze %dma_start3A_142 : memref<1x1x8x512xf32, #tpu.memory_space<vmem>> -> memref<8x512xf32, #tpu.memory_space<vmem>>
      %dma_start3A_144 = arith.constant 8 : i32
      %dma_start3A_145 = arith.constant 0 : i32
      %dma_start3A_146 = tpu.memref_slice %arg2[%add3A, %dma_start3A_137, %dma_start3A_144, %dma_start3A_145] : memref<32x3x512x512xf32, #tpu.memory_space<hbm>> -> memref<1x1x8x512xf32, #tpu.memory_space<hbm>>
      %dma_start3A_147 = tpu.memref_squeeze %dma_start3A_146 : memref<1x1x8x512xf32, #tpu.memory_space<hbm>> -> memref<8x512xf32, #tpu.memory_space<hbm>>
      %dma_start3A_148 = arith.constant 0 : i32
      %dma_start3A_149 = arith.constant 0 : i32
      %dma_start3A_150 = tpu.memref_slice %arg6[%dma_start3A_138, %dma_start3A_139, %dma_start3A_148, %dma_start3A_149] : memref<2x3x8x512xf32, #tpu.memory_space<vmem>> -> memref<1x1x8x512xf32, #tpu.memory_space<vmem>>
      %dma_start3A_151 = tpu.memref_squeeze %dma_start3A_150 : memref<1x1x8x512xf32, #tpu.memory_space<vmem>> -> memref<8x512xf32, #tpu.memory_space<vmem>>
      %dma_start3A_152 = arith.constant 8 : i32
      %dma_start3A_153 = arith.constant 0 : i32
      %dma_start3A_154 = tpu.memref_slice %arg2[%add3A, %dma_start3A_137, %dma_start3A_152, %dma_start3A_153] : memref<32x3x512x512xf32, #tpu.memory_space<hbm>> -> memref<1x1x8x512xf32, #tpu.memory_space<hbm>>
      %dma_start3A_155 = tpu.memref_squeeze %dma_start3A_154 : memref<1x1x8x512xf32, #tpu.memory_space<hbm>> -> memref<8x512xf32, #tpu.memory_space<hbm>>
      tpu.enqueue_dma source(%dma_start3A_155 : memref<8x512xf32, #tpu.memory_space<hbm>>) target(%dma_start3A_151 : memref<8x512xf32, #tpu.memory_space<vmem>>) target_semaphore(%arg9 : memref<!tpu.dma_semaphore, #tpu.memory_space<semaphore_mem>>)
      %scan3A = arith.constant 0 : i32
      %scan3A_156 = arith.constant 0 : i32
      %scan3A_157 = arith.constant 32 : i32
      %scan3A_158 = arith.addi %scan3A_156, %scan3A_157 : i32
      %scan3A_159 = arith.constant 1 : i32
      %scan3A_160 = scf.for %scan3A_275 = %scan3A_156 to %scan3A_158 step %scan3A_159 iter_args(%scan3A_276 = %scan3A) -> (i32)  : i32 {
        %mul3A_277 = arith.constant 2 : i32
        %mul3A_278 = arith.muli %scan3A_275, %mul3A_277 : i32
        %add3A_279 = arith.constant 0 : i32
        %add3A_280 = arith.addi %mul3A_278, %add3A_279 : i32
        %mul3A_281 = arith.constant 8 : i32
        %mul3A_282 = arith.muli %add3A_280, %mul3A_281 : i32
        %dma_wait3A_283 = arith.constant 0 : i32
        %dma_wait3A_284 = arith.constant 0 : i32
        %dma_wait3A_285 = arith.constant 0 : i32
        %dma_wait3A_286 = arith.constant 0 : i32
        %dma_wait3A_287 = arith.constant 0 : i32
        %dma_wait3A_288 = tpu.memref_slice %arg6[%dma_wait3A_284, %dma_wait3A_285, %dma_wait3A_286, %dma_wait3A_287] : memref<2x3x8x512xf32, #tpu.memory_space<vmem>> -> memref<1x1x8x512xf32, #tpu.memory_space<vmem>>
        %dma_wait3A_289 = tpu.memref_squeeze %dma_wait3A_288 : memref<1x1x8x512xf32, #tpu.memory_space<vmem>> -> memref<8x512xf32, #tpu.memory_space<vmem>>
        %dma_wait3A_290 = arith.constant 0 : i32
        %dma_wait3A_291 = tpu.memref_slice %arg2[%add3A, %dma_wait3A_283, %mul3A_282, %dma_wait3A_290] : memref<32x3x512x512xf32, #tpu.memory_space<hbm>> -> memref<1x1x8x512xf32, #tpu.memory_space<hbm>>
        %dma_wait3A_292 = tpu.memref_squeeze %dma_wait3A_291 : memref<1x1x8x512xf32, #tpu.memory_space<hbm>> -> memref<8x512xf32, #tpu.memory_space<hbm>>
        %dma_wait3A_293 = arith.constant 0 : i32
        %dma_wait3A_294 = arith.constant 0 : i32
        %dma_wait3A_295 = tpu.memref_slice %arg6[%dma_wait3A_284, %dma_wait3A_285, %dma_wait3A_293, %dma_wait3A_294] : memref<2x3x8x512xf32, #tpu.memory_space<vmem>> -> memref<1x1x8x512xf32, #tpu.memory_space<vmem>>
        %dma_wait3A_296 = tpu.memref_squeeze %dma_wait3A_295 : memref<1x1x8x512xf32, #tpu.memory_space<vmem>> -> memref<8x512xf32, #tpu.memory_space<vmem>>
        %dma_wait3A_297 = arith.constant 0 : i32
        %dma_wait3A_298 = tpu.memref_slice %arg2[%add3A, %dma_wait3A_283, %mul3A_282, %dma_wait3A_297] : memref<32x3x512x512xf32, #tpu.memory_space<hbm>> -> memref<1x1x8x512xf32, #tpu.memory_space<hbm>>
        %dma_wait3A_299 = tpu.memref_squeeze %dma_wait3A_298 : memref<1x1x8x512xf32, #tpu.memory_space<hbm>> -> memref<8x512xf32, #tpu.memory_space<hbm>>
        tpu.wait_dma2 semaphore(%arg8 : memref<!tpu.dma_semaphore, #tpu.memory_space<semaphore_mem>>) src(%dma_wait3A_299 : memref<8x512xf32, #tpu.memory_space<hbm>>) dst(%dma_wait3A_296 : memref<8x512xf32, #tpu.memory_space<vmem>>)
        %dma_wait3A_300 = arith.constant 1 : i32
        %dma_wait3A_301 = arith.constant 0 : i32
        %dma_wait3A_302 = arith.constant 1 : i32
        %dma_wait3A_303 = arith.constant 0 : i32
        %dma_wait3A_304 = arith.constant 0 : i32
        %dma_wait3A_305 = tpu.memref_slice %arg6[%dma_wait3A_301, %dma_wait3A_302, %dma_wait3A_303, %dma_wait3A_304] : memref<2x3x8x512xf32, #tpu.memory_space<vmem>> -> memref<1x1x8x512xf32, #tpu.memory_space<vmem>>
        %dma_wait3A_306 = tpu.memref_squeeze %dma_wait3A_305 : memref<1x1x8x512xf32, #tpu.memory_space<vmem>> -> memref<8x512xf32, #tpu.memory_space<vmem>>
        %dma_wait3A_307 = arith.constant 0 : i32
        %dma_wait3A_308 = tpu.memref_slice %arg2[%add3A, %dma_wait3A_300, %mul3A_282, %dma_wait3A_307] : memref<32x3x512x512xf32, #tpu.memory_space<hbm>> -> memref<1x1x8x512xf32, #tpu.memory_space<hbm>>
        %dma_wait3A_309 = tpu.memref_squeeze %dma_wait3A_308 : memref<1x1x8x512xf32, #tpu.memory_space<hbm>> -> memref<8x512xf32, #tpu.memory_space<hbm>>
        %dma_wait3A_310 = arith.constant 0 : i32
        %dma_wait3A_311 = arith.constant 0 : i32
        %dma_wait3A_312 = tpu.memref_slice %arg6[%dma_wait3A_301, %dma_wait3A_302, %dma_wait3A_310, %dma_wait3A_311] : memref<2x3x8x512xf32, #tpu.memory_space<vmem>> -> memref<1x1x8x512xf32, #tpu.memory_space<vmem>>
        %dma_wait3A_313 = tpu.memref_squeeze %dma_wait3A_312 : memref<1x1x8x512xf32, #tpu.memory_space<vmem>> -> memref<8x512xf32, #tpu.memory_space<vmem>>
        %dma_wait3A_314 = arith.constant 0 : i32
        %dma_wait3A_315 = tpu.memref_slice %arg2[%add3A, %dma_wait3A_300, %mul3A_282, %dma_wait3A_314] : memref<32x3x512x512xf32, #tpu.memory_space<hbm>> -> memref<1x1x8x512xf32, #tpu.memory_space<hbm>>
        %dma_wait3A_316 = tpu.memref_squeeze %dma_wait3A_315 : memref<1x1x8x512xf32, #tpu.memory_space<hbm>> -> memref<8x512xf32, #tpu.memory_space<hbm>>
        tpu.wait_dma2 semaphore(%arg8 : memref<!tpu.dma_semaphore, #tpu.memory_space<semaphore_mem>>) src(%dma_wait3A_316 : memref<8x512xf32, #tpu.memory_space<hbm>>) dst(%dma_wait3A_313 : memref<8x512xf32, #tpu.memory_space<vmem>>)
        %dma_wait3A_317 = arith.constant 2 : i32
        %dma_wait3A_318 = arith.constant 0 : i32
        %dma_wait3A_319 = arith.constant 2 : i32
        %dma_wait3A_320 = arith.constant 0 : i32
        %dma_wait3A_321 = arith.constant 0 : i32
        %dma_wait3A_322 = tpu.memref_slice %arg6[%dma_wait3A_318, %dma_wait3A_319, %dma_wait3A_320, %dma_wait3A_321] : memref<2x3x8x512xf32, #tpu.memory_space<vmem>> -> memref<1x1x8x512xf32, #tpu.memory_space<vmem>>
        %dma_wait3A_323 = tpu.memref_squeeze %dma_wait3A_322 : memref<1x1x8x512xf32, #tpu.memory_space<vmem>> -> memref<8x512xf32, #tpu.memory_space<vmem>>
        %dma_wait3A_324 = arith.constant 0 : i32
        %dma_wait3A_325 = tpu.memref_slice %arg2[%add3A, %dma_wait3A_317, %mul3A_282, %dma_wait3A_324] : memref<32x3x512x512xf32, #tpu.memory_space<hbm>> -> memref<1x1x8x512xf32, #tpu.memory_space<hbm>>
        %dma_wait3A_326 = tpu.memref_squeeze %dma_wait3A_325 : memref<1x1x8x512xf32, #tpu.memory_space<hbm>> -> memref<8x512xf32, #tpu.memory_space<hbm>>
        %dma_wait3A_327 = arith.constant 0 : i32
        %dma_wait3A_328 = arith.constant 0 : i32
        %dma_wait3A_329 = tpu.memref_slice %arg6[%dma_wait3A_318, %dma_wait3A_319, %dma_wait3A_327, %dma_wait3A_328] : memref<2x3x8x512xf32, #tpu.memory_space<vmem>> -> memref<1x1x8x512xf32, #tpu.memory_space<vmem>>
        %dma_wait3A_330 = tpu.memref_squeeze %dma_wait3A_329 : memref<1x1x8x512xf32, #tpu.memory_space<vmem>> -> memref<8x512xf32, #tpu.memory_space<vmem>>
        %dma_wait3A_331 = arith.constant 0 : i32
        %dma_wait3A_332 = tpu.memref_slice %arg2[%add3A, %dma_wait3A_317, %mul3A_282, %dma_wait3A_331] : memref<32x3x512x512xf32, #tpu.memory_space<hbm>> -> memref<1x1x8x512xf32, #tpu.memory_space<hbm>>
        %dma_wait3A_333 = tpu.memref_squeeze %dma_wait3A_332 : memref<1x1x8x512xf32, #tpu.memory_space<hbm>> -> memref<8x512xf32, #tpu.memory_space<hbm>>
        tpu.wait_dma2 semaphore(%arg8 : memref<!tpu.dma_semaphore, #tpu.memory_space<semaphore_mem>>) src(%dma_wait3A_333 : memref<8x512xf32, #tpu.memory_space<hbm>>) dst(%dma_wait3A_330 : memref<8x512xf32, #tpu.memory_space<vmem>>)
        %ge3A = arith.constant 2 : i32
        %ge3A_334 = arith.cmpi sge, %add3A_280, %ge3A : i32
        %convert_element_type3A_335 = arith.extui %ge3A_334 : i1 to i32
        %cond3A_336 = arith.constant 0 : i32
        %cond3A_337 = arith.cmpi ne, %convert_element_type3A_335, %cond3A_336 : i32
        scf.if %cond3A_337 {
          %sub3A = arith.constant 2 : i32
          %sub3A_535 = arith.subi %add3A_280, %sub3A : i32
          %mul3A_536 = arith.constant 8 : i32
          %mul3A_537 = arith.muli %sub3A_535, %mul3A_536 : i32
          %dma_wait3A_538 = arith.constant 0 : i32
          %dma_wait3A_539 = arith.constant 0 : i32
          %dma_wait3A_540 = arith.constant 0 : i32
          %dma_wait3A_541 = arith.constant 0 : i32
          %dma_wait3A_542 = arith.constant 0 : i32
          %dma_wait3A_543 = tpu.memref_slice %arg7[%dma_wait3A_538, %dma_wait3A_539, %dma_wait3A_541, %dma_wait3A_542] : memref<2x3x8x512xf32, #tpu.memory_space<vmem>> -> memref<1x1x8x512xf32, #tpu.memory_space<vmem>>
          %dma_wait3A_544 = tpu.memref_squeeze %dma_wait3A_543 : memref<1x1x8x512xf32, #tpu.memory_space<vmem>> -> memref<8x512xf32, #tpu.memory_space<vmem>>
          %dma_wait3A_545 = arith.constant 0 : i32
          %dma_wait3A_546 = tpu.memref_slice %arg4[%add3A, %dma_wait3A_540, %mul3A_537, %dma_wait3A_545] : memref<32x3x512x512xf32, #tpu.memory_space<hbm>> -> memref<1x1x8x512xf32, #tpu.memory_space<hbm>>
          %dma_wait3A_547 = tpu.memref_squeeze %dma_wait3A_546 : memref<1x1x8x512xf32, #tpu.memory_space<hbm>> -> memref<8x512xf32, #tpu.memory_space<hbm>>
          %dma_wait3A_548 = arith.constant 0 : i32
          %dma_wait3A_549 = tpu.memref_slice %arg4[%add3A, %dma_wait3A_540, %mul3A_537, %dma_wait3A_548] : memref<32x3x512x512xf32, #tpu.memory_space<hbm>> -> memref<1x1x8x512xf32, #tpu.memory_space<hbm>>
          %dma_wait3A_550 = tpu.memref_squeeze %dma_wait3A_549 : memref<1x1x8x512xf32, #tpu.memory_space<hbm>> -> memref<8x512xf32, #tpu.memory_space<hbm>>
          %dma_wait3A_551 = arith.constant 0 : i32
          %dma_wait3A_552 = arith.constant 0 : i32
          %dma_wait3A_553 = tpu.memref_slice %arg7[%dma_wait3A_538, %dma_wait3A_539, %dma_wait3A_551, %dma_wait3A_552] : memref<2x3x8x512xf32, #tpu.memory_space<vmem>> -> memref<1x1x8x512xf32, #tpu.memory_space<vmem>>
          %dma_wait3A_554 = tpu.memref_squeeze %dma_wait3A_553 : memref<1x1x8x512xf32, #tpu.memory_space<vmem>> -> memref<8x512xf32, #tpu.memory_space<vmem>>
          tpu.wait_dma2 semaphore(%arg10 : memref<!tpu.dma_semaphore, #tpu.memory_space<semaphore_mem>>) src(%dma_wait3A_554 : memref<8x512xf32, #tpu.memory_space<vmem>>) dst(%dma_wait3A_550 : memref<8x512xf32, #tpu.memory_space<hbm>>)
          %dma_wait3A_555 = arith.constant 0 : i32
          %dma_wait3A_556 = arith.constant 1 : i32
          %dma_wait3A_557 = arith.constant 1 : i32
          %dma_wait3A_558 = arith.constant 0 : i32
          %dma_wait3A_559 = arith.constant 0 : i32
          %dma_wait3A_560 = tpu.memref_slice %arg7[%dma_wait3A_555, %dma_wait3A_556, %dma_wait3A_558, %dma_wait3A_559] : memref<2x3x8x512xf32, #tpu.memory_space<vmem>> -> memref<1x1x8x512xf32, #tpu.memory_space<vmem>>
          %dma_wait3A_561 = tpu.memref_squeeze %dma_wait3A_560 : memref<1x1x8x512xf32, #tpu.memory_space<vmem>> -> memref<8x512xf32, #tpu.memory_space<vmem>>
          %dma_wait3A_562 = arith.constant 0 : i32
          %dma_wait3A_563 = tpu.memref_slice %arg4[%add3A, %dma_wait3A_557, %mul3A_537, %dma_wait3A_562] : memref<32x3x512x512xf32, #tpu.memory_space<hbm>> -> memref<1x1x8x512xf32, #tpu.memory_space<hbm>>
          %dma_wait3A_564 = tpu.memref_squeeze %dma_wait3A_563 : memref<1x1x8x512xf32, #tpu.memory_space<hbm>> -> memref<8x512xf32, #tpu.memory_space<hbm>>
          %dma_wait3A_565 = arith.constant 0 : i32
          %dma_wait3A_566 = tpu.memref_slice %arg4[%add3A, %dma_wait3A_557, %mul3A_537, %dma_wait3A_565] : memref<32x3x512x512xf32, #tpu.memory_space<hbm>> -> memref<1x1x8x512xf32, #tpu.memory_space<hbm>>
          %dma_wait3A_567 = tpu.memref_squeeze %dma_wait3A_566 : memref<1x1x8x512xf32, #tpu.memory_space<hbm>> -> memref<8x512xf32, #tpu.memory_space<hbm>>
          %dma_wait3A_568 = arith.constant 0 : i32
          %dma_wait3A_569 = arith.constant 0 : i32
          %dma_wait3A_570 = tpu.memref_slice %arg7[%dma_wait3A_555, %dma_wait3A_556, %dma_wait3A_568, %dma_wait3A_569] : memref<2x3x8x512xf32, #tpu.memory_space<vmem>> -> memref<1x1x8x512xf32, #tpu.memory_space<vmem>>
          %dma_wait3A_571 = tpu.memref_squeeze %dma_wait3A_570 : memref<1x1x8x512xf32, #tpu.memory_space<vmem>> -> memref<8x512xf32, #tpu.memory_space<vmem>>
          tpu.wait_dma2 semaphore(%arg10 : memref<!tpu.dma_semaphore, #tpu.memory_space<semaphore_mem>>) src(%dma_wait3A_571 : memref<8x512xf32, #tpu.memory_space<vmem>>) dst(%dma_wait3A_567 : memref<8x512xf32, #tpu.memory_space<hbm>>)
          %dma_wait3A_572 = arith.constant 0 : i32
          %dma_wait3A_573 = arith.constant 2 : i32
          %dma_wait3A_574 = arith.constant 2 : i32
          %dma_wait3A_575 = arith.constant 0 : i32
          %dma_wait3A_576 = arith.constant 0 : i32
          %dma_wait3A_577 = tpu.memref_slice %arg7[%dma_wait3A_572, %dma_wait3A_573, %dma_wait3A_575, %dma_wait3A_576] : memref<2x3x8x512xf32, #tpu.memory_space<vmem>> -> memref<1x1x8x512xf32, #tpu.memory_space<vmem>>
          %dma_wait3A_578 = tpu.memref_squeeze %dma_wait3A_577 : memref<1x1x8x512xf32, #tpu.memory_space<vmem>> -> memref<8x512xf32, #tpu.memory_space<vmem>>
          %dma_wait3A_579 = arith.constant 0 : i32
          %dma_wait3A_580 = tpu.memref_slice %arg4[%add3A, %dma_wait3A_574, %mul3A_537, %dma_wait3A_579] : memref<32x3x512x512xf32, #tpu.memory_space<hbm>> -> memref<1x1x8x512xf32, #tpu.memory_space<hbm>>
          %dma_wait3A_581 = tpu.memref_squeeze %dma_wait3A_580 : memref<1x1x8x512xf32, #tpu.memory_space<hbm>> -> memref<8x512xf32, #tpu.memory_space<hbm>>
          %dma_wait3A_582 = arith.constant 0 : i32
          %dma_wait3A_583 = tpu.memref_slice %arg4[%add3A, %dma_wait3A_574, %mul3A_537, %dma_wait3A_582] : memref<32x3x512x512xf32, #tpu.memory_space<hbm>> -> memref<1x1x8x512xf32, #tpu.memory_space<hbm>>
          %dma_wait3A_584 = tpu.memref_squeeze %dma_wait3A_583 : memref<1x1x8x512xf32, #tpu.memory_space<hbm>> -> memref<8x512xf32, #tpu.memory_space<hbm>>
          %dma_wait3A_585 = arith.constant 0 : i32
          %dma_wait3A_586 = arith.constant 0 : i32
          %dma_wait3A_587 = tpu.memref_slice %arg7[%dma_wait3A_572, %dma_wait3A_573, %dma_wait3A_585, %dma_wait3A_586] : memref<2x3x8x512xf32, #tpu.memory_space<vmem>> -> memref<1x1x8x512xf32, #tpu.memory_space<vmem>>
          %dma_wait3A_588 = tpu.memref_squeeze %dma_wait3A_587 : memref<1x1x8x512xf32, #tpu.memory_space<vmem>> -> memref<8x512xf32, #tpu.memory_space<vmem>>
          tpu.wait_dma2 semaphore(%arg10 : memref<!tpu.dma_semaphore, #tpu.memory_space<semaphore_mem>>) src(%dma_wait3A_588 : memref<8x512xf32, #tpu.memory_space<vmem>>) dst(%dma_wait3A_584 : memref<8x512xf32, #tpu.memory_space<hbm>>)
        } else {
        }
        %scan3A_338 = arith.constant 0 : i32
        %scan3A_339 = arith.constant 0 : i32
        %scan3A_340 = arith.constant 8 : i32
        %scan3A_341 = arith.addi %scan3A_339, %scan3A_340 : i32
        %scan3A_342 = arith.constant 1 : i32
        %scan3A_343 = scf.for %scan3A_535 = %scan3A_339 to %scan3A_341 step %scan3A_342 iter_args(%scan3A_536 = %scan3A_338) -> (i32)  : i32 {
          %mul3A_537 = arith.constant 8 : i32
          %mul3A_538 = arith.muli %add3A_280, %mul3A_537 : i32
          %add3A_539 = arith.addi %mul3A_538, %scan3A_535 : i32
          %add3A_540 = arith.constant 256 : i32
          %add3A_541 = arith.addi %add3A_539, %add3A_540 : i32
          %convert_element_type3A_542 = arith.sitofp %add3A_541 : i32 to f32
          %sub3A = arith.constant 5.115000e+02 : f32
          %sub3A_543 = arith.subf %convert_element_type3A_542, %sub3A : f32
          %mul3A_544 = vector.broadcast %sub3A_543 : f32 to vector<16xf32>
          %mul3A_545 = arith.mulf %get3A_7, %mul3A_544 : vector<16xf32>
          %add3A_546 = arith.constant 5.115000e+02 : f32
          %add3A_547 = vector.broadcast %add3A_546 : f32 to vector<16xf32>
          %add3A_548 = arith.addf %mul3A_545, %add3A_547 : vector<16xf32>
          %neg3A = arith.constant 0.000000e+00 : f32
          %neg3A_549 = vector.broadcast %neg3A : f32 to vector<16xf32>
          %neg3A_550 = arith.subf %neg3A_549, %get3A_12 : vector<16xf32>
          %mul3A_551 = vector.broadcast %sub3A_543 : f32 to vector<16xf32>
          %mul3A_552 = arith.mulf %neg3A_550, %mul3A_551 : vector<16xf32>
          %add3A_553 = arith.constant 5.115000e+02 : f32
          %add3A_554 = vector.broadcast %add3A_553 : f32 to vector<16xf32>
          %add3A_555 = arith.addf %mul3A_552, %add3A_554 : vector<16xf32>
          %parallel_loop3A = arith.constant 0 : i32
          %parallel_loop3A_556 = arith.constant 32 : i32
          %parallel_loop3A_557 = arith.constant 1 : i32
          scf.for %parallel_loop3A_559 = %parallel_loop3A to %parallel_loop3A_556 step %parallel_loop3A_557  : i32 {
            %parallel_loop3A_560 = arith.constant 16 : i32
            %parallel_loop3A_561 = arith.muli %parallel_loop3A_559, %parallel_loop3A_560 : i32
            %parallel_loop3A_562 = arith.sitofp %parallel_loop3A_561 : i32 to f32
            %parallel_loop3A_563 = vector.broadcast %parallel_loop3A_562 : f32 to vector<16xf32>
            %parallel_loop3A_564 = arith.addf %convert_element_type3A, %parallel_loop3A_563 : vector<16xf32>
            %parallel_loop3A_565 = arith.constant -2.555000e+02 : f32
            %parallel_loop3A_566 = vector.broadcast %parallel_loop3A_565 : f32 to vector<16xf32>
            %parallel_loop3A_567 = arith.addf %parallel_loop3A_564, %parallel_loop3A_566 : vector<16xf32>
            %parallel_loop3A_568 = arith.mulf %get3A_12, %parallel_loop3A_567 : vector<16xf32>
            %parallel_loop3A_569 = arith.addf %parallel_loop3A_568, %add3A_548 : vector<16xf32>
            %parallel_loop3A_570 = arith.mulf %get3A_7, %parallel_loop3A_567 : vector<16xf32>
            %parallel_loop3A_571 = arith.addf %parallel_loop3A_570, %add3A_555 : vector<16xf32>
            %parallel_loop3A_572 = arith.fptosi %parallel_loop3A_569 : vector<16xf32> to vector<16xi32>
            %parallel_loop3A_573 = arith.sitofp %parallel_loop3A_572 : vector<16xi32> to vector<16xf32>
            %parallel_loop3A_574 = arith.fptosi %parallel_loop3A_571 : vector<16xf32> to vector<16xi32>
            %parallel_loop3A_575 = arith.sitofp %parallel_loop3A_574 : vector<16xi32> to vector<16xf32>
            %parallel_loop3A_576 = arith.subf %parallel_loop3A_569, %parallel_loop3A_573 : vector<16xf32>
            %parallel_loop3A_577 = arith.subf %parallel_loop3A_571, %parallel_loop3A_575 : vector<16xf32>
            %parallel_loop3A_578 = arith.subf %parallel_loop3A_573, %get3A_32 : vector<16xf32>
            %parallel_loop3A_579 = arith.constant 0.000000e+00 : f32
            %parallel_loop3A_580 = vector.broadcast %parallel_loop3A_579 : f32 to vector<16xf32>
            %parallel_loop3A_581 = arith.maximumf %parallel_loop3A_578, %parallel_loop3A_580 : vector<16xf32>
            %parallel_loop3A_582 = arith.mulf %parallel_loop3A_581, %get3A_42 : vector<16xf32>
            %parallel_loop3A_583 = arith.constant 5.000000e-01 : f32
            %parallel_loop3A_584 = vector.broadcast %parallel_loop3A_583 : f32 to vector<16xf32>
            %parallel_loop3A_585 = arith.addf %parallel_loop3A_582, %parallel_loop3A_584 : vector<16xf32>
            %parallel_loop3A_586 = arith.fptosi %parallel_loop3A_585 : vector<16xf32> to vector<16xi32>
            %parallel_loop3A_587 = arith.sitofp %parallel_loop3A_586 : vector<16xi32> to vector<16xf32>
            %parallel_loop3A_588 = arith.mulf %parallel_loop3A_587, %get3A_17 : vector<16xf32>
            %parallel_loop3A_589 = arith.subf %parallel_loop3A_581, %parallel_loop3A_588 : vector<16xf32>
            %parallel_loop3A_590 = arith.constant 0.000000e+00 : f32
            %parallel_loop3A_591 = vector.broadcast %parallel_loop3A_590 : f32 to vector<16xf32>
            %parallel_loop3A_592 = arith.cmpf olt, %parallel_loop3A_589, %parallel_loop3A_591 : vector<16xf32>
            %parallel_loop3A_593 = arith.constant 1.000000e+00 : f32
            %parallel_loop3A_594 = arith.constant 0.000000e+00 : f32
            %parallel_loop3A_595 = vector.broadcast %parallel_loop3A_593 : f32 to vector<16xf32>
            %parallel_loop3A_596 = vector.broadcast %parallel_loop3A_594 : f32 to vector<16xf32>
            %parallel_loop3A_597 = arith.select %parallel_loop3A_592, %parallel_loop3A_595, %parallel_loop3A_596 : vector<16xi1>, vector<16xf32>
            %parallel_loop3A_598 = arith.subf %parallel_loop3A_587, %parallel_loop3A_597 : vector<16xf32>
            %parallel_loop3A_599 = arith.mulf %parallel_loop3A_597, %get3A_17 : vector<16xf32>
            %parallel_loop3A_600 = arith.addf %parallel_loop3A_589, %parallel_loop3A_599 : vector<16xf32>
            %parallel_loop3A_601 = arith.cmpf oge, %parallel_loop3A_573, %get3A_32 : vector<16xf32>
            %parallel_loop3A_602 = arith.cmpf olt, %parallel_loop3A_600, %get3A_22 : vector<16xf32>
            %parallel_loop3A_603 = arith.andi %parallel_loop3A_601, %parallel_loop3A_602 : vector<16xi1>
            %parallel_loop3A_604 = arith.cmpf olt, %parallel_loop3A_598, %get3A_27 : vector<16xf32>
            %parallel_loop3A_605 = arith.andi %parallel_loop3A_603, %parallel_loop3A_604 : vector<16xi1>
            %parallel_loop3A_606 = arith.constant 1.000000e+00 : f32
            %parallel_loop3A_607 = arith.constant 0.000000e+00 : f32
            %parallel_loop3A_608 = vector.broadcast %parallel_loop3A_606 : f32 to vector<16xf32>
            %parallel_loop3A_609 = vector.broadcast %parallel_loop3A_607 : f32 to vector<16xf32>
            %parallel_loop3A_610 = arith.select %parallel_loop3A_605, %parallel_loop3A_608, %parallel_loop3A_609 : vector<16xi1>, vector<16xf32>
            %parallel_loop3A_611 = arith.constant 1.000000e+00 : f32
            %parallel_loop3A_612 = vector.broadcast %parallel_loop3A_611 : f32 to vector<16xf32>
            %parallel_loop3A_613 = arith.addf %parallel_loop3A_600, %parallel_loop3A_612 : vector<16xf32>
            %parallel_loop3A_614 = arith.cmpf oge, %parallel_loop3A_613, %get3A_17 : vector<16xf32>
            %parallel_loop3A_615 = arith.constant 1.000000e+00 : f32
            %parallel_loop3A_616 = arith.constant 0.000000e+00 : f32
            %parallel_loop3A_617 = vector.broadcast %parallel_loop3A_615 : f32 to vector<16xf32>
            %parallel_loop3A_618 = vector.broadcast %parallel_loop3A_616 : f32 to vector<16xf32>
            %parallel_loop3A_619 = arith.select %parallel_loop3A_614, %parallel_loop3A_617, %parallel_loop3A_618 : vector<16xi1>, vector<16xf32>
            %parallel_loop3A_620 = arith.mulf %parallel_loop3A_619, %get3A_17 : vector<16xf32>
            %parallel_loop3A_621 = arith.subf %parallel_loop3A_613, %parallel_loop3A_620 : vector<16xf32>
            %parallel_loop3A_622 = arith.addf %parallel_loop3A_598, %parallel_loop3A_619 : vector<16xf32>
            %parallel_loop3A_623 = arith.constant 1.000000e+00 : f32
            %parallel_loop3A_624 = vector.broadcast %parallel_loop3A_623 : f32 to vector<16xf32>
            %parallel_loop3A_625 = arith.addf %parallel_loop3A_573, %parallel_loop3A_624 : vector<16xf32>
            %parallel_loop3A_626 = arith.cmpf oge, %parallel_loop3A_625, %get3A_32 : vector<16xf32>
            %parallel_loop3A_627 = arith.cmpf olt, %parallel_loop3A_621, %get3A_22 : vector<16xf32>
            %parallel_loop3A_628 = arith.andi %parallel_loop3A_626, %parallel_loop3A_627 : vector<16xi1>
            %parallel_loop3A_629 = arith.cmpf olt, %parallel_loop3A_622, %get3A_27 : vector<16xf32>
            %parallel_loop3A_630 = arith.andi %parallel_loop3A_628, %parallel_loop3A_629 : vector<16xi1>
            %parallel_loop3A_631 = arith.constant 1.000000e+00 : f32
            %parallel_loop3A_632 = arith.constant 0.000000e+00 : f32
            %parallel_loop3A_633 = vector.broadcast %parallel_loop3A_631 : f32 to vector<16xf32>
            %parallel_loop3A_634 = vector.broadcast %parallel_loop3A_632 : f32 to vector<16xf32>
            %parallel_loop3A_635 = arith.select %parallel_loop3A_630, %parallel_loop3A_633, %parallel_loop3A_634 : vector<16xi1>, vector<16xf32>
            %parallel_loop3A_636 = arith.subf %parallel_loop3A_575, %get3A_37 : vector<16xf32>
            %parallel_loop3A_637 = arith.constant 0.000000e+00 : f32
            %parallel_loop3A_638 = vector.broadcast %parallel_loop3A_637 : f32 to vector<16xf32>
            %parallel_loop3A_639 = arith.maximumf %parallel_loop3A_636, %parallel_loop3A_638 : vector<16xf32>
            %parallel_loop3A_640 = arith.mulf %parallel_loop3A_639, %get3A_42 : vector<16xf32>
            %parallel_loop3A_641 = arith.constant 5.000000e-01 : f32
            %parallel_loop3A_642 = vector.broadcast %parallel_loop3A_641 : f32 to vector<16xf32>
            %parallel_loop3A_643 = arith.addf %parallel_loop3A_640, %parallel_loop3A_642 : vector<16xf32>
            %parallel_loop3A_644 = arith.fptosi %parallel_loop3A_643 : vector<16xf32> to vector<16xi32>
            %parallel_loop3A_645 = arith.sitofp %parallel_loop3A_644 : vector<16xi32> to vector<16xf32>
            %parallel_loop3A_646 = arith.mulf %parallel_loop3A_645, %get3A_17 : vector<16xf32>
            %parallel_loop3A_647 = arith.subf %parallel_loop3A_639, %parallel_loop3A_646 : vector<16xf32>
            %parallel_loop3A_648 = arith.constant 0.000000e+00 : f32
            %parallel_loop3A_649 = vector.broadcast %parallel_loop3A_648 : f32 to vector<16xf32>
            %parallel_loop3A_650 = arith.cmpf olt, %parallel_loop3A_647, %parallel_loop3A_649 : vector<16xf32>
            %parallel_loop3A_651 = arith.constant 1.000000e+00 : f32
            %parallel_loop3A_652 = arith.constant 0.000000e+00 : f32
            %parallel_loop3A_653 = vector.broadcast %parallel_loop3A_651 : f32 to vector<16xf32>
            %parallel_loop3A_654 = vector.broadcast %parallel_loop3A_652 : f32 to vector<16xf32>
            %parallel_loop3A_655 = arith.select %parallel_loop3A_650, %parallel_loop3A_653, %parallel_loop3A_654 : vector<16xi1>, vector<16xf32>
            %parallel_loop3A_656 = arith.subf %parallel_loop3A_645, %parallel_loop3A_655 : vector<16xf32>
            %parallel_loop3A_657 = arith.mulf %parallel_loop3A_655, %get3A_17 : vector<16xf32>
            %parallel_loop3A_658 = arith.addf %parallel_loop3A_647, %parallel_loop3A_657 : vector<16xf32>
            %parallel_loop3A_659 = arith.cmpf oge, %parallel_loop3A_575, %get3A_37 : vector<16xf32>
            %parallel_loop3A_660 = arith.cmpf olt, %parallel_loop3A_658, %get3A_22 : vector<16xf32>
            %parallel_loop3A_661 = arith.andi %parallel_loop3A_659, %parallel_loop3A_660 : vector<16xi1>
            %parallel_loop3A_662 = arith.cmpf olt, %parallel_loop3A_656, %get3A_27 : vector<16xf32>
            %parallel_loop3A_663 = arith.andi %parallel_loop3A_661, %parallel_loop3A_662 : vector<16xi1>
            %parallel_loop3A_664 = arith.constant 1.000000e+00 : f32
            %parallel_loop3A_665 = arith.constant 0.000000e+00 : f32
            %parallel_loop3A_666 = vector.broadcast %parallel_loop3A_664 : f32 to vector<16xf32>
            %parallel_loop3A_667 = vector.broadcast %parallel_loop3A_665 : f32 to vector<16xf32>
            %parallel_loop3A_668 = arith.select %parallel_loop3A_663, %parallel_loop3A_666, %parallel_loop3A_667 : vector<16xi1>, vector<16xf32>
            %parallel_loop3A_669 = arith.constant 1.000000e+00 : f32
            %parallel_loop3A_670 = vector.broadcast %parallel_loop3A_669 : f32 to vector<16xf32>
            %parallel_loop3A_671 = arith.addf %parallel_loop3A_658, %parallel_loop3A_670 : vector<16xf32>
            %parallel_loop3A_672 = arith.cmpf oge, %parallel_loop3A_671, %get3A_17 : vector<16xf32>
            %parallel_loop3A_673 = arith.constant 1.000000e+00 : f32
            %parallel_loop3A_674 = arith.constant 0.000000e+00 : f32
            %parallel_loop3A_675 = vector.broadcast %parallel_loop3A_673 : f32 to vector<16xf32>
            %parallel_loop3A_676 = vector.broadcast %parallel_loop3A_674 : f32 to vector<16xf32>
            %parallel_loop3A_677 = arith.select %parallel_loop3A_672, %parallel_loop3A_675, %parallel_loop3A_676 : vector<16xi1>, vector<16xf32>
            %parallel_loop3A_678 = arith.mulf %parallel_loop3A_677, %get3A_17 : vector<16xf32>
            %parallel_loop3A_679 = arith.subf %parallel_loop3A_671, %parallel_loop3A_678 : vector<16xf32>
            %parallel_loop3A_680 = arith.addf %parallel_loop3A_656, %parallel_loop3A_677 : vector<16xf32>
            %parallel_loop3A_681 = arith.constant 1.000000e+00 : f32
            %parallel_loop3A_682 = vector.broadcast %parallel_loop3A_681 : f32 to vector<16xf32>
            %parallel_loop3A_683 = arith.addf %parallel_loop3A_575, %parallel_loop3A_682 : vector<16xf32>
            %parallel_loop3A_684 = arith.cmpf oge, %parallel_loop3A_683, %get3A_37 : vector<16xf32>
            %parallel_loop3A_685 = arith.cmpf olt, %parallel_loop3A_679, %get3A_22 : vector<16xf32>
            %parallel_loop3A_686 = arith.andi %parallel_loop3A_684, %parallel_loop3A_685 : vector<16xi1>
            %parallel_loop3A_687 = arith.cmpf olt, %parallel_loop3A_680, %get3A_27 : vector<16xf32>
            %parallel_loop3A_688 = arith.andi %parallel_loop3A_686, %parallel_loop3A_687 : vector<16xi1>
            %parallel_loop3A_689 = arith.constant 1.000000e+00 : f32
            %parallel_loop3A_690 = arith.constant 0.000000e+00 : f32
            %parallel_loop3A_691 = vector.broadcast %parallel_loop3A_689 : f32 to vector<16xf32>
            %parallel_loop3A_692 = vector.broadcast %parallel_loop3A_690 : f32 to vector<16xf32>
            %parallel_loop3A_693 = arith.select %parallel_loop3A_688, %parallel_loop3A_691, %parallel_loop3A_692 : vector<16xi1>, vector<16xf32>
            %parallel_loop3A_694 = arith.subf %parallel_loop3A_635, %parallel_loop3A_610 : vector<16xf32>
            %parallel_loop3A_695 = arith.mulf %parallel_loop3A_576, %parallel_loop3A_694 : vector<16xf32>
            %parallel_loop3A_696 = arith.addf %parallel_loop3A_610, %parallel_loop3A_695 : vector<16xf32>
            %parallel_loop3A_697 = arith.subf %parallel_loop3A_693, %parallel_loop3A_668 : vector<16xf32>
            %parallel_loop3A_698 = arith.mulf %parallel_loop3A_577, %parallel_loop3A_697 : vector<16xf32>
            %parallel_loop3A_699 = arith.addf %parallel_loop3A_668, %parallel_loop3A_698 : vector<16xf32>
            %parallel_loop3A_700 = arith.addf %parallel_loop3A_696, %parallel_loop3A_699 : vector<16xf32>
            %parallel_loop3A_701 = arith.mulf %parallel_loop3A_696, %parallel_loop3A_699 : vector<16xf32>
            %parallel_loop3A_702 = arith.subf %parallel_loop3A_700, %parallel_loop3A_701 : vector<16xf32>
            %parallel_loop3A_703 = arith.constant 16 : i32
            %parallel_loop3A_704 = arith.muli %parallel_loop3A_559, %parallel_loop3A_703 : i32
            %parallel_loop3A_705 = arith.constant 0 : i32
            %parallel_loop3A_706 = arith.constant 0 : i32
            %parallel_loop3A_707 = arith.index_cast %parallel_loop3A_705 : i32 to index
            %parallel_loop3A_708 = arith.index_cast %parallel_loop3A_706 : i32 to index
            %parallel_loop3A_709 = arith.index_cast %scan3A_535 : i32 to index
            %parallel_loop3A_710 = arith.index_cast %parallel_loop3A_704 : i32 to index
            %parallel_loop3A_711 = tpu.vector_load %arg6[%parallel_loop3A_707, %parallel_loop3A_708, %parallel_loop3A_709, %parallel_loop3A_710] {strides = array<i32>} : memref<2x3x8x512xf32, #tpu.memory_space<vmem>>, vector<1x1x1x16xf32>,
            %parallel_loop3A_712 = vector.shape_cast %parallel_loop3A_711 : vector<1x1x1x16xf32> to vector<16xf32>
            %parallel_loop3A_713 = arith.mulf %parallel_loop3A_712, %parallel_loop3A_702 : vector<16xf32>
            %parallel_loop3A_714 = arith.constant 16 : i32
            %parallel_loop3A_715 = arith.muli %parallel_loop3A_559, %parallel_loop3A_714 : i32
            %parallel_loop3A_716 = arith.constant 0 : i32
            %parallel_loop3A_717 = arith.constant 0 : i32
            %parallel_loop3A_718 = arith.index_cast %parallel_loop3A_716 : i32 to index
            %parallel_loop3A_719 = arith.index_cast %parallel_loop3A_717 : i32 to index
            %parallel_loop3A_720 = arith.index_cast %scan3A_535 : i32 to index
            %parallel_loop3A_721 = arith.index_cast %parallel_loop3A_715 : i32 to index
            %parallel_loop3A_722 = tpu.vector_load %arg7[%parallel_loop3A_718, %parallel_loop3A_719, %parallel_loop3A_720, %parallel_loop3A_721] {strides = array<i32>} : memref<2x3x8x512xf32, #tpu.memory_space<vmem>>, vector<1x1x1x16xf32>,
            %parallel_loop3A_723 = vector.shape_cast %parallel_loop3A_722 : vector<1x1x1x16xf32> to vector<16xf32>
            %parallel_loop3A_724 = vector.shape_cast %parallel_loop3A_713 : vector<16xf32> to vector<1x1x1x16xf32>
            tpu.vector_store %arg7[%parallel_loop3A_718, %parallel_loop3A_719, %parallel_loop3A_720, %parallel_loop3A_721], %parallel_loop3A_724 {strides = array<i32>} : memref<2x3x8x512xf32, #tpu.memory_space<vmem>>, vector<1x1x1x16xf32>,
            %parallel_loop3A_725 = arith.constant 16 : i32
            %parallel_loop3A_726 = arith.muli %parallel_loop3A_559, %parallel_loop3A_725 : i32
            %parallel_loop3A_727 = arith.constant 0 : i32
            %parallel_loop3A_728 = arith.constant 1 : i32
            %parallel_loop3A_729 = arith.index_cast %parallel_loop3A_727 : i32 to index
            %parallel_loop3A_730 = arith.index_cast %parallel_loop3A_728 : i32 to index
            %parallel_loop3A_731 = arith.index_cast %scan3A_535 : i32 to index
            %parallel_loop3A_732 = arith.index_cast %parallel_loop3A_726 : i32 to index
            %parallel_loop3A_733 = tpu.vector_load %arg6[%parallel_loop3A_729, %parallel_loop3A_730, %parallel_loop3A_731, %parallel_loop3A_732] {strides = array<i32>} : memref<2x3x8x512xf32, #tpu.memory_space<vmem>>, vector<1x1x1x16xf32>,
            %parallel_loop3A_734 = vector.shape_cast %parallel_loop3A_733 : vector<1x1x1x16xf32> to vector<16xf32>
            %parallel_loop3A_735 = arith.mulf %parallel_loop3A_734, %parallel_loop3A_702 : vector<16xf32>
            %parallel_loop3A_736 = arith.constant 16 : i32
            %parallel_loop3A_737 = arith.muli %parallel_loop3A_559, %parallel_loop3A_736 : i32
            %parallel_loop3A_738 = arith.constant 0 : i32
            %parallel_loop3A_739 = arith.constant 1 : i32
            %parallel_loop3A_740 = arith.index_cast %parallel_loop3A_738 : i32 to index
            %parallel_loop3A_741 = arith.index_cast %parallel_loop3A_739 : i32 to index
            %parallel_loop3A_742 = arith.index_cast %scan3A_535 : i32 to index
            %parallel_loop3A_743 = arith.index_cast %parallel_loop3A_737 : i32 to index
            %parallel_loop3A_744 = tpu.vector_load %arg7[%parallel_loop3A_740, %parallel_loop3A_741, %parallel_loop3A_742, %parallel_loop3A_743] {strides = array<i32>} : memref<2x3x8x512xf32, #tpu.memory_space<vmem>>, vector<1x1x1x16xf32>,
            %parallel_loop3A_745 = vector.shape_cast %parallel_loop3A_744 : vector<1x1x1x16xf32> to vector<16xf32>
            %parallel_loop3A_746 = vector.shape_cast %parallel_loop3A_735 : vector<16xf32> to vector<1x1x1x16xf32>
            tpu.vector_store %arg7[%parallel_loop3A_740, %parallel_loop3A_741, %parallel_loop3A_742, %parallel_loop3A_743], %parallel_loop3A_746 {strides = array<i32>} : memref<2x3x8x512xf32, #tpu.memory_space<vmem>>, vector<1x1x1x16xf32>,
            %parallel_loop3A_747 = arith.constant 16 : i32
            %parallel_loop3A_748 = arith.muli %parallel_loop3A_559, %parallel_loop3A_747 : i32
            %parallel_loop3A_749 = arith.constant 0 : i32
            %parallel_loop3A_750 = arith.constant 2 : i32
            %parallel_loop3A_751 = arith.index_cast %parallel_loop3A_749 : i32 to index
            %parallel_loop3A_752 = arith.index_cast %parallel_loop3A_750 : i32 to index
            %parallel_loop3A_753 = arith.index_cast %scan3A_535 : i32 to index
            %parallel_loop3A_754 = arith.index_cast %parallel_loop3A_748 : i32 to index
            %parallel_loop3A_755 = tpu.vector_load %arg6[%parallel_loop3A_751, %parallel_loop3A_752, %parallel_loop3A_753, %parallel_loop3A_754] {strides = array<i32>} : memref<2x3x8x512xf32, #tpu.memory_space<vmem>>, vector<1x1x1x16xf32>,
            %parallel_loop3A_756 = vector.shape_cast %parallel_loop3A_755 : vector<1x1x1x16xf32> to vector<16xf32>
            %parallel_loop3A_757 = arith.mulf %parallel_loop3A_756, %parallel_loop3A_702 : vector<16xf32>
            %parallel_loop3A_758 = arith.constant 16 : i32
            %parallel_loop3A_759 = arith.muli %parallel_loop3A_559, %parallel_loop3A_758 : i32
            %parallel_loop3A_760 = arith.constant 0 : i32
            %parallel_loop3A_761 = arith.constant 2 : i32
            %parallel_loop3A_762 = arith.index_cast %parallel_loop3A_760 : i32 to index
            %parallel_loop3A_763 = arith.index_cast %parallel_loop3A_761 : i32 to index
            %parallel_loop3A_764 = arith.index_cast %scan3A_535 : i32 to index
            %parallel_loop3A_765 = arith.index_cast %parallel_loop3A_759 : i32 to index
            %parallel_loop3A_766 = tpu.vector_load %arg7[%parallel_loop3A_762, %parallel_loop3A_763, %parallel_loop3A_764, %parallel_loop3A_765] {strides = array<i32>} : memref<2x3x8x512xf32, #tpu.memory_space<vmem>>, vector<1x1x1x16xf32>,
            %parallel_loop3A_767 = vector.shape_cast %parallel_loop3A_766 : vector<1x1x1x16xf32> to vector<16xf32>
            %parallel_loop3A_768 = vector.shape_cast %parallel_loop3A_757 : vector<16xf32> to vector<1x1x1x16xf32>
            tpu.vector_store %arg7[%parallel_loop3A_762, %parallel_loop3A_763, %parallel_loop3A_764, %parallel_loop3A_765], %parallel_loop3A_768 {strides = array<i32>} : memref<2x3x8x512xf32, #tpu.memory_space<vmem>>, vector<1x1x1x16xf32>,
          } {sc.loop_unroll_factor = 2 : i64, sc.parallel_access}
          %scan3A_558 = arith.constant 0 : i32
          scf.yield %scan3A_558 : i32
        }
        %scan3A_344 = arith.constant 8 : i32
        %mul3A_345 = arith.constant 8 : i32
        %mul3A_346 = arith.muli %add3A_280, %mul3A_345 : i32
        %dma_start3A_347 = arith.constant 0 : i32
        %dma_start3A_348 = arith.constant 0 : i32
        %dma_start3A_349 = arith.constant 0 : i32
        %dma_start3A_350 = arith.constant 0 : i32
        %dma_start3A_351 = arith.constant 0 : i32
        %dma_start3A_352 = tpu.memref_slice %arg7[%dma_start3A_347, %dma_start3A_348, %dma_start3A_350, %dma_start3A_351] : memref<2x3x8x512xf32, #tpu.memory_space<vmem>> -> memref<1x1x8x512xf32, #tpu.memory_space<vmem>>
        %dma_start3A_353 = tpu.memref_squeeze %dma_start3A_352 : memref<1x1x8x512xf32, #tpu.memory_space<vmem>> -> memref<8x512xf32, #tpu.memory_space<vmem>>
        %dma_start3A_354 = arith.constant 0 : i32
        %dma_start3A_355 = tpu.memref_slice %arg4[%add3A, %dma_start3A_349, %mul3A_346, %dma_start3A_354] : memref<32x3x512x512xf32, #tpu.memory_space<hbm>> -> memref<1x1x8x512xf32, #tpu.memory_space<hbm>>
        %dma_start3A_356 = tpu.memref_squeeze %dma_start3A_355 : memref<1x1x8x512xf32, #tpu.memory_space<hbm>> -> memref<8x512xf32, #tpu.memory_space<hbm>>
        %dma_start3A_357 = arith.constant 0 : i32
        %dma_start3A_358 = tpu.memref_slice %arg4[%add3A, %dma_start3A_349, %mul3A_346, %dma_start3A_357] : memref<32x3x512x512xf32, #tpu.memory_space<hbm>> -> memref<1x1x8x512xf32, #tpu.memory_space<hbm>>
        %dma_start3A_359 = tpu.memref_squeeze %dma_start3A_358 : memref<1x1x8x512xf32, #tpu.memory_space<hbm>> -> memref<8x512xf32, #tpu.memory_space<hbm>>
        %dma_start3A_360 = arith.constant 0 : i32
        %dma_start3A_361 = arith.constant 0 : i32
        %dma_start3A_362 = tpu.memref_slice %arg7[%dma_start3A_347, %dma_start3A_348, %dma_start3A_360, %dma_start3A_361] : memref<2x3x8x512xf32, #tpu.memory_space<vmem>> -> memref<1x1x8x512xf32, #tpu.memory_space<vmem>>
        %dma_start3A_363 = tpu.memref_squeeze %dma_start3A_362 : memref<1x1x8x512xf32, #tpu.memory_space<vmem>> -> memref<8x512xf32, #tpu.memory_space<vmem>>
        tpu.enqueue_dma source(%dma_start3A_363 : memref<8x512xf32, #tpu.memory_space<vmem>>) target(%dma_start3A_359 : memref<8x512xf32, #tpu.memory_space<hbm>>) target_semaphore(%arg10 : memref<!tpu.dma_semaphore, #tpu.memory_space<semaphore_mem>>)
        %dma_start3A_364 = arith.constant 0 : i32
        %dma_start3A_365 = arith.constant 1 : i32
        %dma_start3A_366 = arith.constant 1 : i32
        %dma_start3A_367 = arith.constant 0 : i32
        %dma_start3A_368 = arith.constant 0 : i32
        %dma_start3A_369 = tpu.memref_slice %arg7[%dma_start3A_364, %dma_start3A_365, %dma_start3A_367, %dma_start3A_368] : memref<2x3x8x512xf32, #tpu.memory_space<vmem>> -> memref<1x1x8x512xf32, #tpu.memory_space<vmem>>
        %dma_start3A_370 = tpu.memref_squeeze %dma_start3A_369 : memref<1x1x8x512xf32, #tpu.memory_space<vmem>> -> memref<8x512xf32, #tpu.memory_space<vmem>>
        %dma_start3A_371 = arith.constant 0 : i32
        %dma_start3A_372 = tpu.memref_slice %arg4[%add3A, %dma_start3A_366, %mul3A_346, %dma_start3A_371] : memref<32x3x512x512xf32, #tpu.memory_space<hbm>> -> memref<1x1x8x512xf32, #tpu.memory_space<hbm>>
        %dma_start3A_373 = tpu.memref_squeeze %dma_start3A_372 : memref<1x1x8x512xf32, #tpu.memory_space<hbm>> -> memref<8x512xf32, #tpu.memory_space<hbm>>
        %dma_start3A_374 = arith.constant 0 : i32
        %dma_start3A_375 = tpu.memref_slice %arg4[%add3A, %dma_start3A_366, %mul3A_346, %dma_start3A_374] : memref<32x3x512x512xf32, #tpu.memory_space<hbm>> -> memref<1x1x8x512xf32, #tpu.memory_space<hbm>>
        %dma_start3A_376 = tpu.memref_squeeze %dma_start3A_375 : memref<1x1x8x512xf32, #tpu.memory_space<hbm>> -> memref<8x512xf32, #tpu.memory_space<hbm>>
        %dma_start3A_377 = arith.constant 0 : i32
        %dma_start3A_378 = arith.constant 0 : i32
        %dma_start3A_379 = tpu.memref_slice %arg7[%dma_start3A_364, %dma_start3A_365, %dma_start3A_377, %dma_start3A_378] : memref<2x3x8x512xf32, #tpu.memory_space<vmem>> -> memref<1x1x8x512xf32, #tpu.memory_space<vmem>>
        %dma_start3A_380 = tpu.memref_squeeze %dma_start3A_379 : memref<1x1x8x512xf32, #tpu.memory_space<vmem>> -> memref<8x512xf32, #tpu.memory_space<vmem>>
        tpu.enqueue_dma source(%dma_start3A_380 : memref<8x512xf32, #tpu.memory_space<vmem>>) target(%dma_start3A_376 : memref<8x512xf32, #tpu.memory_space<hbm>>) target_semaphore(%arg10 : memref<!tpu.dma_semaphore, #tpu.memory_space<semaphore_mem>>)
        %dma_start3A_381 = arith.constant 0 : i32
        %dma_start3A_382 = arith.constant 2 : i32
        %dma_start3A_383 = arith.constant 2 : i32
        %dma_start3A_384 = arith.constant 0 : i32
        %dma_start3A_385 = arith.constant 0 : i32
        %dma_start3A_386 = tpu.memref_slice %arg7[%dma_start3A_381, %dma_start3A_382, %dma_start3A_384, %dma_start3A_385] : memref<2x3x8x512xf32, #tpu.memory_space<vmem>> -> memref<1x1x8x512xf32, #tpu.memory_space<vmem>>
        %dma_start3A_387 = tpu.memref_squeeze %dma_start3A_386 : memref<1x1x8x512xf32, #tpu.memory_space<vmem>> -> memref<8x512xf32, #tpu.memory_space<vmem>>
        %dma_start3A_388 = arith.constant 0 : i32
        %dma_start3A_389 = tpu.memref_slice %arg4[%add3A, %dma_start3A_383, %mul3A_346, %dma_start3A_388] : memref<32x3x512x512xf32, #tpu.memory_space<hbm>> -> memref<1x1x8x512xf32, #tpu.memory_space<hbm>>
        %dma_start3A_390 = tpu.memref_squeeze %dma_start3A_389 : memref<1x1x8x512xf32, #tpu.memory_space<hbm>> -> memref<8x512xf32, #tpu.memory_space<hbm>>
        %dma_start3A_391 = arith.constant 0 : i32
        %dma_start3A_392 = tpu.memref_slice %arg4[%add3A, %dma_start3A_383, %mul3A_346, %dma_start3A_391] : memref<32x3x512x512xf32, #tpu.memory_space<hbm>> -> memref<1x1x8x512xf32, #tpu.memory_space<hbm>>
        %dma_start3A_393 = tpu.memref_squeeze %dma_start3A_392 : memref<1x1x8x512xf32, #tpu.memory_space<hbm>> -> memref<8x512xf32, #tpu.memory_space<hbm>>
        %dma_start3A_394 = arith.constant 0 : i32
        %dma_start3A_395 = arith.constant 0 : i32
        %dma_start3A_396 = tpu.memref_slice %arg7[%dma_start3A_381, %dma_start3A_382, %dma_start3A_394, %dma_start3A_395] : memref<2x3x8x512xf32, #tpu.memory_space<vmem>> -> memref<1x1x8x512xf32, #tpu.memory_space<vmem>>
        %dma_start3A_397 = tpu.memref_squeeze %dma_start3A_396 : memref<1x1x8x512xf32, #tpu.memory_space<vmem>> -> memref<8x512xf32, #tpu.memory_space<vmem>>
        tpu.enqueue_dma source(%dma_start3A_397 : memref<8x512xf32, #tpu.memory_space<vmem>>) target(%dma_start3A_393 : memref<8x512xf32, #tpu.memory_space<hbm>>) target_semaphore(%arg10 : memref<!tpu.dma_semaphore, #tpu.memory_space<semaphore_mem>>)
        %add3A_398 = arith.constant 2 : i32
        %add3A_399 = arith.addi %add3A_280, %add3A_398 : i32
        %lt3A_400 = arith.constant 64 : i32
        %lt3A_401 = arith.cmpi slt, %add3A_399, %lt3A_400 : i32
        %convert_element_type3A_402 = arith.extui %lt3A_401 : i1 to i32
        %cond3A_403 = arith.constant 0 : i32
        %cond3A_404 = arith.cmpi ne, %convert_element_type3A_402, %cond3A_403 : i32
        scf.if %cond3A_404 {
          %add3A_535 = arith.constant 2 : i32
          %add3A_536 = arith.addi %add3A_280, %add3A_535 : i32
          %mul3A_537 = arith.constant 8 : i32
          %mul3A_538 = arith.muli %add3A_536, %mul3A_537 : i32
          %dma_start3A_539 = arith.constant 0 : i32
          %dma_start3A_540 = arith.constant 0 : i32
          %dma_start3A_541 = arith.constant 0 : i32
          %dma_start3A_542 = arith.constant 0 : i32
          %dma_start3A_543 = arith.constant 0 : i32
          %dma_start3A_544 = tpu.memref_slice %arg6[%dma_start3A_540, %dma_start3A_541, %dma_start3A_542, %dma_start3A_543] : memref<2x3x8x512xf32, #tpu.memory_space<vmem>> -> memref<1x1x8x512xf32, #tpu.memory_space<vmem>>
          %dma_start3A_545 = tpu.memref_squeeze %dma_start3A_544 : memref<1x1x8x512xf32, #tpu.memory_space<vmem>> -> memref<8x512xf32, #tpu.memory_space<vmem>>
          %dma_start3A_546 = arith.constant 0 : i32
          %dma_start3A_547 = tpu.memref_slice %arg2[%add3A, %dma_start3A_539, %mul3A_538, %dma_start3A_546] : memref<32x3x512x512xf32, #tpu.memory_space<hbm>> -> memref<1x1x8x512xf32, #tpu.memory_space<hbm>>
          %dma_start3A_548 = tpu.memref_squeeze %dma_start3A_547 : memref<1x1x8x512xf32, #tpu.memory_space<hbm>> -> memref<8x512xf32, #tpu.memory_space<hbm>>
          %dma_start3A_549 = arith.constant 0 : i32
          %dma_start3A_550 = arith.constant 0 : i32
          %dma_start3A_551 = tpu.memref_slice %arg6[%dma_start3A_540, %dma_start3A_541, %dma_start3A_549, %dma_start3A_550] : memref<2x3x8x512xf32, #tpu.memory_space<vmem>> -> memref<1x1x8x512xf32, #tpu.memory_space<vmem>>
          %dma_start3A_552 = tpu.memref_squeeze %dma_start3A_551 : memref<1x1x8x512xf32, #tpu.memory_space<vmem>> -> memref<8x512xf32, #tpu.memory_space<vmem>>
          %dma_start3A_553 = arith.constant 0 : i32
          %dma_start3A_554 = tpu.memref_slice %arg2[%add3A, %dma_start3A_539, %mul3A_538, %dma_start3A_553] : memref<32x3x512x512xf32, #tpu.memory_space<hbm>> -> memref<1x1x8x512xf32, #tpu.memory_space<hbm>>
          %dma_start3A_555 = tpu.memref_squeeze %dma_start3A_554 : memref<1x1x8x512xf32, #tpu.memory_space<hbm>> -> memref<8x512xf32, #tpu.memory_space<hbm>>
          tpu.enqueue_dma source(%dma_start3A_555 : memref<8x512xf32, #tpu.memory_space<hbm>>) target(%dma_start3A_552 : memref<8x512xf32, #tpu.memory_space<vmem>>) target_semaphore(%arg8 : memref<!tpu.dma_semaphore, #tpu.memory_space<semaphore_mem>>)
          %dma_start3A_556 = arith.constant 1 : i32
          %dma_start3A_557 = arith.constant 0 : i32
          %dma_start3A_558 = arith.constant 1 : i32
          %dma_start3A_559 = arith.constant 0 : i32
          %dma_start3A_560 = arith.constant 0 : i32
          %dma_start3A_561 = tpu.memref_slice %arg6[%dma_start3A_557, %dma_start3A_558, %dma_start3A_559, %dma_start3A_560] : memref<2x3x8x512xf32, #tpu.memory_space<vmem>> -> memref<1x1x8x512xf32, #tpu.memory_space<vmem>>
          %dma_start3A_562 = tpu.memref_squeeze %dma_start3A_561 : memref<1x1x8x512xf32, #tpu.memory_space<vmem>> -> memref<8x512xf32, #tpu.memory_space<vmem>>
          %dma_start3A_563 = arith.constant 0 : i32
          %dma_start3A_564 = tpu.memref_slice %arg2[%add3A, %dma_start3A_556, %mul3A_538, %dma_start3A_563] : memref<32x3x512x512xf32, #tpu.memory_space<hbm>> -> memref<1x1x8x512xf32, #tpu.memory_space<hbm>>
          %dma_start3A_565 = tpu.memref_squeeze %dma_start3A_564 : memref<1x1x8x512xf32, #tpu.memory_space<hbm>> -> memref<8x512xf32, #tpu.memory_space<hbm>>
          %dma_start3A_566 = arith.constant 0 : i32
          %dma_start3A_567 = arith.constant 0 : i32
          %dma_start3A_568 = tpu.memref_slice %arg6[%dma_start3A_557, %dma_start3A_558, %dma_start3A_566, %dma_start3A_567] : memref<2x3x8x512xf32, #tpu.memory_space<vmem>> -> memref<1x1x8x512xf32, #tpu.memory_space<vmem>>
          %dma_start3A_569 = tpu.memref_squeeze %dma_start3A_568 : memref<1x1x8x512xf32, #tpu.memory_space<vmem>> -> memref<8x512xf32, #tpu.memory_space<vmem>>
          %dma_start3A_570 = arith.constant 0 : i32
          %dma_start3A_571 = tpu.memref_slice %arg2[%add3A, %dma_start3A_556, %mul3A_538, %dma_start3A_570] : memref<32x3x512x512xf32, #tpu.memory_space<hbm>> -> memref<1x1x8x512xf32, #tpu.memory_space<hbm>>
          %dma_start3A_572 = tpu.memref_squeeze %dma_start3A_571 : memref<1x1x8x512xf32, #tpu.memory_space<hbm>> -> memref<8x512xf32, #tpu.memory_space<hbm>>
          tpu.enqueue_dma source(%dma_start3A_572 : memref<8x512xf32, #tpu.memory_space<hbm>>) target(%dma_start3A_569 : memref<8x512xf32, #tpu.memory_space<vmem>>) target_semaphore(%arg8 : memref<!tpu.dma_semaphore, #tpu.memory_space<semaphore_mem>>)
          %dma_start3A_573 = arith.constant 2 : i32
          %dma_start3A_574 = arith.constant 0 : i32
          %dma_start3A_575 = arith.constant 2 : i32
          %dma_start3A_576 = arith.constant 0 : i32
          %dma_start3A_577 = arith.constant 0 : i32
          %dma_start3A_578 = tpu.memref_slice %arg6[%dma_start3A_574, %dma_start3A_575, %dma_start3A_576, %dma_start3A_577] : memref<2x3x8x512xf32, #tpu.memory_space<vmem>> -> memref<1x1x8x512xf32, #tpu.memory_space<vmem>>
          %dma_start3A_579 = tpu.memref_squeeze %dma_start3A_578 : memref<1x1x8x512xf32, #tpu.memory_space<vmem>> -> memref<8x512xf32, #tpu.memory_space<vmem>>
          %dma_start3A_580 = arith.constant 0 : i32
          %dma_start3A_581 = tpu.memref_slice %arg2[%add3A, %dma_start3A_573, %mul3A_538, %dma_start3A_580] : memref<32x3x512x512xf32, #tpu.memory_space<hbm>> -> memref<1x1x8x512xf32, #tpu.memory_space<hbm>>
          %dma_start3A_582 = tpu.memref_squeeze %dma_start3A_581 : memref<1x1x8x512xf32, #tpu.memory_space<hbm>> -> memref<8x512xf32, #tpu.memory_space<hbm>>
          %dma_start3A_583 = arith.constant 0 : i32
          %dma_start3A_584 = arith.constant 0 : i32
          %dma_start3A_585 = tpu.memref_slice %arg6[%dma_start3A_574, %dma_start3A_575, %dma_start3A_583, %dma_start3A_584] : memref<2x3x8x512xf32, #tpu.memory_space<vmem>> -> memref<1x1x8x512xf32, #tpu.memory_space<vmem>>
          %dma_start3A_586 = tpu.memref_squeeze %dma_start3A_585 : memref<1x1x8x512xf32, #tpu.memory_space<vmem>> -> memref<8x512xf32, #tpu.memory_space<vmem>>
          %dma_start3A_587 = arith.constant 0 : i32
          %dma_start3A_588 = tpu.memref_slice %arg2[%add3A, %dma_start3A_573, %mul3A_538, %dma_start3A_587] : memref<32x3x512x512xf32, #tpu.memory_space<hbm>> -> memref<1x1x8x512xf32, #tpu.memory_space<hbm>>
          %dma_start3A_589 = tpu.memref_squeeze %dma_start3A_588 : memref<1x1x8x512xf32, #tpu.memory_space<hbm>> -> memref<8x512xf32, #tpu.memory_space<hbm>>
          tpu.enqueue_dma source(%dma_start3A_589 : memref<8x512xf32, #tpu.memory_space<hbm>>) target(%dma_start3A_586 : memref<8x512xf32, #tpu.memory_space<vmem>>) target_semaphore(%arg8 : memref<!tpu.dma_semaphore, #tpu.memory_space<semaphore_mem>>)
        } else {
        }
        %mul3A_405 = arith.constant 2 : i32
        %mul3A_406 = arith.muli %scan3A_275, %mul3A_405 : i32
        %add3A_407 = arith.constant 1 : i32
        %add3A_408 = arith.addi %mul3A_406, %add3A_407 : i32
        %mul3A_409 = arith.constant 8 : i32
        %mul3A_410 = arith.muli %add3A_408, %mul3A_409 : i32
        %dma_wait3A_411 = arith.constant 0 : i32
        %dma_wait3A_412 = arith.constant 1 : i32
        %dma_wait3A_413 = arith.constant 0 : i32
        %dma_wait3A_414 = arith.constant 0 : i32
        %dma_wait3A_415 = arith.constant 0 : i32
        %dma_wait3A_416 = tpu.memref_slice %arg6[%dma_wait3A_412, %dma_wait3A_413, %dma_wait3A_414, %dma_wait3A_415] : memref<2x3x8x512xf32, #tpu.memory_space<vmem>> -> memref<1x1x8x512xf32, #tpu.memory_space<vmem>>
        %dma_wait3A_417 = tpu.memref_squeeze %dma_wait3A_416 : memref<1x1x8x512xf32, #tpu.memory_space<vmem>> -> memref<8x512xf32, #tpu.memory_space<vmem>>
        %dma_wait3A_418 = arith.constant 0 : i32
        %dma_wait3A_419 = tpu.memref_slice %arg2[%add3A, %dma_wait3A_411, %mul3A_410, %dma_wait3A_418] : memref<32x3x512x512xf32, #tpu.memory_space<hbm>> -> memref<1x1x8x512xf32, #tpu.memory_space<hbm>>
        %dma_wait3A_420 = tpu.memref_squeeze %dma_wait3A_419 : memref<1x1x8x512xf32, #tpu.memory_space<hbm>> -> memref<8x512xf32, #tpu.memory_space<hbm>>
        %dma_wait3A_421 = arith.constant 0 : i32
        %dma_wait3A_422 = arith.constant 0 : i32
        %dma_wait3A_423 = tpu.memref_slice %arg6[%dma_wait3A_412, %dma_wait3A_413, %dma_wait3A_421, %dma_wait3A_422] : memref<2x3x8x512xf32, #tpu.memory_space<vmem>> -> memref<1x1x8x512xf32, #tpu.memory_space<vmem>>
        %dma_wait3A_424 = tpu.memref_squeeze %dma_wait3A_423 : memref<1x1x8x512xf32, #tpu.memory_space<vmem>> -> memref<8x512xf32, #tpu.memory_space<vmem>>
        %dma_wait3A_425 = arith.constant 0 : i32
        %dma_wait3A_426 = tpu.memref_slice %arg2[%add3A, %dma_wait3A_411, %mul3A_410, %dma_wait3A_425] : memref<32x3x512x512xf32, #tpu.memory_space<hbm>> -> memref<1x1x8x512xf32, #tpu.memory_space<hbm>>
        %dma_wait3A_427 = tpu.memref_squeeze %dma_wait3A_426 : memref<1x1x8x512xf32, #tpu.memory_space<hbm>> -> memref<8x512xf32, #tpu.memory_space<hbm>>
        tpu.wait_dma2 semaphore(%arg9 : memref<!tpu.dma_semaphore, #tpu.memory_space<semaphore_mem>>) src(%dma_wait3A_427 : memref<8x512xf32, #tpu.memory_space<hbm>>) dst(%dma_wait3A_424 : memref<8x512xf32, #tpu.memory_space<vmem>>)
        %dma_wait3A_428 = arith.constant 1 : i32
        %dma_wait3A_429 = arith.constant 1 : i32
        %dma_wait3A_430 = arith.constant 1 : i32
        %dma_wait3A_431 = arith.constant 0 : i32
        %dma_wait3A_432 = arith.constant 0 : i32
        %dma_wait3A_433 = tpu.memref_slice %arg6[%dma_wait3A_429, %dma_wait3A_430, %dma_wait3A_431, %dma_wait3A_432] : memref<2x3x8x512xf32, #tpu.memory_space<vmem>> -> memref<1x1x8x512xf32, #tpu.memory_space<vmem>>
        %dma_wait3A_434 = tpu.memref_squeeze %dma_wait3A_433 : memref<1x1x8x512xf32, #tpu.memory_space<vmem>> -> memref<8x512xf32, #tpu.memory_space<vmem>>
        %dma_wait3A_435 = arith.constant 0 : i32
        %dma_wait3A_436 = tpu.memref_slice %arg2[%add3A, %dma_wait3A_428, %mul3A_410, %dma_wait3A_435] : memref<32x3x512x512xf32, #tpu.memory_space<hbm>> -> memref<1x1x8x512xf32, #tpu.memory_space<hbm>>
        %dma_wait3A_437 = tpu.memref_squeeze %dma_wait3A_436 : memref<1x1x8x512xf32, #tpu.memory_space<hbm>> -> memref<8x512xf32, #tpu.memory_space<hbm>>
        %dma_wait3A_438 = arith.constant 0 : i32
        %dma_wait3A_439 = arith.constant 0 : i32
        %dma_wait3A_440 = tpu.memref_slice %arg6[%dma_wait3A_429, %dma_wait3A_430, %dma_wait3A_438, %dma_wait3A_439] : memref<2x3x8x512xf32, #tpu.memory_space<vmem>> -> memref<1x1x8x512xf32, #tpu.memory_space<vmem>>
        %dma_wait3A_441 = tpu.memref_squeeze %dma_wait3A_440 : memref<1x1x8x512xf32, #tpu.memory_space<vmem>> -> memref<8x512xf32, #tpu.memory_space<vmem>>
        %dma_wait3A_442 = arith.constant 0 : i32
        %dma_wait3A_443 = tpu.memref_slice %arg2[%add3A, %dma_wait3A_428, %mul3A_410, %dma_wait3A_442] : memref<32x3x512x512xf32, #tpu.memory_space<hbm>> -> memref<1x1x8x512xf32, #tpu.memory_space<hbm>>
        %dma_wait3A_444 = tpu.memref_squeeze %dma_wait3A_443 : memref<1x1x8x512xf32, #tpu.memory_space<hbm>> -> memref<8x512xf32, #tpu.memory_space<hbm>>
        tpu.wait_dma2 semaphore(%arg9 : memref<!tpu.dma_semaphore, #tpu.memory_space<semaphore_mem>>) src(%dma_wait3A_444 : memref<8x512xf32, #tpu.memory_space<hbm>>) dst(%dma_wait3A_441 : memref<8x512xf32, #tpu.memory_space<vmem>>)
        %dma_wait3A_445 = arith.constant 2 : i32
        %dma_wait3A_446 = arith.constant 1 : i32
        %dma_wait3A_447 = arith.constant 2 : i32
        %dma_wait3A_448 = arith.constant 0 : i32
        %dma_wait3A_449 = arith.constant 0 : i32
        %dma_wait3A_450 = tpu.memref_slice %arg6[%dma_wait3A_446, %dma_wait3A_447, %dma_wait3A_448, %dma_wait3A_449] : memref<2x3x8x512xf32, #tpu.memory_space<vmem>> -> memref<1x1x8x512xf32, #tpu.memory_space<vmem>>
        %dma_wait3A_451 = tpu.memref_squeeze %dma_wait3A_450 : memref<1x1x8x512xf32, #tpu.memory_space<vmem>> -> memref<8x512xf32, #tpu.memory_space<vmem>>
        %dma_wait3A_452 = arith.constant 0 : i32
        %dma_wait3A_453 = tpu.memref_slice %arg2[%add3A, %dma_wait3A_445, %mul3A_410, %dma_wait3A_452] : memref<32x3x512x512xf32, #tpu.memory_space<hbm>> -> memref<1x1x8x512xf32, #tpu.memory_space<hbm>>
        %dma_wait3A_454 = tpu.memref_squeeze %dma_wait3A_453 : memref<1x1x8x512xf32, #tpu.memory_space<hbm>> -> memref<8x512xf32, #tpu.memory_space<hbm>>
        %dma_wait3A_455 = arith.constant 0 : i32
        %dma_wait3A_456 = arith.constant 0 : i32
        %dma_wait3A_457 = tpu.memref_slice %arg6[%dma_wait3A_446, %dma_wait3A_447, %dma_wait3A_455, %dma_wait3A_456] : memref<2x3x8x512xf32, #tpu.memory_space<vmem>> -> memref<1x1x8x512xf32, #tpu.memory_space<vmem>>
        %dma_wait3A_458 = tpu.memref_squeeze %dma_wait3A_457 : memref<1x1x8x512xf32, #tpu.memory_space<vmem>> -> memref<8x512xf32, #tpu.memory_space<vmem>>
        %dma_wait3A_459 = arith.constant 0 : i32
        %dma_wait3A_460 = tpu.memref_slice %arg2[%add3A, %dma_wait3A_445, %mul3A_410, %dma_wait3A_459] : memref<32x3x512x512xf32, #tpu.memory_space<hbm>> -> memref<1x1x8x512xf32, #tpu.memory_space<hbm>>
        %dma_wait3A_461 = tpu.memref_squeeze %dma_wait3A_460 : memref<1x1x8x512xf32, #tpu.memory_space<hbm>> -> memref<8x512xf32, #tpu.memory_space<hbm>>
        tpu.wait_dma2 semaphore(%arg9 : memref<!tpu.dma_semaphore, #tpu.memory_space<semaphore_mem>>) src(%dma_wait3A_461 : memref<8x512xf32, #tpu.memory_space<hbm>>) dst(%dma_wait3A_458 : memref<8x512xf32, #tpu.memory_space<vmem>>)
        %ge3A_462 = arith.constant 2 : i32
        %ge3A_463 = arith.cmpi sge, %add3A_408, %ge3A_462 : i32
        %convert_element_type3A_464 = arith.extui %ge3A_463 : i1 to i32
        %cond3A_465 = arith.constant 0 : i32
        %cond3A_466 = arith.cmpi ne, %convert_element_type3A_464, %cond3A_465 : i32
        scf.if %cond3A_466 {
          %sub3A = arith.constant 2 : i32
          %sub3A_535 = arith.subi %add3A_408, %sub3A : i32
          %mul3A_536 = arith.constant 8 : i32
          %mul3A_537 = arith.muli %sub3A_535, %mul3A_536 : i32
          %dma_wait3A_538 = arith.constant 1 : i32
          %dma_wait3A_539 = arith.constant 0 : i32
          %dma_wait3A_540 = arith.constant 0 : i32
          %dma_wait3A_541 = arith.constant 0 : i32
          %dma_wait3A_542 = arith.constant 0 : i32
          %dma_wait3A_543 = tpu.memref_slice %arg7[%dma_wait3A_538, %dma_wait3A_539, %dma_wait3A_541, %dma_wait3A_542] : memref<2x3x8x512xf32, #tpu.memory_space<vmem>> -> memref<1x1x8x512xf32, #tpu.memory_space<vmem>>
          %dma_wait3A_544 = tpu.memref_squeeze %dma_wait3A_543 : memref<1x1x8x512xf32, #tpu.memory_space<vmem>> -> memref<8x512xf32, #tpu.memory_space<vmem>>
          %dma_wait3A_545 = arith.constant 0 : i32
          %dma_wait3A_546 = tpu.memref_slice %arg4[%add3A, %dma_wait3A_540, %mul3A_537, %dma_wait3A_545] : memref<32x3x512x512xf32, #tpu.memory_space<hbm>> -> memref<1x1x8x512xf32, #tpu.memory_space<hbm>>
          %dma_wait3A_547 = tpu.memref_squeeze %dma_wait3A_546 : memref<1x1x8x512xf32, #tpu.memory_space<hbm>> -> memref<8x512xf32, #tpu.memory_space<hbm>>
          %dma_wait3A_548 = arith.constant 0 : i32
          %dma_wait3A_549 = tpu.memref_slice %arg4[%add3A, %dma_wait3A_540, %mul3A_537, %dma_wait3A_548] : memref<32x3x512x512xf32, #tpu.memory_space<hbm>> -> memref<1x1x8x512xf32, #tpu.memory_space<hbm>>
          %dma_wait3A_550 = tpu.memref_squeeze %dma_wait3A_549 : memref<1x1x8x512xf32, #tpu.memory_space<hbm>> -> memref<8x512xf32, #tpu.memory_space<hbm>>
          %dma_wait3A_551 = arith.constant 0 : i32
          %dma_wait3A_552 = arith.constant 0 : i32
          %dma_wait3A_553 = tpu.memref_slice %arg7[%dma_wait3A_538, %dma_wait3A_539, %dma_wait3A_551, %dma_wait3A_552] : memref<2x3x8x512xf32, #tpu.memory_space<vmem>> -> memref<1x1x8x512xf32, #tpu.memory_space<vmem>>
          %dma_wait3A_554 = tpu.memref_squeeze %dma_wait3A_553 : memref<1x1x8x512xf32, #tpu.memory_space<vmem>> -> memref<8x512xf32, #tpu.memory_space<vmem>>
          tpu.wait_dma2 semaphore(%arg11 : memref<!tpu.dma_semaphore, #tpu.memory_space<semaphore_mem>>) src(%dma_wait3A_554 : memref<8x512xf32, #tpu.memory_space<vmem>>) dst(%dma_wait3A_550 : memref<8x512xf32, #tpu.memory_space<hbm>>)
          %dma_wait3A_555 = arith.constant 1 : i32
          %dma_wait3A_556 = arith.constant 1 : i32
          %dma_wait3A_557 = arith.constant 1 : i32
          %dma_wait3A_558 = arith.constant 0 : i32
          %dma_wait3A_559 = arith.constant 0 : i32
          %dma_wait3A_560 = tpu.memref_slice %arg7[%dma_wait3A_555, %dma_wait3A_556, %dma_wait3A_558, %dma_wait3A_559] : memref<2x3x8x512xf32, #tpu.memory_space<vmem>> -> memref<1x1x8x512xf32, #tpu.memory_space<vmem>>
          %dma_wait3A_561 = tpu.memref_squeeze %dma_wait3A_560 : memref<1x1x8x512xf32, #tpu.memory_space<vmem>> -> memref<8x512xf32, #tpu.memory_space<vmem>>
          %dma_wait3A_562 = arith.constant 0 : i32
          %dma_wait3A_563 = tpu.memref_slice %arg4[%add3A, %dma_wait3A_557, %mul3A_537, %dma_wait3A_562] : memref<32x3x512x512xf32, #tpu.memory_space<hbm>> -> memref<1x1x8x512xf32, #tpu.memory_space<hbm>>
          %dma_wait3A_564 = tpu.memref_squeeze %dma_wait3A_563 : memref<1x1x8x512xf32, #tpu.memory_space<hbm>> -> memref<8x512xf32, #tpu.memory_space<hbm>>
          %dma_wait3A_565 = arith.constant 0 : i32
          %dma_wait3A_566 = tpu.memref_slice %arg4[%add3A, %dma_wait3A_557, %mul3A_537, %dma_wait3A_565] : memref<32x3x512x512xf32, #tpu.memory_space<hbm>> -> memref<1x1x8x512xf32, #tpu.memory_space<hbm>>
          %dma_wait3A_567 = tpu.memref_squeeze %dma_wait3A_566 : memref<1x1x8x512xf32, #tpu.memory_space<hbm>> -> memref<8x512xf32, #tpu.memory_space<hbm>>
          %dma_wait3A_568 = arith.constant 0 : i32
          %dma_wait3A_569 = arith.constant 0 : i32
          %dma_wait3A_570 = tpu.memref_slice %arg7[%dma_wait3A_555, %dma_wait3A_556, %dma_wait3A_568, %dma_wait3A_569] : memref<2x3x8x512xf32, #tpu.memory_space<vmem>> -> memref<1x1x8x512xf32, #tpu.memory_space<vmem>>
          %dma_wait3A_571 = tpu.memref_squeeze %dma_wait3A_570 : memref<1x1x8x512xf32, #tpu.memory_space<vmem>> -> memref<8x512xf32, #tpu.memory_space<vmem>>
          tpu.wait_dma2 semaphore(%arg11 : memref<!tpu.dma_semaphore, #tpu.memory_space<semaphore_mem>>) src(%dma_wait3A_571 : memref<8x512xf32, #tpu.memory_space<vmem>>) dst(%dma_wait3A_567 : memref<8x512xf32, #tpu.memory_space<hbm>>)
          %dma_wait3A_572 = arith.constant 1 : i32
          %dma_wait3A_573 = arith.constant 2 : i32
          %dma_wait3A_574 = arith.constant 2 : i32
          %dma_wait3A_575 = arith.constant 0 : i32
          %dma_wait3A_576 = arith.constant 0 : i32
          %dma_wait3A_577 = tpu.memref_slice %arg7[%dma_wait3A_572, %dma_wait3A_573, %dma_wait3A_575, %dma_wait3A_576] : memref<2x3x8x512xf32, #tpu.memory_space<vmem>> -> memref<1x1x8x512xf32, #tpu.memory_space<vmem>>
          %dma_wait3A_578 = tpu.memref_squeeze %dma_wait3A_577 : memref<1x1x8x512xf32, #tpu.memory_space<vmem>> -> memref<8x512xf32, #tpu.memory_space<vmem>>
          %dma_wait3A_579 = arith.constant 0 : i32
          %dma_wait3A_580 = tpu.memref_slice %arg4[%add3A, %dma_wait3A_574, %mul3A_537, %dma_wait3A_579] : memref<32x3x512x512xf32, #tpu.memory_space<hbm>> -> memref<1x1x8x512xf32, #tpu.memory_space<hbm>>
          %dma_wait3A_581 = tpu.memref_squeeze %dma_wait3A_580 : memref<1x1x8x512xf32, #tpu.memory_space<hbm>> -> memref<8x512xf32, #tpu.memory_space<hbm>>
          %dma_wait3A_582 = arith.constant 0 : i32
          %dma_wait3A_583 = tpu.memref_slice %arg4[%add3A, %dma_wait3A_574, %mul3A_537, %dma_wait3A_582] : memref<32x3x512x512xf32, #tpu.memory_space<hbm>> -> memref<1x1x8x512xf32, #tpu.memory_space<hbm>>
          %dma_wait3A_584 = tpu.memref_squeeze %dma_wait3A_583 : memref<1x1x8x512xf32, #tpu.memory_space<hbm>> -> memref<8x512xf32, #tpu.memory_space<hbm>>
          %dma_wait3A_585 = arith.constant 0 : i32
          %dma_wait3A_586 = arith.constant 0 : i32
          %dma_wait3A_587 = tpu.memref_slice %arg7[%dma_wait3A_572, %dma_wait3A_573, %dma_wait3A_585, %dma_wait3A_586] : memref<2x3x8x512xf32, #tpu.memory_space<vmem>> -> memref<1x1x8x512xf32, #tpu.memory_space<vmem>>
          %dma_wait3A_588 = tpu.memref_squeeze %dma_wait3A_587 : memref<1x1x8x512xf32, #tpu.memory_space<vmem>> -> memref<8x512xf32, #tpu.memory_space<vmem>>
          tpu.wait_dma2 semaphore(%arg11 : memref<!tpu.dma_semaphore, #tpu.memory_space<semaphore_mem>>) src(%dma_wait3A_588 : memref<8x512xf32, #tpu.memory_space<vmem>>) dst(%dma_wait3A_584 : memref<8x512xf32, #tpu.memory_space<hbm>>)
        } else {
        }
        %scan3A_467 = arith.constant 0 : i32
        %scan3A_468 = arith.constant 0 : i32
        %scan3A_469 = arith.constant 8 : i32
        %scan3A_470 = arith.addi %scan3A_468, %scan3A_469 : i32
        %scan3A_471 = arith.constant 1 : i32
        %scan3A_472 = scf.for %scan3A_535 = %scan3A_468 to %scan3A_470 step %scan3A_471 iter_args(%scan3A_536 = %scan3A_467) -> (i32)  : i32 {
          %mul3A_537 = arith.constant 8 : i32
          %mul3A_538 = arith.muli %add3A_408, %mul3A_537 : i32
          %add3A_539 = arith.addi %mul3A_538, %scan3A_535 : i32
          %add3A_540 = arith.constant 256 : i32
          %add3A_541 = arith.addi %add3A_539, %add3A_540 : i32
          %convert_element_type3A_542 = arith.sitofp %add3A_541 : i32 to f32
          %sub3A = arith.constant 5.115000e+02 : f32
          %sub3A_543 = arith.subf %convert_element_type3A_542, %sub3A : f32
          %mul3A_544 = vector.broadcast %sub3A_543 : f32 to vector<16xf32>
          %mul3A_545 = arith.mulf %get3A_7, %mul3A_544 : vector<16xf32>
          %add3A_546 = arith.constant 5.115000e+02 : f32
          %add3A_547 = vector.broadcast %add3A_546 : f32 to vector<16xf32>
          %add3A_548 = arith.addf %mul3A_545, %add3A_547 : vector<16xf32>
          %neg3A = arith.constant 0.000000e+00 : f32
          %neg3A_549 = vector.broadcast %neg3A : f32 to vector<16xf32>
          %neg3A_550 = arith.subf %neg3A_549, %get3A_12 : vector<16xf32>
          %mul3A_551 = vector.broadcast %sub3A_543 : f32 to vector<16xf32>
          %mul3A_552 = arith.mulf %neg3A_550, %mul3A_551 : vector<16xf32>
          %add3A_553 = arith.constant 5.115000e+02 : f32
          %add3A_554 = vector.broadcast %add3A_553 : f32 to vector<16xf32>
          %add3A_555 = arith.addf %mul3A_552, %add3A_554 : vector<16xf32>
          %parallel_loop3A = arith.constant 0 : i32
          %parallel_loop3A_556 = arith.constant 32 : i32
          %parallel_loop3A_557 = arith.constant 1 : i32
          scf.for %parallel_loop3A_559 = %parallel_loop3A to %parallel_loop3A_556 step %parallel_loop3A_557  : i32 {
            %parallel_loop3A_560 = arith.constant 16 : i32
            %parallel_loop3A_561 = arith.muli %parallel_loop3A_559, %parallel_loop3A_560 : i32
            %parallel_loop3A_562 = arith.sitofp %parallel_loop3A_561 : i32 to f32
            %parallel_loop3A_563 = vector.broadcast %parallel_loop3A_562 : f32 to vector<16xf32>
            %parallel_loop3A_564 = arith.addf %convert_element_type3A, %parallel_loop3A_563 : vector<16xf32>
            %parallel_loop3A_565 = arith.constant -2.555000e+02 : f32
            %parallel_loop3A_566 = vector.broadcast %parallel_loop3A_565 : f32 to vector<16xf32>
            %parallel_loop3A_567 = arith.addf %parallel_loop3A_564, %parallel_loop3A_566 : vector<16xf32>
            %parallel_loop3A_568 = arith.mulf %get3A_12, %parallel_loop3A_567 : vector<16xf32>
            %parallel_loop3A_569 = arith.addf %parallel_loop3A_568, %add3A_548 : vector<16xf32>
            %parallel_loop3A_570 = arith.mulf %get3A_7, %parallel_loop3A_567 : vector<16xf32>
            %parallel_loop3A_571 = arith.addf %parallel_loop3A_570, %add3A_555 : vector<16xf32>
            %parallel_loop3A_572 = arith.fptosi %parallel_loop3A_569 : vector<16xf32> to vector<16xi32>
            %parallel_loop3A_573 = arith.sitofp %parallel_loop3A_572 : vector<16xi32> to vector<16xf32>
            %parallel_loop3A_574 = arith.fptosi %parallel_loop3A_571 : vector<16xf32> to vector<16xi32>
            %parallel_loop3A_575 = arith.sitofp %parallel_loop3A_574 : vector<16xi32> to vector<16xf32>
            %parallel_loop3A_576 = arith.subf %parallel_loop3A_569, %parallel_loop3A_573 : vector<16xf32>
            %parallel_loop3A_577 = arith.subf %parallel_loop3A_571, %parallel_loop3A_575 : vector<16xf32>
            %parallel_loop3A_578 = arith.subf %parallel_loop3A_573, %get3A_32 : vector<16xf32>
            %parallel_loop3A_579 = arith.constant 0.000000e+00 : f32
            %parallel_loop3A_580 = vector.broadcast %parallel_loop3A_579 : f32 to vector<16xf32>
            %parallel_loop3A_581 = arith.maximumf %parallel_loop3A_578, %parallel_loop3A_580 : vector<16xf32>
            %parallel_loop3A_582 = arith.mulf %parallel_loop3A_581, %get3A_42 : vector<16xf32>
            %parallel_loop3A_583 = arith.constant 5.000000e-01 : f32
            %parallel_loop3A_584 = vector.broadcast %parallel_loop3A_583 : f32 to vector<16xf32>
            %parallel_loop3A_585 = arith.addf %parallel_loop3A_582, %parallel_loop3A_584 : vector<16xf32>
            %parallel_loop3A_586 = arith.fptosi %parallel_loop3A_585 : vector<16xf32> to vector<16xi32>
            %parallel_loop3A_587 = arith.sitofp %parallel_loop3A_586 : vector<16xi32> to vector<16xf32>
            %parallel_loop3A_588 = arith.mulf %parallel_loop3A_587, %get3A_17 : vector<16xf32>
            %parallel_loop3A_589 = arith.subf %parallel_loop3A_581, %parallel_loop3A_588 : vector<16xf32>
            %parallel_loop3A_590 = arith.constant 0.000000e+00 : f32
            %parallel_loop3A_591 = vector.broadcast %parallel_loop3A_590 : f32 to vector<16xf32>
            %parallel_loop3A_592 = arith.cmpf olt, %parallel_loop3A_589, %parallel_loop3A_591 : vector<16xf32>
            %parallel_loop3A_593 = arith.constant 1.000000e+00 : f32
            %parallel_loop3A_594 = arith.constant 0.000000e+00 : f32
            %parallel_loop3A_595 = vector.broadcast %parallel_loop3A_593 : f32 to vector<16xf32>
            %parallel_loop3A_596 = vector.broadcast %parallel_loop3A_594 : f32 to vector<16xf32>
            %parallel_loop3A_597 = arith.select %parallel_loop3A_592, %parallel_loop3A_595, %parallel_loop3A_596 : vector<16xi1>, vector<16xf32>
            %parallel_loop3A_598 = arith.subf %parallel_loop3A_587, %parallel_loop3A_597 : vector<16xf32>
            %parallel_loop3A_599 = arith.mulf %parallel_loop3A_597, %get3A_17 : vector<16xf32>
            %parallel_loop3A_600 = arith.addf %parallel_loop3A_589, %parallel_loop3A_599 : vector<16xf32>
            %parallel_loop3A_601 = arith.cmpf oge, %parallel_loop3A_573, %get3A_32 : vector<16xf32>
            %parallel_loop3A_602 = arith.cmpf olt, %parallel_loop3A_600, %get3A_22 : vector<16xf32>
            %parallel_loop3A_603 = arith.andi %parallel_loop3A_601, %parallel_loop3A_602 : vector<16xi1>
            %parallel_loop3A_604 = arith.cmpf olt, %parallel_loop3A_598, %get3A_27 : vector<16xf32>
            %parallel_loop3A_605 = arith.andi %parallel_loop3A_603, %parallel_loop3A_604 : vector<16xi1>
            %parallel_loop3A_606 = arith.constant 1.000000e+00 : f32
            %parallel_loop3A_607 = arith.constant 0.000000e+00 : f32
            %parallel_loop3A_608 = vector.broadcast %parallel_loop3A_606 : f32 to vector<16xf32>
            %parallel_loop3A_609 = vector.broadcast %parallel_loop3A_607 : f32 to vector<16xf32>
            %parallel_loop3A_610 = arith.select %parallel_loop3A_605, %parallel_loop3A_608, %parallel_loop3A_609 : vector<16xi1>, vector<16xf32>
            %parallel_loop3A_611 = arith.constant 1.000000e+00 : f32
            %parallel_loop3A_612 = vector.broadcast %parallel_loop3A_611 : f32 to vector<16xf32>
            %parallel_loop3A_613 = arith.addf %parallel_loop3A_600, %parallel_loop3A_612 : vector<16xf32>
            %parallel_loop3A_614 = arith.cmpf oge, %parallel_loop3A_613, %get3A_17 : vector<16xf32>
            %parallel_loop3A_615 = arith.constant 1.000000e+00 : f32
            %parallel_loop3A_616 = arith.constant 0.000000e+00 : f32
            %parallel_loop3A_617 = vector.broadcast %parallel_loop3A_615 : f32 to vector<16xf32>
            %parallel_loop3A_618 = vector.broadcast %parallel_loop3A_616 : f32 to vector<16xf32>
            %parallel_loop3A_619 = arith.select %parallel_loop3A_614, %parallel_loop3A_617, %parallel_loop3A_618 : vector<16xi1>, vector<16xf32>
            %parallel_loop3A_620 = arith.mulf %parallel_loop3A_619, %get3A_17 : vector<16xf32>
            %parallel_loop3A_621 = arith.subf %parallel_loop3A_613, %parallel_loop3A_620 : vector<16xf32>
            %parallel_loop3A_622 = arith.addf %parallel_loop3A_598, %parallel_loop3A_619 : vector<16xf32>
            %parallel_loop3A_623 = arith.constant 1.000000e+00 : f32
            %parallel_loop3A_624 = vector.broadcast %parallel_loop3A_623 : f32 to vector<16xf32>
            %parallel_loop3A_625 = arith.addf %parallel_loop3A_573, %parallel_loop3A_624 : vector<16xf32>
            %parallel_loop3A_626 = arith.cmpf oge, %parallel_loop3A_625, %get3A_32 : vector<16xf32>
            %parallel_loop3A_627 = arith.cmpf olt, %parallel_loop3A_621, %get3A_22 : vector<16xf32>
            %parallel_loop3A_628 = arith.andi %parallel_loop3A_626, %parallel_loop3A_627 : vector<16xi1>
            %parallel_loop3A_629 = arith.cmpf olt, %parallel_loop3A_622, %get3A_27 : vector<16xf32>
            %parallel_loop3A_630 = arith.andi %parallel_loop3A_628, %parallel_loop3A_629 : vector<16xi1>
            %parallel_loop3A_631 = arith.constant 1.000000e+00 : f32
            %parallel_loop3A_632 = arith.constant 0.000000e+00 : f32
            %parallel_loop3A_633 = vector.broadcast %parallel_loop3A_631 : f32 to vector<16xf32>
            %parallel_loop3A_634 = vector.broadcast %parallel_loop3A_632 : f32 to vector<16xf32>
            %parallel_loop3A_635 = arith.select %parallel_loop3A_630, %parallel_loop3A_633, %parallel_loop3A_634 : vector<16xi1>, vector<16xf32>
            %parallel_loop3A_636 = arith.subf %parallel_loop3A_575, %get3A_37 : vector<16xf32>
            %parallel_loop3A_637 = arith.constant 0.000000e+00 : f32
            %parallel_loop3A_638 = vector.broadcast %parallel_loop3A_637 : f32 to vector<16xf32>
            %parallel_loop3A_639 = arith.maximumf %parallel_loop3A_636, %parallel_loop3A_638 : vector<16xf32>
            %parallel_loop3A_640 = arith.mulf %parallel_loop3A_639, %get3A_42 : vector<16xf32>
            %parallel_loop3A_641 = arith.constant 5.000000e-01 : f32
            %parallel_loop3A_642 = vector.broadcast %parallel_loop3A_641 : f32 to vector<16xf32>
            %parallel_loop3A_643 = arith.addf %parallel_loop3A_640, %parallel_loop3A_642 : vector<16xf32>
            %parallel_loop3A_644 = arith.fptosi %parallel_loop3A_643 : vector<16xf32> to vector<16xi32>
            %parallel_loop3A_645 = arith.sitofp %parallel_loop3A_644 : vector<16xi32> to vector<16xf32>
            %parallel_loop3A_646 = arith.mulf %parallel_loop3A_645, %get3A_17 : vector<16xf32>
            %parallel_loop3A_647 = arith.subf %parallel_loop3A_639, %parallel_loop3A_646 : vector<16xf32>
            %parallel_loop3A_648 = arith.constant 0.000000e+00 : f32
            %parallel_loop3A_649 = vector.broadcast %parallel_loop3A_648 : f32 to vector<16xf32>
            %parallel_loop3A_650 = arith.cmpf olt, %parallel_loop3A_647, %parallel_loop3A_649 : vector<16xf32>
            %parallel_loop3A_651 = arith.constant 1.000000e+00 : f32
            %parallel_loop3A_652 = arith.constant 0.000000e+00 : f32
            %parallel_loop3A_653 = vector.broadcast %parallel_loop3A_651 : f32 to vector<16xf32>
            %parallel_loop3A_654 = vector.broadcast %parallel_loop3A_652 : f32 to vector<16xf32>
            %parallel_loop3A_655 = arith.select %parallel_loop3A_650, %parallel_loop3A_653, %parallel_loop3A_654 : vector<16xi1>, vector<16xf32>
            %parallel_loop3A_656 = arith.subf %parallel_loop3A_645, %parallel_loop3A_655 : vector<16xf32>
            %parallel_loop3A_657 = arith.mulf %parallel_loop3A_655, %get3A_17 : vector<16xf32>
            %parallel_loop3A_658 = arith.addf %parallel_loop3A_647, %parallel_loop3A_657 : vector<16xf32>
            %parallel_loop3A_659 = arith.cmpf oge, %parallel_loop3A_575, %get3A_37 : vector<16xf32>
            %parallel_loop3A_660 = arith.cmpf olt, %parallel_loop3A_658, %get3A_22 : vector<16xf32>
            %parallel_loop3A_661 = arith.andi %parallel_loop3A_659, %parallel_loop3A_660 : vector<16xi1>
            %parallel_loop3A_662 = arith.cmpf olt, %parallel_loop3A_656, %get3A_27 : vector<16xf32>
            %parallel_loop3A_663 = arith.andi %parallel_loop3A_661, %parallel_loop3A_662 : vector<16xi1>
            %parallel_loop3A_664 = arith.constant 1.000000e+00 : f32
            %parallel_loop3A_665 = arith.constant 0.000000e+00 : f32
            %parallel_loop3A_666 = vector.broadcast %parallel_loop3A_664 : f32 to vector<16xf32>
            %parallel_loop3A_667 = vector.broadcast %parallel_loop3A_665 : f32 to vector<16xf32>
            %parallel_loop3A_668 = arith.select %parallel_loop3A_663, %parallel_loop3A_666, %parallel_loop3A_667 : vector<16xi1>, vector<16xf32>
            %parallel_loop3A_669 = arith.constant 1.000000e+00 : f32
            %parallel_loop3A_670 = vector.broadcast %parallel_loop3A_669 : f32 to vector<16xf32>
            %parallel_loop3A_671 = arith.addf %parallel_loop3A_658, %parallel_loop3A_670 : vector<16xf32>
            %parallel_loop3A_672 = arith.cmpf oge, %parallel_loop3A_671, %get3A_17 : vector<16xf32>
            %parallel_loop3A_673 = arith.constant 1.000000e+00 : f32
            %parallel_loop3A_674 = arith.constant 0.000000e+00 : f32
            %parallel_loop3A_675 = vector.broadcast %parallel_loop3A_673 : f32 to vector<16xf32>
            %parallel_loop3A_676 = vector.broadcast %parallel_loop3A_674 : f32 to vector<16xf32>
            %parallel_loop3A_677 = arith.select %parallel_loop3A_672, %parallel_loop3A_675, %parallel_loop3A_676 : vector<16xi1>, vector<16xf32>
            %parallel_loop3A_678 = arith.mulf %parallel_loop3A_677, %get3A_17 : vector<16xf32>
            %parallel_loop3A_679 = arith.subf %parallel_loop3A_671, %parallel_loop3A_678 : vector<16xf32>
            %parallel_loop3A_680 = arith.addf %parallel_loop3A_656, %parallel_loop3A_677 : vector<16xf32>
            %parallel_loop3A_681 = arith.constant 1.000000e+00 : f32
            %parallel_loop3A_682 = vector.broadcast %parallel_loop3A_681 : f32 to vector<16xf32>
            %parallel_loop3A_683 = arith.addf %parallel_loop3A_575, %parallel_loop3A_682 : vector<16xf32>
            %parallel_loop3A_684 = arith.cmpf oge, %parallel_loop3A_683, %get3A_37 : vector<16xf32>
            %parallel_loop3A_685 = arith.cmpf olt, %parallel_loop3A_679, %get3A_22 : vector<16xf32>
            %parallel_loop3A_686 = arith.andi %parallel_loop3A_684, %parallel_loop3A_685 : vector<16xi1>
            %parallel_loop3A_687 = arith.cmpf olt, %parallel_loop3A_680, %get3A_27 : vector<16xf32>
            %parallel_loop3A_688 = arith.andi %parallel_loop3A_686, %parallel_loop3A_687 : vector<16xi1>
            %parallel_loop3A_689 = arith.constant 1.000000e+00 : f32
            %parallel_loop3A_690 = arith.constant 0.000000e+00 : f32
            %parallel_loop3A_691 = vector.broadcast %parallel_loop3A_689 : f32 to vector<16xf32>
            %parallel_loop3A_692 = vector.broadcast %parallel_loop3A_690 : f32 to vector<16xf32>
            %parallel_loop3A_693 = arith.select %parallel_loop3A_688, %parallel_loop3A_691, %parallel_loop3A_692 : vector<16xi1>, vector<16xf32>
            %parallel_loop3A_694 = arith.subf %parallel_loop3A_635, %parallel_loop3A_610 : vector<16xf32>
            %parallel_loop3A_695 = arith.mulf %parallel_loop3A_576, %parallel_loop3A_694 : vector<16xf32>
            %parallel_loop3A_696 = arith.addf %parallel_loop3A_610, %parallel_loop3A_695 : vector<16xf32>
            %parallel_loop3A_697 = arith.subf %parallel_loop3A_693, %parallel_loop3A_668 : vector<16xf32>
            %parallel_loop3A_698 = arith.mulf %parallel_loop3A_577, %parallel_loop3A_697 : vector<16xf32>
            %parallel_loop3A_699 = arith.addf %parallel_loop3A_668, %parallel_loop3A_698 : vector<16xf32>
            %parallel_loop3A_700 = arith.addf %parallel_loop3A_696, %parallel_loop3A_699 : vector<16xf32>
            %parallel_loop3A_701 = arith.mulf %parallel_loop3A_696, %parallel_loop3A_699 : vector<16xf32>
            %parallel_loop3A_702 = arith.subf %parallel_loop3A_700, %parallel_loop3A_701 : vector<16xf32>
            %parallel_loop3A_703 = arith.constant 16 : i32
            %parallel_loop3A_704 = arith.muli %parallel_loop3A_559, %parallel_loop3A_703 : i32
            %parallel_loop3A_705 = arith.constant 1 : i32
            %parallel_loop3A_706 = arith.constant 0 : i32
            %parallel_loop3A_707 = arith.index_cast %parallel_loop3A_705 : i32 to index
            %parallel_loop3A_708 = arith.index_cast %parallel_loop3A_706 : i32 to index
            %parallel_loop3A_709 = arith.index_cast %scan3A_535 : i32 to index
            %parallel_loop3A_710 = arith.index_cast %parallel_loop3A_704 : i32 to index
            %parallel_loop3A_711 = tpu.vector_load %arg6[%parallel_loop3A_707, %parallel_loop3A_708, %parallel_loop3A_709, %parallel_loop3A_710] {strides = array<i32>} : memref<2x3x8x512xf32, #tpu.memory_space<vmem>>, vector<1x1x1x16xf32>,
            %parallel_loop3A_712 = vector.shape_cast %parallel_loop3A_711 : vector<1x1x1x16xf32> to vector<16xf32>
            %parallel_loop3A_713 = arith.mulf %parallel_loop3A_712, %parallel_loop3A_702 : vector<16xf32>
            %parallel_loop3A_714 = arith.constant 16 : i32
            %parallel_loop3A_715 = arith.muli %parallel_loop3A_559, %parallel_loop3A_714 : i32
            %parallel_loop3A_716 = arith.constant 1 : i32
            %parallel_loop3A_717 = arith.constant 0 : i32
            %parallel_loop3A_718 = arith.index_cast %parallel_loop3A_716 : i32 to index
            %parallel_loop3A_719 = arith.index_cast %parallel_loop3A_717 : i32 to index
            %parallel_loop3A_720 = arith.index_cast %scan3A_535 : i32 to index
            %parallel_loop3A_721 = arith.index_cast %parallel_loop3A_715 : i32 to index
            %parallel_loop3A_722 = tpu.vector_load %arg7[%parallel_loop3A_718, %parallel_loop3A_719, %parallel_loop3A_720, %parallel_loop3A_721] {strides = array<i32>} : memref<2x3x8x512xf32, #tpu.memory_space<vmem>>, vector<1x1x1x16xf32>,
            %parallel_loop3A_723 = vector.shape_cast %parallel_loop3A_722 : vector<1x1x1x16xf32> to vector<16xf32>
            %parallel_loop3A_724 = vector.shape_cast %parallel_loop3A_713 : vector<16xf32> to vector<1x1x1x16xf32>
            tpu.vector_store %arg7[%parallel_loop3A_718, %parallel_loop3A_719, %parallel_loop3A_720, %parallel_loop3A_721], %parallel_loop3A_724 {strides = array<i32>} : memref<2x3x8x512xf32, #tpu.memory_space<vmem>>, vector<1x1x1x16xf32>,
            %parallel_loop3A_725 = arith.constant 16 : i32
            %parallel_loop3A_726 = arith.muli %parallel_loop3A_559, %parallel_loop3A_725 : i32
            %parallel_loop3A_727 = arith.constant 1 : i32
            %parallel_loop3A_728 = arith.constant 1 : i32
            %parallel_loop3A_729 = arith.index_cast %parallel_loop3A_727 : i32 to index
            %parallel_loop3A_730 = arith.index_cast %parallel_loop3A_728 : i32 to index
            %parallel_loop3A_731 = arith.index_cast %scan3A_535 : i32 to index
            %parallel_loop3A_732 = arith.index_cast %parallel_loop3A_726 : i32 to index
            %parallel_loop3A_733 = tpu.vector_load %arg6[%parallel_loop3A_729, %parallel_loop3A_730, %parallel_loop3A_731, %parallel_loop3A_732] {strides = array<i32>} : memref<2x3x8x512xf32, #tpu.memory_space<vmem>>, vector<1x1x1x16xf32>,
            %parallel_loop3A_734 = vector.shape_cast %parallel_loop3A_733 : vector<1x1x1x16xf32> to vector<16xf32>
            %parallel_loop3A_735 = arith.mulf %parallel_loop3A_734, %parallel_loop3A_702 : vector<16xf32>
            %parallel_loop3A_736 = arith.constant 16 : i32
            %parallel_loop3A_737 = arith.muli %parallel_loop3A_559, %parallel_loop3A_736 : i32
            %parallel_loop3A_738 = arith.constant 1 : i32
            %parallel_loop3A_739 = arith.constant 1 : i32
            %parallel_loop3A_740 = arith.index_cast %parallel_loop3A_738 : i32 to index
            %parallel_loop3A_741 = arith.index_cast %parallel_loop3A_739 : i32 to index
            %parallel_loop3A_742 = arith.index_cast %scan3A_535 : i32 to index
            %parallel_loop3A_743 = arith.index_cast %parallel_loop3A_737 : i32 to index
            %parallel_loop3A_744 = tpu.vector_load %arg7[%parallel_loop3A_740, %parallel_loop3A_741, %parallel_loop3A_742, %parallel_loop3A_743] {strides = array<i32>} : memref<2x3x8x512xf32, #tpu.memory_space<vmem>>, vector<1x1x1x16xf32>,
            %parallel_loop3A_745 = vector.shape_cast %parallel_loop3A_744 : vector<1x1x1x16xf32> to vector<16xf32>
            %parallel_loop3A_746 = vector.shape_cast %parallel_loop3A_735 : vector<16xf32> to vector<1x1x1x16xf32>
            tpu.vector_store %arg7[%parallel_loop3A_740, %parallel_loop3A_741, %parallel_loop3A_742, %parallel_loop3A_743], %parallel_loop3A_746 {strides = array<i32>} : memref<2x3x8x512xf32, #tpu.memory_space<vmem>>, vector<1x1x1x16xf32>,
            %parallel_loop3A_747 = arith.constant 16 : i32
            %parallel_loop3A_748 = arith.muli %parallel_loop3A_559, %parallel_loop3A_747 : i32
            %parallel_loop3A_749 = arith.constant 1 : i32
            %parallel_loop3A_750 = arith.constant 2 : i32
            %parallel_loop3A_751 = arith.index_cast %parallel_loop3A_749 : i32 to index
            %parallel_loop3A_752 = arith.index_cast %parallel_loop3A_750 : i32 to index
            %parallel_loop3A_753 = arith.index_cast %scan3A_535 : i32 to index
            %parallel_loop3A_754 = arith.index_cast %parallel_loop3A_748 : i32 to index
            %parallel_loop3A_755 = tpu.vector_load %arg6[%parallel_loop3A_751, %parallel_loop3A_752, %parallel_loop3A_753, %parallel_loop3A_754] {strides = array<i32>} : memref<2x3x8x512xf32, #tpu.memory_space<vmem>>, vector<1x1x1x16xf32>,
            %parallel_loop3A_756 = vector.shape_cast %parallel_loop3A_755 : vector<1x1x1x16xf32> to vector<16xf32>
            %parallel_loop3A_757 = arith.mulf %parallel_loop3A_756, %parallel_loop3A_702 : vector<16xf32>
            %parallel_loop3A_758 = arith.constant 16 : i32
            %parallel_loop3A_759 = arith.muli %parallel_loop3A_559, %parallel_loop3A_758 : i32
            %parallel_loop3A_760 = arith.constant 1 : i32
            %parallel_loop3A_761 = arith.constant 2 : i32
            %parallel_loop3A_762 = arith.index_cast %parallel_loop3A_760 : i32 to index
            %parallel_loop3A_763 = arith.index_cast %parallel_loop3A_761 : i32 to index
            %parallel_loop3A_764 = arith.index_cast %scan3A_535 : i32 to index
            %parallel_loop3A_765 = arith.index_cast %parallel_loop3A_759 : i32 to index
            %parallel_loop3A_766 = tpu.vector_load %arg7[%parallel_loop3A_762, %parallel_loop3A_763, %parallel_loop3A_764, %parallel_loop3A_765] {strides = array<i32>} : memref<2x3x8x512xf32, #tpu.memory_space<vmem>>, vector<1x1x1x16xf32>,
            %parallel_loop3A_767 = vector.shape_cast %parallel_loop3A_766 : vector<1x1x1x16xf32> to vector<16xf32>
            %parallel_loop3A_768 = vector.shape_cast %parallel_loop3A_757 : vector<16xf32> to vector<1x1x1x16xf32>
            tpu.vector_store %arg7[%parallel_loop3A_762, %parallel_loop3A_763, %parallel_loop3A_764, %parallel_loop3A_765], %parallel_loop3A_768 {strides = array<i32>} : memref<2x3x8x512xf32, #tpu.memory_space<vmem>>, vector<1x1x1x16xf32>,
          } {sc.loop_unroll_factor = 2 : i64, sc.parallel_access}
          %scan3A_558 = arith.constant 0 : i32
          scf.yield %scan3A_558 : i32
        }
        %scan3A_473 = arith.constant 8 : i32
        %mul3A_474 = arith.constant 8 : i32
        %mul3A_475 = arith.muli %add3A_408, %mul3A_474 : i32
        %dma_start3A_476 = arith.constant 1 : i32
        %dma_start3A_477 = arith.constant 0 : i32
        %dma_start3A_478 = arith.constant 0 : i32
        %dma_start3A_479 = arith.constant 0 : i32
        %dma_start3A_480 = arith.constant 0 : i32
        %dma_start3A_481 = tpu.memref_slice %arg7[%dma_start3A_476, %dma_start3A_477, %dma_start3A_479, %dma_start3A_480] : memref<2x3x8x512xf32, #tpu.memory_space<vmem>> -> memref<1x1x8x512xf32, #tpu.memory_space<vmem>>
        %dma_start3A_482 = tpu.memref_squeeze %dma_start3A_481 : memref<1x1x8x512xf32, #tpu.memory_space<vmem>> -> memref<8x512xf32, #tpu.memory_space<vmem>>
        %dma_start3A_483 = arith.constant 0 : i32
        %dma_start3A_484 = tpu.memref_slice %arg4[%add3A, %dma_start3A_478, %mul3A_475, %dma_start3A_483] : memref<32x3x512x512xf32, #tpu.memory_space<hbm>> -> memref<1x1x8x512xf32, #tpu.memory_space<hbm>>
        %dma_start3A_485 = tpu.memref_squeeze %dma_start3A_484 : memref<1x1x8x512xf32, #tpu.memory_space<hbm>> -> memref<8x512xf32, #tpu.memory_space<hbm>>
        %dma_start3A_486 = arith.constant 0 : i32
        %dma_start3A_487 = tpu.memref_slice %arg4[%add3A, %dma_start3A_478, %mul3A_475, %dma_start3A_486] : memref<32x3x512x512xf32, #tpu.memory_space<hbm>> -> memref<1x1x8x512xf32, #tpu.memory_space<hbm>>
        %dma_start3A_488 = tpu.memref_squeeze %dma_start3A_487 : memref<1x1x8x512xf32, #tpu.memory_space<hbm>> -> memref<8x512xf32, #tpu.memory_space<hbm>>
        %dma_start3A_489 = arith.constant 0 : i32
        %dma_start3A_490 = arith.constant 0 : i32
        %dma_start3A_491 = tpu.memref_slice %arg7[%dma_start3A_476, %dma_start3A_477, %dma_start3A_489, %dma_start3A_490] : memref<2x3x8x512xf32, #tpu.memory_space<vmem>> -> memref<1x1x8x512xf32, #tpu.memory_space<vmem>>
        %dma_start3A_492 = tpu.memref_squeeze %dma_start3A_491 : memref<1x1x8x512xf32, #tpu.memory_space<vmem>> -> memref<8x512xf32, #tpu.memory_space<vmem>>
        tpu.enqueue_dma source(%dma_start3A_492 : memref<8x512xf32, #tpu.memory_space<vmem>>) target(%dma_start3A_488 : memref<8x512xf32, #tpu.memory_space<hbm>>) target_semaphore(%arg11 : memref<!tpu.dma_semaphore, #tpu.memory_space<semaphore_mem>>)
        %dma_start3A_493 = arith.constant 1 : i32
        %dma_start3A_494 = arith.constant 1 : i32
        %dma_start3A_495 = arith.constant 1 : i32
        %dma_start3A_496 = arith.constant 0 : i32
        %dma_start3A_497 = arith.constant 0 : i32
        %dma_start3A_498 = tpu.memref_slice %arg7[%dma_start3A_493, %dma_start3A_494, %dma_start3A_496, %dma_start3A_497] : memref<2x3x8x512xf32, #tpu.memory_space<vmem>> -> memref<1x1x8x512xf32, #tpu.memory_space<vmem>>
        %dma_start3A_499 = tpu.memref_squeeze %dma_start3A_498 : memref<1x1x8x512xf32, #tpu.memory_space<vmem>> -> memref<8x512xf32, #tpu.memory_space<vmem>>
        %dma_start3A_500 = arith.constant 0 : i32
        %dma_start3A_501 = tpu.memref_slice %arg4[%add3A, %dma_start3A_495, %mul3A_475, %dma_start3A_500] : memref<32x3x512x512xf32, #tpu.memory_space<hbm>> -> memref<1x1x8x512xf32, #tpu.memory_space<hbm>>
        %dma_start3A_502 = tpu.memref_squeeze %dma_start3A_501 : memref<1x1x8x512xf32, #tpu.memory_space<hbm>> -> memref<8x512xf32, #tpu.memory_space<hbm>>
        %dma_start3A_503 = arith.constant 0 : i32
        %dma_start3A_504 = tpu.memref_slice %arg4[%add3A, %dma_start3A_495, %mul3A_475, %dma_start3A_503] : memref<32x3x512x512xf32, #tpu.memory_space<hbm>> -> memref<1x1x8x512xf32, #tpu.memory_space<hbm>>
        %dma_start3A_505 = tpu.memref_squeeze %dma_start3A_504 : memref<1x1x8x512xf32, #tpu.memory_space<hbm>> -> memref<8x512xf32, #tpu.memory_space<hbm>>
        %dma_start3A_506 = arith.constant 0 : i32
        %dma_start3A_507 = arith.constant 0 : i32
        %dma_start3A_508 = tpu.memref_slice %arg7[%dma_start3A_493, %dma_start3A_494, %dma_start3A_506, %dma_start3A_507] : memref<2x3x8x512xf32, #tpu.memory_space<vmem>> -> memref<1x1x8x512xf32, #tpu.memory_space<vmem>>
        %dma_start3A_509 = tpu.memref_squeeze %dma_start3A_508 : memref<1x1x8x512xf32, #tpu.memory_space<vmem>> -> memref<8x512xf32, #tpu.memory_space<vmem>>
        tpu.enqueue_dma source(%dma_start3A_509 : memref<8x512xf32, #tpu.memory_space<vmem>>) target(%dma_start3A_505 : memref<8x512xf32, #tpu.memory_space<hbm>>) target_semaphore(%arg11 : memref<!tpu.dma_semaphore, #tpu.memory_space<semaphore_mem>>)
        %dma_start3A_510 = arith.constant 1 : i32
        %dma_start3A_511 = arith.constant 2 : i32
        %dma_start3A_512 = arith.constant 2 : i32
        %dma_start3A_513 = arith.constant 0 : i32
        %dma_start3A_514 = arith.constant 0 : i32
        %dma_start3A_515 = tpu.memref_slice %arg7[%dma_start3A_510, %dma_start3A_511, %dma_start3A_513, %dma_start3A_514] : memref<2x3x8x512xf32, #tpu.memory_space<vmem>> -> memref<1x1x8x512xf32, #tpu.memory_space<vmem>>
        %dma_start3A_516 = tpu.memref_squeeze %dma_start3A_515 : memref<1x1x8x512xf32, #tpu.memory_space<vmem>> -> memref<8x512xf32, #tpu.memory_space<vmem>>
        %dma_start3A_517 = arith.constant 0 : i32
        %dma_start3A_518 = tpu.memref_slice %arg4[%add3A, %dma_start3A_512, %mul3A_475, %dma_start3A_517] : memref<32x3x512x512xf32, #tpu.memory_space<hbm>> -> memref<1x1x8x512xf32, #tpu.memory_space<hbm>>
        %dma_start3A_519 = tpu.memref_squeeze %dma_start3A_518 : memref<1x1x8x512xf32, #tpu.memory_space<hbm>> -> memref<8x512xf32, #tpu.memory_space<hbm>>
        %dma_start3A_520 = arith.constant 0 : i32
        %dma_start3A_521 = tpu.memref_slice %arg4[%add3A, %dma_start3A_512, %mul3A_475, %dma_start3A_520] : memref<32x3x512x512xf32, #tpu.memory_space<hbm>> -> memref<1x1x8x512xf32, #tpu.memory_space<hbm>>
        %dma_start3A_522 = tpu.memref_squeeze %dma_start3A_521 : memref<1x1x8x512xf32, #tpu.memory_space<hbm>> -> memref<8x512xf32, #tpu.memory_space<hbm>>
        %dma_start3A_523 = arith.constant 0 : i32
        %dma_start3A_524 = arith.constant 0 : i32
        %dma_start3A_525 = tpu.memref_slice %arg7[%dma_start3A_510, %dma_start3A_511, %dma_start3A_523, %dma_start3A_524] : memref<2x3x8x512xf32, #tpu.memory_space<vmem>> -> memref<1x1x8x512xf32, #tpu.memory_space<vmem>>
        %dma_start3A_526 = tpu.memref_squeeze %dma_start3A_525 : memref<1x1x8x512xf32, #tpu.memory_space<vmem>> -> memref<8x512xf32, #tpu.memory_space<vmem>>
        tpu.enqueue_dma source(%dma_start3A_526 : memref<8x512xf32, #tpu.memory_space<vmem>>) target(%dma_start3A_522 : memref<8x512xf32, #tpu.memory_space<hbm>>) target_semaphore(%arg11 : memref<!tpu.dma_semaphore, #tpu.memory_space<semaphore_mem>>)
        %add3A_527 = arith.constant 2 : i32
        %add3A_528 = arith.addi %add3A_408, %add3A_527 : i32
        %lt3A_529 = arith.constant 64 : i32
        %lt3A_530 = arith.cmpi slt, %add3A_528, %lt3A_529 : i32
        %convert_element_type3A_531 = arith.extui %lt3A_530 : i1 to i32
        %cond3A_532 = arith.constant 0 : i32
        %cond3A_533 = arith.cmpi ne, %convert_element_type3A_531, %cond3A_532 : i32
        scf.if %cond3A_533 {
          %add3A_535 = arith.constant 2 : i32
          %add3A_536 = arith.addi %add3A_408, %add3A_535 : i32
          %mul3A_537 = arith.constant 8 : i32
          %mul3A_538 = arith.muli %add3A_536, %mul3A_537 : i32
          %dma_start3A_539 = arith.constant 0 : i32
          %dma_start3A_540 = arith.constant 1 : i32
          %dma_start3A_541 = arith.constant 0 : i32
          %dma_start3A_542 = arith.constant 0 : i32
          %dma_start3A_543 = arith.constant 0 : i32
          %dma_start3A_544 = tpu.memref_slice %arg6[%dma_start3A_540, %dma_start3A_541, %dma_start3A_542, %dma_start3A_543] : memref<2x3x8x512xf32, #tpu.memory_space<vmem>> -> memref<1x1x8x512xf32, #tpu.memory_space<vmem>>
          %dma_start3A_545 = tpu.memref_squeeze %dma_start3A_544 : memref<1x1x8x512xf32, #tpu.memory_space<vmem>> -> memref<8x512xf32, #tpu.memory_space<vmem>>
          %dma_start3A_546 = arith.constant 0 : i32
          %dma_start3A_547 = tpu.memref_slice %arg2[%add3A, %dma_start3A_539, %mul3A_538, %dma_start3A_546] : memref<32x3x512x512xf32, #tpu.memory_space<hbm>> -> memref<1x1x8x512xf32, #tpu.memory_space<hbm>>
          %dma_start3A_548 = tpu.memref_squeeze %dma_start3A_547 : memref<1x1x8x512xf32, #tpu.memory_space<hbm>> -> memref<8x512xf32, #tpu.memory_space<hbm>>
          %dma_start3A_549 = arith.constant 0 : i32
          %dma_start3A_550 = arith.constant 0 : i32
          %dma_start3A_551 = tpu.memref_slice %arg6[%dma_start3A_540, %dma_start3A_541, %dma_start3A_549, %dma_start3A_550] : memref<2x3x8x512xf32, #tpu.memory_space<vmem>> -> memref<1x1x8x512xf32, #tpu.memory_space<vmem>>
          %dma_start3A_552 = tpu.memref_squeeze %dma_start3A_551 : memref<1x1x8x512xf32, #tpu.memory_space<vmem>> -> memref<8x512xf32, #tpu.memory_space<vmem>>
          %dma_start3A_553 = arith.constant 0 : i32
          %dma_start3A_554 = tpu.memref_slice %arg2[%add3A, %dma_start3A_539, %mul3A_538, %dma_start3A_553] : memref<32x3x512x512xf32, #tpu.memory_space<hbm>> -> memref<1x1x8x512xf32, #tpu.memory_space<hbm>>
          %dma_start3A_555 = tpu.memref_squeeze %dma_start3A_554 : memref<1x1x8x512xf32, #tpu.memory_space<hbm>> -> memref<8x512xf32, #tpu.memory_space<hbm>>
          tpu.enqueue_dma source(%dma_start3A_555 : memref<8x512xf32, #tpu.memory_space<hbm>>) target(%dma_start3A_552 : memref<8x512xf32, #tpu.memory_space<vmem>>) target_semaphore(%arg9 : memref<!tpu.dma_semaphore, #tpu.memory_space<semaphore_mem>>)
          %dma_start3A_556 = arith.constant 1 : i32
          %dma_start3A_557 = arith.constant 1 : i32
          %dma_start3A_558 = arith.constant 1 : i32
          %dma_start3A_559 = arith.constant 0 : i32
          %dma_start3A_560 = arith.constant 0 : i32
          %dma_start3A_561 = tpu.memref_slice %arg6[%dma_start3A_557, %dma_start3A_558, %dma_start3A_559, %dma_start3A_560] : memref<2x3x8x512xf32, #tpu.memory_space<vmem>> -> memref<1x1x8x512xf32, #tpu.memory_space<vmem>>
          %dma_start3A_562 = tpu.memref_squeeze %dma_start3A_561 : memref<1x1x8x512xf32, #tpu.memory_space<vmem>> -> memref<8x512xf32, #tpu.memory_space<vmem>>
          %dma_start3A_563 = arith.constant 0 : i32
          %dma_start3A_564 = tpu.memref_slice %arg2[%add3A, %dma_start3A_556, %mul3A_538, %dma_start3A_563] : memref<32x3x512x512xf32, #tpu.memory_space<hbm>> -> memref<1x1x8x512xf32, #tpu.memory_space<hbm>>
          %dma_start3A_565 = tpu.memref_squeeze %dma_start3A_564 : memref<1x1x8x512xf32, #tpu.memory_space<hbm>> -> memref<8x512xf32, #tpu.memory_space<hbm>>
          %dma_start3A_566 = arith.constant 0 : i32
          %dma_start3A_567 = arith.constant 0 : i32
          %dma_start3A_568 = tpu.memref_slice %arg6[%dma_start3A_557, %dma_start3A_558, %dma_start3A_566, %dma_start3A_567] : memref<2x3x8x512xf32, #tpu.memory_space<vmem>> -> memref<1x1x8x512xf32, #tpu.memory_space<vmem>>
          %dma_start3A_569 = tpu.memref_squeeze %dma_start3A_568 : memref<1x1x8x512xf32, #tpu.memory_space<vmem>> -> memref<8x512xf32, #tpu.memory_space<vmem>>
          %dma_start3A_570 = arith.constant 0 : i32
          %dma_start3A_571 = tpu.memref_slice %arg2[%add3A, %dma_start3A_556, %mul3A_538, %dma_start3A_570] : memref<32x3x512x512xf32, #tpu.memory_space<hbm>> -> memref<1x1x8x512xf32, #tpu.memory_space<hbm>>
          %dma_start3A_572 = tpu.memref_squeeze %dma_start3A_571 : memref<1x1x8x512xf32, #tpu.memory_space<hbm>> -> memref<8x512xf32, #tpu.memory_space<hbm>>
          tpu.enqueue_dma source(%dma_start3A_572 : memref<8x512xf32, #tpu.memory_space<hbm>>) target(%dma_start3A_569 : memref<8x512xf32, #tpu.memory_space<vmem>>) target_semaphore(%arg9 : memref<!tpu.dma_semaphore, #tpu.memory_space<semaphore_mem>>)
          %dma_start3A_573 = arith.constant 2 : i32
          %dma_start3A_574 = arith.constant 1 : i32
          %dma_start3A_575 = arith.constant 2 : i32
          %dma_start3A_576 = arith.constant 0 : i32
          %dma_start3A_577 = arith.constant 0 : i32
          %dma_start3A_578 = tpu.memref_slice %arg6[%dma_start3A_574, %dma_start3A_575, %dma_start3A_576, %dma_start3A_577] : memref<2x3x8x512xf32, #tpu.memory_space<vmem>> -> memref<1x1x8x512xf32, #tpu.memory_space<vmem>>
          %dma_start3A_579 = tpu.memref_squeeze %dma_start3A_578 : memref<1x1x8x512xf32, #tpu.memory_space<vmem>> -> memref<8x512xf32, #tpu.memory_space<vmem>>
          %dma_start3A_580 = arith.constant 0 : i32
          %dma_start3A_581 = tpu.memref_slice %arg2[%add3A, %dma_start3A_573, %mul3A_538, %dma_start3A_580] : memref<32x3x512x512xf32, #tpu.memory_space<hbm>> -> memref<1x1x8x512xf32, #tpu.memory_space<hbm>>
          %dma_start3A_582 = tpu.memref_squeeze %dma_start3A_581 : memref<1x1x8x512xf32, #tpu.memory_space<hbm>> -> memref<8x512xf32, #tpu.memory_space<hbm>>
          %dma_start3A_583 = arith.constant 0 : i32
          %dma_start3A_584 = arith.constant 0 : i32
          %dma_start3A_585 = tpu.memref_slice %arg6[%dma_start3A_574, %dma_start3A_575, %dma_start3A_583, %dma_start3A_584] : memref<2x3x8x512xf32, #tpu.memory_space<vmem>> -> memref<1x1x8x512xf32, #tpu.memory_space<vmem>>
          %dma_start3A_586 = tpu.memref_squeeze %dma_start3A_585 : memref<1x1x8x512xf32, #tpu.memory_space<vmem>> -> memref<8x512xf32, #tpu.memory_space<vmem>>
          %dma_start3A_587 = arith.constant 0 : i32
          %dma_start3A_588 = tpu.memref_slice %arg2[%add3A, %dma_start3A_573, %mul3A_538, %dma_start3A_587] : memref<32x3x512x512xf32, #tpu.memory_space<hbm>> -> memref<1x1x8x512xf32, #tpu.memory_space<hbm>>
          %dma_start3A_589 = tpu.memref_squeeze %dma_start3A_588 : memref<1x1x8x512xf32, #tpu.memory_space<hbm>> -> memref<8x512xf32, #tpu.memory_space<hbm>>
          tpu.enqueue_dma source(%dma_start3A_589 : memref<8x512xf32, #tpu.memory_space<hbm>>) target(%dma_start3A_586 : memref<8x512xf32, #tpu.memory_space<vmem>>) target_semaphore(%arg9 : memref<!tpu.dma_semaphore, #tpu.memory_space<semaphore_mem>>)
        } else {
        }
        %scan3A_534 = arith.constant 0 : i32
        scf.yield %scan3A_534 : i32
      }
      %scan3A_161 = arith.constant 32 : i32
      %dma_wait3A = arith.constant 0 : i32
      %dma_wait3A_162 = arith.constant 0 : i32
      %dma_wait3A_163 = arith.constant 0 : i32
      %dma_wait3A_164 = arith.constant 0 : i32
      %dma_wait3A_165 = arith.constant 0 : i32
      %dma_wait3A_166 = tpu.memref_slice %arg7[%dma_wait3A, %dma_wait3A_162, %dma_wait3A_164, %dma_wait3A_165] : memref<2x3x8x512xf32, #tpu.memory_space<vmem>> -> memref<1x1x8x512xf32, #tpu.memory_space<vmem>>
      %dma_wait3A_167 = tpu.memref_squeeze %dma_wait3A_166 : memref<1x1x8x512xf32, #tpu.memory_space<vmem>> -> memref<8x512xf32, #tpu.memory_space<vmem>>
      %dma_wait3A_168 = arith.constant 496 : i32
      %dma_wait3A_169 = arith.constant 0 : i32
      %dma_wait3A_170 = tpu.memref_slice %arg4[%add3A, %dma_wait3A_163, %dma_wait3A_168, %dma_wait3A_169] : memref<32x3x512x512xf32, #tpu.memory_space<hbm>> -> memref<1x1x8x512xf32, #tpu.memory_space<hbm>>
      %dma_wait3A_171 = tpu.memref_squeeze %dma_wait3A_170 : memref<1x1x8x512xf32, #tpu.memory_space<hbm>> -> memref<8x512xf32, #tpu.memory_space<hbm>>
      %dma_wait3A_172 = arith.constant 496 : i32
      %dma_wait3A_173 = arith.constant 0 : i32
      %dma_wait3A_174 = tpu.memref_slice %arg4[%add3A, %dma_wait3A_163, %dma_wait3A_172, %dma_wait3A_173] : memref<32x3x512x512xf32, #tpu.memory_space<hbm>> -> memref<1x1x8x512xf32, #tpu.memory_space<hbm>>
      %dma_wait3A_175 = tpu.memref_squeeze %dma_wait3A_174 : memref<1x1x8x512xf32, #tpu.memory_space<hbm>> -> memref<8x512xf32, #tpu.memory_space<hbm>>
      %dma_wait3A_176 = arith.constant 0 : i32
      %dma_wait3A_177 = arith.constant 0 : i32
      %dma_wait3A_178 = tpu.memref_slice %arg7[%dma_wait3A, %dma_wait3A_162, %dma_wait3A_176, %dma_wait3A_177] : memref<2x3x8x512xf32, #tpu.memory_space<vmem>> -> memref<1x1x8x512xf32, #tpu.memory_space<vmem>>
      %dma_wait3A_179 = tpu.memref_squeeze %dma_wait3A_178 : memref<1x1x8x512xf32, #tpu.memory_space<vmem>> -> memref<8x512xf32, #tpu.memory_space<vmem>>
      tpu.wait_dma2 semaphore(%arg10 : memref<!tpu.dma_semaphore, #tpu.memory_space<semaphore_mem>>) src(%dma_wait3A_179 : memref<8x512xf32, #tpu.memory_space<vmem>>) dst(%dma_wait3A_175 : memref<8x512xf32, #tpu.memory_space<hbm>>)
      %dma_wait3A_180 = arith.constant 0 : i32
      %dma_wait3A_181 = arith.constant 1 : i32
      %dma_wait3A_182 = arith.constant 1 : i32
      %dma_wait3A_183 = arith.constant 0 : i32
      %dma_wait3A_184 = arith.constant 0 : i32
      %dma_wait3A_185 = tpu.memref_slice %arg7[%dma_wait3A_180, %dma_wait3A_181, %dma_wait3A_183, %dma_wait3A_184] : memref<2x3x8x512xf32, #tpu.memory_space<vmem>> -> memref<1x1x8x512xf32, #tpu.memory_space<vmem>>
      %dma_wait3A_186 = tpu.memref_squeeze %dma_wait3A_185 : memref<1x1x8x512xf32, #tpu.memory_space<vmem>> -> memref<8x512xf32, #tpu.memory_space<vmem>>
      %dma_wait3A_187 = arith.constant 496 : i32
      %dma_wait3A_188 = arith.constant 0 : i32
      %dma_wait3A_189 = tpu.memref_slice %arg4[%add3A, %dma_wait3A_182, %dma_wait3A_187, %dma_wait3A_188] : memref<32x3x512x512xf32, #tpu.memory_space<hbm>> -> memref<1x1x8x512xf32, #tpu.memory_space<hbm>>
      %dma_wait3A_190 = tpu.memref_squeeze %dma_wait3A_189 : memref<1x1x8x512xf32, #tpu.memory_space<hbm>> -> memref<8x512xf32, #tpu.memory_space<hbm>>
      %dma_wait3A_191 = arith.constant 496 : i32
      %dma_wait3A_192 = arith.constant 0 : i32
      %dma_wait3A_193 = tpu.memref_slice %arg4[%add3A, %dma_wait3A_182, %dma_wait3A_191, %dma_wait3A_192] : memref<32x3x512x512xf32, #tpu.memory_space<hbm>> -> memref<1x1x8x512xf32, #tpu.memory_space<hbm>>
      %dma_wait3A_194 = tpu.memref_squeeze %dma_wait3A_193 : memref<1x1x8x512xf32, #tpu.memory_space<hbm>> -> memref<8x512xf32, #tpu.memory_space<hbm>>
      %dma_wait3A_195 = arith.constant 0 : i32
      %dma_wait3A_196 = arith.constant 0 : i32
      %dma_wait3A_197 = tpu.memref_slice %arg7[%dma_wait3A_180, %dma_wait3A_181, %dma_wait3A_195, %dma_wait3A_196] : memref<2x3x8x512xf32, #tpu.memory_space<vmem>> -> memref<1x1x8x512xf32, #tpu.memory_space<vmem>>
      %dma_wait3A_198 = tpu.memref_squeeze %dma_wait3A_197 : memref<1x1x8x512xf32, #tpu.memory_space<vmem>> -> memref<8x512xf32, #tpu.memory_space<vmem>>
      tpu.wait_dma2 semaphore(%arg10 : memref<!tpu.dma_semaphore, #tpu.memory_space<semaphore_mem>>) src(%dma_wait3A_198 : memref<8x512xf32, #tpu.memory_space<vmem>>) dst(%dma_wait3A_194 : memref<8x512xf32, #tpu.memory_space<hbm>>)
      %dma_wait3A_199 = arith.constant 0 : i32
      %dma_wait3A_200 = arith.constant 2 : i32
      %dma_wait3A_201 = arith.constant 2 : i32
      %dma_wait3A_202 = arith.constant 0 : i32
      %dma_wait3A_203 = arith.constant 0 : i32
      %dma_wait3A_204 = tpu.memref_slice %arg7[%dma_wait3A_199, %dma_wait3A_200, %dma_wait3A_202, %dma_wait3A_203] : memref<2x3x8x512xf32, #tpu.memory_space<vmem>> -> memref<1x1x8x512xf32, #tpu.memory_space<vmem>>
      %dma_wait3A_205 = tpu.memref_squeeze %dma_wait3A_204 : memref<1x1x8x512xf32, #tpu.memory_space<vmem>> -> memref<8x512xf32, #tpu.memory_space<vmem>>
      %dma_wait3A_206 = arith.constant 496 : i32
      %dma_wait3A_207 = arith.constant 0 : i32
      %dma_wait3A_208 = tpu.memref_slice %arg4[%add3A, %dma_wait3A_201, %dma_wait3A_206, %dma_wait3A_207] : memref<32x3x512x512xf32, #tpu.memory_space<hbm>> -> memref<1x1x8x512xf32, #tpu.memory_space<hbm>>
      %dma_wait3A_209 = tpu.memref_squeeze %dma_wait3A_208 : memref<1x1x8x512xf32, #tpu.memory_space<hbm>> -> memref<8x512xf32, #tpu.memory_space<hbm>>
      %dma_wait3A_210 = arith.constant 496 : i32
      %dma_wait3A_211 = arith.constant 0 : i32
      %dma_wait3A_212 = tpu.memref_slice %arg4[%add3A, %dma_wait3A_201, %dma_wait3A_210, %dma_wait3A_211] : memref<32x3x512x512xf32, #tpu.memory_space<hbm>> -> memref<1x1x8x512xf32, #tpu.memory_space<hbm>>
      %dma_wait3A_213 = tpu.memref_squeeze %dma_wait3A_212 : memref<1x1x8x512xf32, #tpu.memory_space<hbm>> -> memref<8x512xf32, #tpu.memory_space<hbm>>
      %dma_wait3A_214 = arith.constant 0 : i32
      %dma_wait3A_215 = arith.constant 0 : i32
      %dma_wait3A_216 = tpu.memref_slice %arg7[%dma_wait3A_199, %dma_wait3A_200, %dma_wait3A_214, %dma_wait3A_215] : memref<2x3x8x512xf32, #tpu.memory_space<vmem>> -> memref<1x1x8x512xf32, #tpu.memory_space<vmem>>
      %dma_wait3A_217 = tpu.memref_squeeze %dma_wait3A_216 : memref<1x1x8x512xf32, #tpu.memory_space<vmem>> -> memref<8x512xf32, #tpu.memory_space<vmem>>
      tpu.wait_dma2 semaphore(%arg10 : memref<!tpu.dma_semaphore, #tpu.memory_space<semaphore_mem>>) src(%dma_wait3A_217 : memref<8x512xf32, #tpu.memory_space<vmem>>) dst(%dma_wait3A_213 : memref<8x512xf32, #tpu.memory_space<hbm>>)
      %dma_wait3A_218 = arith.constant 1 : i32
      %dma_wait3A_219 = arith.constant 0 : i32
      %dma_wait3A_220 = arith.constant 0 : i32
      %dma_wait3A_221 = arith.constant 0 : i32
      %dma_wait3A_222 = arith.constant 0 : i32
      %dma_wait3A_223 = tpu.memref_slice %arg7[%dma_wait3A_218, %dma_wait3A_219, %dma_wait3A_221, %dma_wait3A_222] : memref<2x3x8x512xf32, #tpu.memory_space<vmem>> -> memref<1x1x8x512xf32, #tpu.memory_space<vmem>>
      %dma_wait3A_224 = tpu.memref_squeeze %dma_wait3A_223 : memref<1x1x8x512xf32, #tpu.memory_space<vmem>> -> memref<8x512xf32, #tpu.memory_space<vmem>>
      %dma_wait3A_225 = arith.constant 504 : i32
      %dma_wait3A_226 = arith.constant 0 : i32
      %dma_wait3A_227 = tpu.memref_slice %arg4[%add3A, %dma_wait3A_220, %dma_wait3A_225, %dma_wait3A_226] : memref<32x3x512x512xf32, #tpu.memory_space<hbm>> -> memref<1x1x8x512xf32, #tpu.memory_space<hbm>>
      %dma_wait3A_228 = tpu.memref_squeeze %dma_wait3A_227 : memref<1x1x8x512xf32, #tpu.memory_space<hbm>> -> memref<8x512xf32, #tpu.memory_space<hbm>>
      %dma_wait3A_229 = arith.constant 504 : i32
      %dma_wait3A_230 = arith.constant 0 : i32
      %dma_wait3A_231 = tpu.memref_slice %arg4[%add3A, %dma_wait3A_220, %dma_wait3A_229, %dma_wait3A_230] : memref<32x3x512x512xf32, #tpu.memory_space<hbm>> -> memref<1x1x8x512xf32, #tpu.memory_space<hbm>>
      %dma_wait3A_232 = tpu.memref_squeeze %dma_wait3A_231 : memref<1x1x8x512xf32, #tpu.memory_space<hbm>> -> memref<8x512xf32, #tpu.memory_space<hbm>>
      %dma_wait3A_233 = arith.constant 0 : i32
      %dma_wait3A_234 = arith.constant 0 : i32
      %dma_wait3A_235 = tpu.memref_slice %arg7[%dma_wait3A_218, %dma_wait3A_219, %dma_wait3A_233, %dma_wait3A_234] : memref<2x3x8x512xf32, #tpu.memory_space<vmem>> -> memref<1x1x8x512xf32, #tpu.memory_space<vmem>>
      %dma_wait3A_236 = tpu.memref_squeeze %dma_wait3A_235 : memref<1x1x8x512xf32, #tpu.memory_space<vmem>> -> memref<8x512xf32, #tpu.memory_space<vmem>>
      tpu.wait_dma2 semaphore(%arg11 : memref<!tpu.dma_semaphore, #tpu.memory_space<semaphore_mem>>) src(%dma_wait3A_236 : memref<8x512xf32, #tpu.memory_space<vmem>>) dst(%dma_wait3A_232 : memref<8x512xf32, #tpu.memory_space<hbm>>)
      %dma_wait3A_237 = arith.constant 1 : i32
      %dma_wait3A_238 = arith.constant 1 : i32
      %dma_wait3A_239 = arith.constant 1 : i32
      %dma_wait3A_240 = arith.constant 0 : i32
      %dma_wait3A_241 = arith.constant 0 : i32
      %dma_wait3A_242 = tpu.memref_slice %arg7[%dma_wait3A_237, %dma_wait3A_238, %dma_wait3A_240, %dma_wait3A_241] : memref<2x3x8x512xf32, #tpu.memory_space<vmem>> -> memref<1x1x8x512xf32, #tpu.memory_space<vmem>>
      %dma_wait3A_243 = tpu.memref_squeeze %dma_wait3A_242 : memref<1x1x8x512xf32, #tpu.memory_space<vmem>> -> memref<8x512xf32, #tpu.memory_space<vmem>>
      %dma_wait3A_244 = arith.constant 504 : i32
      %dma_wait3A_245 = arith.constant 0 : i32
      %dma_wait3A_246 = tpu.memref_slice %arg4[%add3A, %dma_wait3A_239, %dma_wait3A_244, %dma_wait3A_245] : memref<32x3x512x512xf32, #tpu.memory_space<hbm>> -> memref<1x1x8x512xf32, #tpu.memory_space<hbm>>
      %dma_wait3A_247 = tpu.memref_squeeze %dma_wait3A_246 : memref<1x1x8x512xf32, #tpu.memory_space<hbm>> -> memref<8x512xf32, #tpu.memory_space<hbm>>
      %dma_wait3A_248 = arith.constant 504 : i32
      %dma_wait3A_249 = arith.constant 0 : i32
      %dma_wait3A_250 = tpu.memref_slice %arg4[%add3A, %dma_wait3A_239, %dma_wait3A_248, %dma_wait3A_249] : memref<32x3x512x512xf32, #tpu.memory_space<hbm>> -> memref<1x1x8x512xf32, #tpu.memory_space<hbm>>
      %dma_wait3A_251 = tpu.memref_squeeze %dma_wait3A_250 : memref<1x1x8x512xf32, #tpu.memory_space<hbm>> -> memref<8x512xf32, #tpu.memory_space<hbm>>
      %dma_wait3A_252 = arith.constant 0 : i32
      %dma_wait3A_253 = arith.constant 0 : i32
      %dma_wait3A_254 = tpu.memref_slice %arg7[%dma_wait3A_237, %dma_wait3A_238, %dma_wait3A_252, %dma_wait3A_253] : memref<2x3x8x512xf32, #tpu.memory_space<vmem>> -> memref<1x1x8x512xf32, #tpu.memory_space<vmem>>
      %dma_wait3A_255 = tpu.memref_squeeze %dma_wait3A_254 : memref<1x1x8x512xf32, #tpu.memory_space<vmem>> -> memref<8x512xf32, #tpu.memory_space<vmem>>
      tpu.wait_dma2 semaphore(%arg11 : memref<!tpu.dma_semaphore, #tpu.memory_space<semaphore_mem>>) src(%dma_wait3A_255 : memref<8x512xf32, #tpu.memory_space<vmem>>) dst(%dma_wait3A_251 : memref<8x512xf32, #tpu.memory_space<hbm>>)
      %dma_wait3A_256 = arith.constant 1 : i32
      %dma_wait3A_257 = arith.constant 2 : i32
      %dma_wait3A_258 = arith.constant 2 : i32
      %dma_wait3A_259 = arith.constant 0 : i32
      %dma_wait3A_260 = arith.constant 0 : i32
      %dma_wait3A_261 = tpu.memref_slice %arg7[%dma_wait3A_256, %dma_wait3A_257, %dma_wait3A_259, %dma_wait3A_260] : memref<2x3x8x512xf32, #tpu.memory_space<vmem>> -> memref<1x1x8x512xf32, #tpu.memory_space<vmem>>
      %dma_wait3A_262 = tpu.memref_squeeze %dma_wait3A_261 : memref<1x1x8x512xf32, #tpu.memory_space<vmem>> -> memref<8x512xf32, #tpu.memory_space<vmem>>
      %dma_wait3A_263 = arith.constant 504 : i32
      %dma_wait3A_264 = arith.constant 0 : i32
      %dma_wait3A_265 = tpu.memref_slice %arg4[%add3A, %dma_wait3A_258, %dma_wait3A_263, %dma_wait3A_264] : memref<32x3x512x512xf32, #tpu.memory_space<hbm>> -> memref<1x1x8x512xf32, #tpu.memory_space<hbm>>
      %dma_wait3A_266 = tpu.memref_squeeze %dma_wait3A_265 : memref<1x1x8x512xf32, #tpu.memory_space<hbm>> -> memref<8x512xf32, #tpu.memory_space<hbm>>
      %dma_wait3A_267 = arith.constant 504 : i32
      %dma_wait3A_268 = arith.constant 0 : i32
      %dma_wait3A_269 = tpu.memref_slice %arg4[%add3A, %dma_wait3A_258, %dma_wait3A_267, %dma_wait3A_268] : memref<32x3x512x512xf32, #tpu.memory_space<hbm>> -> memref<1x1x8x512xf32, #tpu.memory_space<hbm>>
      %dma_wait3A_270 = tpu.memref_squeeze %dma_wait3A_269 : memref<1x1x8x512xf32, #tpu.memory_space<hbm>> -> memref<8x512xf32, #tpu.memory_space<hbm>>
      %dma_wait3A_271 = arith.constant 0 : i32
      %dma_wait3A_272 = arith.constant 0 : i32
      %dma_wait3A_273 = tpu.memref_slice %arg7[%dma_wait3A_256, %dma_wait3A_257, %dma_wait3A_271, %dma_wait3A_272] : memref<2x3x8x512xf32, #tpu.memory_space<vmem>> -> memref<1x1x8x512xf32, #tpu.memory_space<vmem>>
      %dma_wait3A_274 = tpu.memref_squeeze %dma_wait3A_273 : memref<1x1x8x512xf32, #tpu.memory_space<vmem>> -> memref<8x512xf32, #tpu.memory_space<vmem>>
      tpu.wait_dma2 semaphore(%arg11 : memref<!tpu.dma_semaphore, #tpu.memory_space<semaphore_mem>>) src(%dma_wait3A_274 : memref<8x512xf32, #tpu.memory_space<vmem>>) dst(%dma_wait3A_270 : memref<8x512xf32, #tpu.memory_space<hbm>>)
    } else {
    }
    return
  }
}

</mosaic_0001>

<sc_bundles>
// kernel: kernel.3.cloned.1.call-start
scs
__scs_entry_jumppad:
0x0: {  	(pc) =	sbr.rel $0x88, $3  }
0x1: {  	(tag) =	ssettag $0x0;
	lr =	simm.s32 $0x1  }
0x2: {  	[smem:$0x3FA0] =	sst lr;
	_ =	strace $0xD0000000  }
0x3: {  	_ = 	snop  }
0x4: {  	_ = 	snop  }
0x5: {  	_ = 	snop  }
0x6: {  	_ = 	snop  }
0x7: {  	_ = 	snop  }
__scs_overlays_trampoline_lowered:
0x8: {  	[smem:$0x3FAF] =	sst s0  }
0x9: {  	[smem:$0x3FB0] =	sst s1  }
0xa: {  	[smem:$0x3FB1] =	sst s2  }
0xb: {  	[smem:$0x3FB2] =	sst s3  }
0xc: {  	[smem:$0x3FB3] =	sst s4  }
0xd: {  	[smem:$0x3FB4] =	sst s5  }
0xe: {  	[smem:$0x3FB5] =	sst s6  }
0xf: {  	[smem:$0x3FB6] =	sst s7  }
0x10: {  	[smem:$0x3FB7] =	sst s8  }
0x11: {  	[smem:$0x3FB8] =	sst s9;
	s0 =	simm.s32 @!p0 $0x0  }
0x12: {  	s1 =	sld [smem:$0x3F9E];
	s0 =	simm.s32 @p0 $0x1  }
0x13: {  	[smem:$0x3FB9] =	sst s0;
	s0 =	simm.s32 @!p1 $0x0  }
0x14: {  	s2 =	sld [smem:$0x3F9D];
	s0 =	simm.s32 @p1 $0x1  }
0x15: {  	[smem:$0x3FBA] =	sst s0;
	s0 =	simm.s32 @!p2 $0x0  }
0x16: {  	s3 =	sld [smem:$0x3FDB];
	s0 =	simm.s32 @p2 $0x1  }
0x17: {  	s4 =	simm.s32 $0x1BF5;
	[smem:$0x3FBC] =	sst s0  }
0x18: {  	s0 =	sld [smem:$0x3F9F];
	_ =	swait.ge [sflag:s4], $0x0  }
0x19: {  	s7 =	sld [smem:$0x3FA0]  }
0x1a: {  	s8 =	sadd.s32 $0xFFFFE003, lr  }
0x1b: {  	s9 =	sadd.s32 $0xFFFFFEF7, lr;
	s5 =	simm.s32 $0xFFFFFFFF;
	p2 =	slt.u32 s8, $0xFFFFF086  }
0x1c: {  	p1 =	slt.u32 s9, $0xF7A;
	s5 =	simm.s32 @!p2 $0x0  }
0x1d: {  	s5 =	simm.s32 @p1 $0x1;
	p0 =	seq.s32 s7, s2  }
0x1e: {  	s7 =	smul.u32 @!p0 $0xF7A, s2;
	p2 =	seq.s32 @!p0 s5, $0x0  }
0x1f: {  	s9 =	smul.u32 $0xF7A, s1;
	s8 =	simm.s32 @!p0 $0x1BF5;
	p2 =	por !p2, p0  }
0x20: {  	[sflag:s8] =	ssyncset.s32 @!p0 $0xFFFFF086;
	s6 =	sadd.s32 @!p0 s3, s7;
	s7 =	simm.s32 @!p0 $0x108  }
0x21: {  	s3 =	sadd.s32 s3, s9;
	s6 =	sadd.s32 @!p0 $0x88, s6;
	s7 =	simm.s32 @p2 $0x1082  }
0x22: {  	[simem:s7], [sflag:s8] =	dma.local @!p0 [hbm:s6], $0xF7A  }
0x23: {  	s9 =	sor.u32 $0xD0000000, s2;
	s6 =	simm.s32 $0x108;
	_ =	swait.ge @!p0 [sflag:s8], $0x0  }
0x24: {  	s3 =	sadd.s32 $0x88, s3;
	s6 =	simm.s32 @!p1 $0x1082;
	[sflag:s4] =	ssyncset.s32 $0xFFFFF086  }
0x25: {  	[simem:s6], [sflag:s4] =	dma.local [hbm:s3], $0xF7A  }
0x26: {  	[smem:$0x3FA0] =	sst s1;
	(tag) =	ssettag s2;
	_ =	strace s9  }
0x27: {  	s1 =	sld [smem:$0x3FB0]  }
0x28: {  	s2 =	sld [smem:$0x3FB1]  }
0x29: {  	s4 =	sld [smem:$0x3FB3]  }
0x2a: {  	p0 =	seq.s32 s5, $0x0;
	s5 =	sld [smem:$0x3FB4]  }
0x2b: {  	s6 =	sld [smem:$0x3FB5]  }
0x2c: {  	s7 =	sld [smem:$0x3FB6]  }
0x2d: {  	s3 =	simm.s32 $0x108;
	s8 =	sld [smem:$0x3FB7]  }
0x2e: {  	s3 =	simm.s32 @!p0 $0x1082;
	s9 =	sld [smem:$0x3FB8]  }
0x2f: {  	lr =	sadd.s32 s0, s3;
	s0 =	sld [smem:$0x3FAF]  }
0x30: {  	s3 =	sld [smem:$0x3FB2]  }
0x31: {  	[smem:$0x3FBB] =	sst s10  }
0x32: {  	s10 =	sld [smem:$0x3FB9];
	_ =	sdelay $0x3  }
0x33: {  	p0 =	seq.s32 s10, $0x1;
	s10 =	sld [smem:$0x3FBB];
	_ =	sdelay $0x3  }
0x34: {  	[smem:$0x3FBB] =	sst s10  }
0x35: {  	s10 =	sld [smem:$0x3FBA];
	_ =	sdelay $0x3  }
0x36: {  	p1 =	seq.s32 s10, $0x1;
	s10 =	sld [smem:$0x3FBB];
	_ =	sdelay $0x3  }
0x37: {  	[smem:$0x3FBB] =	sst s10  }
0x38: {  	s10 =	sld [smem:$0x3FBC]  }
0x39: {  	_ = 	snop;
	(pc) =	sbr.ind lr, $3  }
0x3a: {  	_ = 	snop  }
0x3b: {  	_ = 	snop  }
0x3c: {  	p2 =	seq.s32 s10, $0x1;
	s10 =	sld [smem:$0x3FBB]  }
0x3d: {  	_ =	shalt  }
0x3e: {  	_ =	shalt  }
0x3f: {  	_ =	shalt  }
0x40: {  	_ =	shalt  }
0x41: {  	_ =	shalt  }
0x42: {  	_ =	shalt  }
0x43: {  	_ =	shalt  }
0x44: {  	_ =	shalt  }
0x45: {  	_ =	shalt  }
0x46: {  	_ =	shalt  }
0x47: {  	_ =	shalt  }
0x48: {  	_ =	shalt  }
0x49: {  	_ =	shalt  }
0x4a: {  	_ =	shalt  }
0x4b: {  	_ =	shalt  }
0x4c: {  	_ =	shalt  }
0x4d: {  	_ =	shalt  }
0x4e: {  	_ =	shalt  }
0x4f: {  	_ =	shalt  }
0x50: {  	_ =	shalt  }
0x51: {  	_ =	shalt  }
0x52: {  	_ =	shalt  }
0x53: {  	_ =	shalt  }
0x54: {  	_ =	shalt  }
0x55: {  	_ =	shalt  }
0x56: {  	_ =	shalt  }
0x57: {  	_ =	shalt  }
0x58: {  	_ =	shalt  }
0x59: {  	_ =	shalt  }
0x5a: {  	_ =	shalt  }
0x5b: {  	_ =	shalt  }
0x5c: {  	_ =	shalt  }
0x5d: {  	_ =	shalt  }
0x5e: {  	_ =	shalt  }
0x5f: {  	_ =	shalt  }
0x60: {  	_ =	shalt  }
0x61: {  	_ =	shalt  }
0x62: {  	_ =	shalt  }
0x63: {  	_ =	shalt  }
0x64: {  	_ =	shalt  }
0x65: {  	_ =	shalt  }
0x66: {  	_ =	shalt  }
0x67: {  	_ =	shalt  }
0x68: {  	_ =	shalt  }
0x69: {  	_ =	shalt  }
0x6a: {  	_ =	shalt  }
0x6b: {  	_ =	shalt  }
0x6c: {  	_ =	shalt  }
0x6d: {  	_ =	shalt  }
0x6e: {  	_ =	shalt  }
0x6f: {  	_ =	shalt  }
0x70: {  	_ =	shalt  }
0x71: {  	_ =	shalt  }
0x72: {  	_ =	shalt  }
0x73: {  	_ =	shalt  }
0x74: {  	_ =	shalt  }
0x75: {  	_ =	shalt  }
0x76: {  	_ =	shalt  }
0x77: {  	_ =	shalt  }
0x78: {  	_ =	shalt  }
0x79: {  	_ =	shalt  }
0x7a: {  	_ =	shalt  }
0x7b: {  	_ =	shalt  }
0x7c: {  	_ =	shalt  }
0x7d: {  	_ =	shalt  }
0x7e: {  	_ =	shalt  }
0x7f: {  	_ =	shalt  }
0x80: {  	_ =	shalt  }
0x81: {  	_ =	shalt  }
0x82: {  	_ =	shalt  }
0x83: {  	_ =	shalt  }
0x84: {  	_ =	shalt  }
0x85: {  	_ =	shalt  }
0x86: {  	_ =	shalt  }
0x87: {  	_ =	shalt  }
.Lfunc_end0:
.L_simem_size_0:
called_computation_lowered:
.L_overlay_start_0:
0x88: {  	s2 =	sld [smem:$0x3FD9]  }
0x89: {  	s3 =	sld [smem:$0x3FFE];
	_ =	sdelay $0x1  }
0x8a: {  	s1 =	srdreg.scid  }
0x8b: {  	s0 =	sand.u32 $0x1, s1  }
0x8c: {  	s17 =	sshll.u32 s0, $0xA;
	s2 =	sadd.s32 s3, s2  }
0x8d: {  	s2 =	sadd.s32 s2, s17  }
0x8e: {  	[smem:$0x3FC7] =	sst s2  }
0x8f: {  	_ = 	snop  }
0x90: {  	s2 =	sld [smem:$0x3FC9]  }
0x91: {  	s18 =	sld [smem:$0x3FD0];
	(tm) =	ssettm $0x1  }
0x92: {  	s4 =	sld [smem:$0x3FFB];
	_ =	sdelay $0x3  }
0x93: {  	_ =	strace s4  }
0x94: {  	s4 =	sld [smem:$0x3FFC];
	_ =	sdelay $0x3  }
0x95: {  	_ =	strace s4  }
0x96: {  	s4 =	sld [smem:$0x3FFD];
	_ =	sdelay $0x3  }
0x97: {  	_ =	strace s4  }
0x98: {  	_ =	strace $0x8FFFFFFF  }
0x99: {  	s19 =	sld [smem:$0x3FDB];
	_ =	sdelay $0x1  }
0x9a: {  	s5 =	simm.s32 $_scs_section_size  }
0x9b: {  	s6 =	simm.s32 $_size__tile_overlayer_lowered;
	s7 =	simm.s32 $_tile_overlayer_lowered  }
0x9c: {  	s22 =	simm.s32 $0x1BFF;
	s21 =	sshll.u32 s7, $0x1;
	s4 =	sadd.s32 s5, s19  }
0x9d: {  	s8 =	simm.s32 $0x0;
	s20 =	sshll.u32 s6, $0x1;
	s6 =	sadd.s32 s21, s4  }
0x9e: {  	[timem:s8], [sflag:s22] =	dma.local [hbm:s6], s20  }
0x9f: {  	_ =	swait.ge [sflag:s22], s20  }
0xa0: {  	s5 =	ssub.s32 $0x0, s20;
	[sflag:s22] =	ssyncset.done $0x0  }
0xa1: {  	[sflag:s22] =	ssyncadd.s32 s5;
	_ =	sdelay $0x1  }
0xa2: {  	s23 =	simm.s32 $0x1B8B  }
0xa3: {  	_ =	swait.ge [sflag:s23], $0x1  }
0xa4: {  	[sflag:s23] =	ssyncset.done $0x0  }
0xa5: {  	s25 =	simm.s32 $0x1B8E;
	s24 =	sld [smem:$0x3FFE];
	[sflag:s23] =	ssyncadd.s32 $0xFFFFFFFF  }
0xa6: {  	s26 =	simm.s32 $execute0_lowered;
	[smem:$0x3FD2] =	sst s25  }
0xa7: {  	s6 =	sshll.u32 s26, $0x1;
	_ =	strace $0x80000046;
	[dreg:$0x1] =	wrdreg $0xFFFFFFFF  }
0xa8: {  	s28 =	simm.s32 $_size_execute0_lowered;
	s4 =	sadd.s32 s4, s6;
	[dreg:$0x0] =	wrdreg $0x0  }
0xa9: {  	s6 =	sshll.u32 s28, $0x1;
	[dreg:$0x2] =	wrdreg s4  }
0xaa: {  	[dreg:$0x3] =	wrdreg s6  }
0xab: {  	[dreg:$0x4] =	wrdreg $0xC0  }
0xac: {  	_ =	task [dreg:s8], $0x5FFFF  }
0xad: {  	[dreg:$0x1] =	wrdreg $0xFFFFFFFF  }
0xae: {  	[dreg:$0x0] =	wrdreg $0x60  }
0xaf: {  	[dreg:$0x2] =	wrdreg s2  }
0xb0: {  	[dreg:$0x3] =	wrdreg s24  }
0xb1: {  	[dreg:$0x4] =	wrdreg s18  }
0xb2: {  	[dreg:$0x5] =	wrdreg $0x9  }
0xb3: {  	_ =	task.clear_ibuf [dreg:s8], $0x6FFFF;
	_ =	strace $0x90000046  }
0xb4: {  	s29 =	simm.s32 $0x9;
	_ =	strace $0x80000048  }
0xb5: {  	_ =	swait.ge [sflag:s29], $0x1  }
0xb6: {  	[sflag:s29] =	ssyncadd.s32 $0xFFFFFFFF  }
0xb7: {  	_ =	strace $0x90000048  }
0xb8: {  	_ =	sfence  }
0xb9: {  	s30 =	sld [smem:$0x0];
	_ =	sdelay $0x2  }
0xba: {  	s31 =	sshll.u32 s1, $0xD;
	s1 =	sshrl.u32 s1, $0x2  }
0xbb: {  	s3 =	sand.u32 $0x4000, s31;
	s1 =	sadd.s32 s1, s30  }
0xbc: {  	s0 =	sor.u32 s3, s0;
	s1 =	sshll.u32 s1, $0x11  }
0xbd: {  	s0 =	sor.u32 s1, s0  }
0xbe: {  	s0 =	sadd.s32 $0x8F2B, s0  }
0xbf: {  	[sflag:s0] =	ssyncadd.remote.s32 $0x1  }
0xc0: {  	_ =	sfence.sel $0xFFFF  }
0xc1: {  	[dreg:$0x0] =	wrdreg $0xFFFFFFFF;
	(pc) =	sbr.abs _section_cstart, $3  }
0xc2: {  	[dreg:$0x1] =	wrdreg $0xFFFFFFFF  }
0xc3: {  	_ =	task.clear_ibuf [dreg:s8], $0x2FFFF;
	_ =	strace $0x9FFFFFFF  }
0xc4: {  	(tm) =	ssettm $0x7FFFFFFF  }
0xc5: {  	_ =	shalt  }
tec
execute0_lowered:
.L_overlay_start_1:
0x0: {  	(tag) =	ssettag $0x1  }
0x1: {  	s1 =	rddreg [dreg:$0x0]  }
0x2: {  	s0 =	rddreg [dreg:$0x1];
	s2 =	srdreg.scid;
	v0 =	vimm.f32 $1.500000000e+01;
	vm0 =	vcmask $0x300  }
0x3: {  	s4 =	stileid.u32;
	s3 =	rddreg [dreg:$0x2];
	vm14 =	vcmask $0x704;
	v0 =	vsel vm0, $0x0, v0  }
0x4: {  	vm15 =	vcmask $0xB08;
	s28 =	simm.s32 $0x2;
	s2 =	sand.u32 $0x1, s2;
	s5 =	sshll.u32 s4, $0x1;
	v0 =	vsel vm14, $0x3F800000, v0  }
0x5: {  	vm4 =	vcmask $0xF0C;
	s29 =	simm.s32 $0x9400;
	s4 =	simm.s32 $0x0;
	s6 =	sor.u32 s2, s5;
	v0 =	vsel vm15, $0x40000000, v0  }
0x6: {  	vm5 =	vcmask $0x1310;
	s2 =	ssub.s32 $0x2, s2;
	s5 =	smul.u32 $0xC0000, s6;
	s6 =	sshll.u32 s6, $0x7;
	v0 =	vsel vm4, $0x40400000, v0  }
0x7: {  	vm6 =	vcmask $0x1714;
	[smem:$0x7FF] =	sst s4;
	s7 =	sshrl.u32 s2, $0x1;
	s0 =	sadd.s32 s6, s0;
	v0 =	vsel vm5, $0x40800000, v0  }
0x8: {  	vm7 =	vcmask $0x1B18;
	_ =	strace $0x80000047;
	s2 =	ssub.s32 s2, s7;
	s0 =	sadd.s32 $0x400, s0;
	v0 =	vsel vm6, $0x40A00000, v0  }
0x9: {  	vm8 =	vcmask $0x1F1C;
	s8 =	sshrl.u32 s5, $0x3;
	s26 =	smax.u32 s2, $0x1;
	[dreg:$0x5] =	wrdreg s0;
	v0 =	vsel vm7, $0x40C00000, v0  }
0xa: {  	vm9 =	vcmask $0x2320;
	s30 =	simm.s32 $0xA400;
	s20 =	sadd.s32 s1, s8;
	[dreg:$0xb] =	wrdreg s26;
	v0 =	vsel vm8, $0x40E00000, v0  }
0xb: {  	vm10 =	vcmask $0x2724;
	s31 =	simm.s32 $0xB400;
	s21 =	sadd.s32 $0x8000, s20;
	[dreg:$0x4] =	wrdreg s20;
	v0 =	vsel vm9, $0x41000000, v0  }
0xc: {  	vm11 =	vcmask $0x2B28;
	s6 =	simm.s32 $0x0;
	s22 =	sadd.s32 $0x10000, s20;
	[dreg:$0x6] =	wrdreg s21;
	v0 =	vsel vm10, $0x41100000, v0  }
.Ltmp0:
0xd: {  	vm12 =	vcmask $0x2F2C;
	s23 =	sadd.s32 $0x200, s20;
	[dreg:$0x7] =	wrdreg s22;
	v0 =	vsel vm11, $0x41200000, v0;
	(pc) =	sbr.rel .LBB2_1-.Ltmp0, $4  }
0xe: {  	vm13 =	vcmask $0x3330;
	s13 =	sor.u32 $0x2000, s5;
	s24 =	sadd.s32 $0x8200, s20;
	[dreg:$0x8] =	wrdreg s23;
	v0 =	vsel vm12, $0x41300000, v0  }
0xf: {  	vm14 =	vcmask $0x3734;
	s14 =	sor.u32 $0x3000, s5;
	s25 =	sadd.s32 $0x10200, s20;
	[dreg:$0x9] =	wrdreg s24;
	v0 =	vsel vm13, $0x41400000, v0  }
0x10: {  	vm15 =	vcmask $0x3B38;
	s26 =	simm.s32 $0x8400;
	[dreg:$0xa] =	wrdreg s25;
	s22 =	simm.s32 $0x5400;
	v0 =	vsel vm14, $0x41500000, v0  }
0x11: {  	v1 =	vimm.f32 $0.0e+00;
	s23 =	simm.s32 $0x1;
	s24 =	simm.s32 $0x6400;
	s25 =	simm.s32 $0x7400;
	v0 =	vsel vm15, $0x41600000, v0  }
.LBB2_12:
0x12: {  	s0 =	simm.s32 $0x3  }
0x13: {  	_ =	swait.ge [sflag:s0], $0x1000  }
0x14: {  	[sflag:s0] =	ssyncset.done $0x0  }
0x15: {  	[sflag:s0] =	ssyncadd.s32 $0xFFFFF000  }
0x16: {  	_ =	swait.ge [sflag:s0], $0x1000  }
0x17: {  	[sflag:s0] =	ssyncset.done $0x0  }
0x18: {  	[sflag:s0] =	ssyncadd.s32 $0xFFFFF000  }
0x19: {  	_ =	swait.ge [sflag:s0], $0x1000  }
0x1a: {  	[sflag:s0] =	ssyncset.done $0x0  }
0x1b: {  	s2 =	simm.s32 $0x4;
	[sflag:s0] =	ssyncadd.s32 $0xFFFFF000  }
0x1c: {  	_ =	swait.ge [sflag:s2], $0x1000  }
0x1d: {  	[sflag:s2] =	ssyncset.done $0x0  }
0x1e: {  	[sflag:s2] =	ssyncadd.s32 $0xFFFFF000  }
0x1f: {  	_ =	swait.ge [sflag:s2], $0x1000  }
0x20: {  	[sflag:s2] =	ssyncset.done $0x0  }
0x21: {  	[sflag:s2] =	ssyncadd.s32 $0xFFFFF000  }
0x22: {  	_ =	swait.ge [sflag:s2], $0x1000  }
0x23: {  	s6 =	rddreg [dreg:$0xc]  }
0x24: {  	s21 =	rddreg [dreg:$0xb];
	s6 =	sadd.s32 $0x1, s6  }
0x25: {  	p0 =	sne.s32 s6, s21  }
.Ltmp1:
0x26: {  	_ = 	snop;
	(pc) =	sbr.rel @!p0 .LBB2_13-.Ltmp1, $3  }
0x27: {  	_ =	sdelay $0x1  }
0x28: {  	[sflag:s2] =	ssyncset.done $0x0  }
0x29: {  	[sflag:s2] =	ssyncadd.s32 $0xFFFFF000  }
.LBB2_1:
0x2a: {  	[dreg:$0xc] =	wrdreg s6  }
0x2b: {  	s0 =	rddreg [dreg:$0x5];
	s9 =	simm.s32 $0x5  }
0x2c: {  	[tilespmem:s4], [sflag:$0x5] =	stream.linear.gather [hbm4b:s0+s4], $0x400, $0x38;
	[tilespmem:$0xC400] =	vst v63  }
0x2d: {  	_ =	swait.ge [sflag:s9], $0x400  }
0x2e: {  	[sflag:s9] =	ssyncset.done $0x0  }
0x2f: {  	[sflag:s9] =	ssyncadd.s32 $0xFFFFFC00  }
0x30: {  	v2 =	vld [tilespmem:$0x0]  }
0x31: {  	v3 =	vld [tilespmem:$0x80]  }
0x32: {  	v4 =	vld [tilespmem:$0x100]  }
0x33: {  	v5 =	vld [tilespmem:$0x180]  }
0x34: {  	v6 =	vld [tilespmem:$0x200]  }
0x35: {  	v7 =	vld [tilespmem:$0x280]  }
0x36: {  	s2 =	simm.s32 $0x400;
	s10 =	rddreg [dreg:$0x4];
	v8 =	vld [tilespmem:$0x300]  }
0x37: {  	v9 =	vld [tilespmem:$0x380];
	[tilespmem:s2], [sflag:$0x1] =	stream.linear.gather [hbm4b:s10+s4], $0x1000, $0x38  }
0x38: {  	s12 =	simm.s32 $0x1400;
	s11 =	rddreg [dreg:$0x6]  }
0x39: {  	[tilespmem:s12], [sflag:$0x1] =	stream.linear.gather [hbm4b:s11+s4], $0x1000, $0x38;
	[tilespmem:$0xC400] =	vst v63  }
0x3a: {  	s16 =	simm.s32 $0x2400;
	s15 =	rddreg [dreg:$0x7]  }
0x3b: {  	[tilespmem:s16], [sflag:$0x1] =	stream.linear.gather [hbm4b:s15+s4], $0x1000, $0x38;
	[tilespmem:$0xC400] =	vst v63  }
0x3c: {  	s18 =	simm.s32 $0x3400;
	s17 =	rddreg [dreg:$0x8]  }
0x3d: {  	[tilespmem:s18], [sflag:$0x2] =	stream.linear.gather [hbm4b:s17+s4], $0x1000, $0x38;
	[tilespmem:$0xC400] =	vst v63  }
0x3e: {  	s20 =	simm.s32 $0x4400;
	s19 =	rddreg [dreg:$0x9]  }
0x3f: {  	[tilespmem:s20], [sflag:$0x2] =	stream.linear.gather [hbm4b:s19+s4], $0x1000, $0x38;
	[tilespmem:$0xC400] =	vst v63  }
0x40: {  	s21 =	rddreg [dreg:$0xa];
	s18 =	simm.s32 $0x0  }
0x41: {  	v10 =	vsub.f32 $0.0e+00, v3;
	[tilespmem:s22], [sflag:$0x2] =	stream.linear.gather [hbm4b:s21+s4], $0x1000, $0x38;
	[tilespmem:$0xC400] =	vst v63  }
.LBB2_2:
0x42: {  	_ =	swait.ge [sflag:s23], $0x1000  }
0x43: {  	[sflag:s23] =	ssyncset.done $0x0  }
0x44: {  	[sflag:s23] =	ssyncadd.s32 $0xFFFFF000  }
0x45: {  	_ =	swait.ge [sflag:s23], $0x1000  }
0x46: {  	[sflag:s23] =	ssyncset.done $0x0  }
0x47: {  	[sflag:s23] =	ssyncadd.s32 $0xFFFFF000  }
0x48: {  	_ =	swait.ge [sflag:s23], $0x1000  }
0x49: {  	p0 =	seq.s32 s18, $0x0;
	[sflag:s23] =	ssyncset.done $0x0  }
0x4a: {  	s0 =	simm.s32 @!p0 $0x3;
	[sflag:s23] =	ssyncadd.s32 $0xFFFFF000  }
0x4b: {  	_ =	swait.ge @!p0 [sflag:s0], $0x1000  }
0x4c: {  	[sflag:s0] =	ssyncset.done @!p0 $0x0  }
0x4d: {  	[sflag:s0] =	ssyncadd.s32 @!p0 $0xFFFFF000  }
0x4e: {  	_ =	swait.ge @!p0 [sflag:s0], $0x1000  }
0x4f: {  	[sflag:s0] =	ssyncset.done @!p0 $0x0  }
0x50: {  	[sflag:s0] =	ssyncadd.s32 @!p0 $0xFFFFF000  }
0x51: {  	_ =	swait.ge @!p0 [sflag:s0], $0x1000  }
0x52: {  	s19 =	sshll.u32 s18, $0xD;
	s7 =	sshll.u32 s18, $0x4;
	[sflag:s0] =	ssyncset.done @!p0 $0x0  }
0x53: {  	s9 =	simm.s32 $0x0;
	s8 =	sadd.s32 $0x100, s7;
	[sflag:s0] =	ssyncadd.s32 @!p0 $0xFFFFF000  }
.LBB2_3:
0x54: {  	s0 =	sadd.s32 s9, s8;
	s6 =	simm.s32 $0x10  }
0x55: {  	s12 =	simm.s32 $0x0;
	s0 =	scvt.s32.f32 s0;
	s2 =	scvt.s32.f32 s6  }
0x56: {  	s10 =	scvt.s32.f32 s12  }
0x57: {  	s0 =	sadd.f32 $-5.115000000e+02, s0;
	v11 =	vadd.f32 s2, v0  }
0x58: {  	v12 =	vadd.f32 s10, v0  }
0x59: {  	v13 =	vmul.f32 s0, v2;
	v14 =	vadd.f32 $-2.555000000e+02, v11  }
0x5a: {  	v15 =	vadd.f32 $-2.555000000e+02, v12  }
0x5b: {  	v11 =	vadd.f32 $5.115000000e+02, v13;
	v12 =	vmul.f32 v14, v3  }
0x5c: {  	v13 =	vmul.f32 s0, v10;
	v16 =	vmul.f32 v15, v3  }
0x5d: {  	v17 =	vadd.f32 v12, v11  }
0x5e: {  	v12 =	vadd.f32 $5.115000000e+02, v13;
	v13 =	vmul.f32 v15, v2;
	v15 =	vadd.f32 v16, v11  }
0x5f: {  	v16 =	vtrunc.f32 v17  }
0x60: {  	v13 =	vadd.f32 v13, v12;
	v18 =	vtrunc.f32 v15;
	v16 =	vcvt.f32.s32 v16  }
0x61: {  	v14 =	vmul.f32 v14, v2;
	v18 =	vcvt.f32.s32 v18  }
0x62: {  	v19 =	vtrunc.f32 v13;
	v16 =	vcvt.s32.f32 v16  }
0x63: {  	v14 =	vadd.f32 v14, v12;
	v19 =	vcvt.f32.s32 v19  }
0x64: {  	v20 =	vcvt.s32.f32 v18;
	v18 =	vsub.f32 v16, v7  }
0x65: {  	v21 =	vtrunc.f32 v14;
	v19 =	vcvt.s32.f32 v19  }
0x66: {  	v21 =	vcvt.f32.s32 v21;
	v18 =	vmax.f32 v18, $0.0e+00  }
0x67: {  	v23 =	vsub.f32 v19, v8;
	v24 =	vmul.f32 v18, v9  }
0x68: {  	v22 =	vsub.f32 v20, v7;
	v21 =	vcvt.s32.f32 v21  }
0x69: {  	v23 =	vmax.f32 v23, $0.0e+00;
	v24 =	vadd.f32 $5.000000000e-01, v24  }
0x6a: {  	v22 =	vmax.f32 v22, $0.0e+00;
	v27 =	vsub.f32 v21, v8;
	v26 =	vmul.f32 v23, v9  }
0x6b: {  	v28 =	vadd.f32 $1.000000000e+00, v21;
	v25 =	vmul.f32 v22, v9;
	v24 =	vtrunc.f32 v24  }
0x6c: {  	v27 =	vmax.f32 v27, $0.0e+00;
	v26 =	vadd.f32 $5.000000000e-01, v26;
	v24 =	vcvt.f32.s32 v24  }
0x6d: {  	vm0 =	vge.f32 v28, v8;
	v25 =	vadd.f32 $5.000000000e-01, v25;
	v28 =	vmul.f32 v27, v9  }
0x6e: {  	v26 =	vtrunc.f32 v26;
	v24 =	vcvt.s32.f32 v24  }
0x6f: {  	v25 =	vtrunc.f32 v25;
	v26 =	vcvt.f32.s32 v26  }
0x70: {  	v29 =	vadd.f32 $1.000000000e+00, v20;
	v25 =	vcvt.f32.s32 v25;
	v31 =	vmul.f32 v24, v4  }
0x71: {  	v30 =	vadd.f32 $1.000000000e+00, v16;
	v28 =	vadd.f32 $5.000000000e-01, v28;
	v26 =	vcvt.s32.f32 v26  }
0x72: {  	v32 =	vsub.f32 v17, v16;
	v25 =	vcvt.s32.f32 v25;
	v31 =	vsub.f32 v18, v31  }
0x73: {  	vm11 =	vle.f32 v7, v16;
	v18 =	vtrunc.f32 v28;
	v28 =	vmul.f32 v26, v4  }
0x74: {  	vm2 =	vge.f32 v29, v7;
	v29 =	vmul.f32 v25, v4;
	vm1 =	vlt.f32 v31, $0.0e+00  }
0x75: {  	v17 =	vsub.f32 v14, v21;
	v23 =	vsub.f32 v23, v28;
	v28 =	vsel vm1, $0x3F800000, v1  }
0x76: {  	v22 =	vsub.f32 v22, v29;
	v14 =	vcvt.f32.s32 v18;
	v29 =	vmul.f32 v28, v4  }
0x77: {  	v13 =	vsub.f32 v13, v19;
	vm9 =	vge.f32 v30, v7;
	v18 =	vsub.f32 v15, v20  }
0x78: {  	v15 =	vadd.f32 $1.000000000e+00, v19;
	v14 =	vcvt.s32.f32 v14;
	v29 =	vadd.f32 v29, v31  }
0x79: {  	vm1 =	vlt.f32 v22, $0.0e+00;
	vm3 =	vlt.f32 v23, $0.0e+00;
	v24 =	vsub.f32 v24, v28  }
0x7a: {  	v28 =	vsel vm3, $0x3F800000, v1;
	v33 =	vmul.f32 v14, v4;
	v35 =	vadd.f32 $1.000000000e+00, v29  }
0x7b: {  	v31 =	vsel vm1, $0x3F800000, v1;
	v34 =	vmul.f32 v28, v4;
	v26 =	vsub.f32 v26, v28  }
0x7c: {  	vm1 =	vle.f32 v8, v19;
	v25 =	vsub.f32 v25, v31;
	vm5 =	vge.f32 v35, v4  }
0x7d: {  	v31 =	vmul.f32 v31, v4;
	v19 =	vadd.f32 v34, v23;
	v23 =	vsel vm5, $0x3F800000, v1  }
0x7e: {  	vm4 =	vlt.f32 v24, v6;
	vm3 =	vlt.f32 v29, v5;
	v16 =	vmul.f32 v23, v4  }
0x7f: {  	vm6 =	vlt.f32 v26, v6;
	v22 =	vadd.f32 v31, v22;
	v28 =	vadd.f32 $1.000000000e+00, v19  }
0x80: {  	vm3 =	vmand vm3, vm4;
	v23 =	vadd.f32 v23, v24;
	v16 =	vsub.f32 v35, v16  }
0x81: {  	vm3 =	vmand vm3, vm11;
	vm13 =	vlt.f32 v19, v5;
	v19 =	vadd.f32 $1.000000000e+00, v22  }
0x82: {  	vm12 =	vge.f32 v28, v4;
	vm7 =	vlt.f32 v23, v6;
	vm14 =	vlt.f32 v16, v5  }
0x83: {  	vm8 =	vlt.f32 v22, v5;
	v24 =	vsel vm12, $0x3F800000, v1;
	vm5 =	vmand vm14, vm7  }
0x84: {  	vm4 =	vmand vm13, vm6;
	v29 =	vmul.f32 v24, v4;
	vm5 =	vmand vm5, vm9  }
0x85: {  	v23 =	vsel vm3, $0x3F800000, v1;
	v16 =	vadd.f32 v24, v26;
	v24 =	vsel vm5, $0x3F800000, v1  }
0x86: {  	vm1 =	vmand vm4, vm1;
	vm3 =	vge.f32 v15, v8;
	v15 =	vsub.f32 v24, v23  }
0x87: {  	vm15 =	vge.f32 v19, v4;
	vm12 =	vlt.f32 v25, v6;
	v22 =	vsub.f32 v28, v29  }
0x88: {  	s10 =	simm.s32 $0x20;
	vm10 =	vlt.f32 v16, v6;
	v16 =	vsel vm15, $0x3F800000, v1;
	v15 =	vmul.f32 v15, v32  }
0x89: {  	s15 =	scvt.s32.f32 s10;
	vm11 =	vlt.f32 v22, v5;
	v22 =	vmul.f32 v16, v4;
	v16 =	vadd.f32 v16, v25  }
0x8a: {  	vm13 =	vmand vm8, vm12;
	v23 =	vadd.f32 v15, v23;
	v15 =	vsub.f32 v27, v33  }
0x8b: {  	vm5 =	vmand vm11, vm10;
	v25 =	vadd.f32 s15, v0;
	v19 =	vsub.f32 v19, v22  }
0x8c: {  	s11 =	simm.s32 $0x30;
	v24 =	vsel vm1, $0x3F800000, v1;
	vm1 =	vle.f32 v7, v20;
	vm8 =	vlt.f32 v15, $0.0e+00  }
0x8d: {  	s2 =	scvt.s32.f32 s11;
	vm3 =	vmand vm5, vm3;
	vm14 =	vlt.f32 v19, v5;
	v19 =	vsel vm8, $0x3F800000, v1  }
0x8e: {  	vm15 =	vlt.f32 v16, v6;
	v16 =	vsel vm3, $0x3F800000, v1;
	v20 =	vmul.f32 v19, v4  }
0x8f: {  	v22 =	vadd.f32 s2, v0;
	v16 =	vsub.f32 v16, v24;
	vm3 =	vmand vm14, vm15  }
0x90: {  	vm2 =	vmand vm3, vm2;
	v14 =	vsub.f32 v14, v19;
	v15 =	vadd.f32 v20, v15  }
0x91: {  	v19 =	vsel vm2, $0x3F800000, v1;
	v20 =	vmul.f32 v16, v13;
	v13 =	vadd.f32 $-2.555000000e+02, v22  }
0x92: {  	vm2 =	vle.f32 v8, v21;
	v16 =	vadd.f32 $-2.555000000e+02, v25;
	v21 =	vadd.f32 $1.000000000e+00, v15  }
0x93: {  	vm9 =	vlt.f32 v15, v5;
	v15 =	vmul.f32 v13, v3;
	v13 =	vmul.f32 v13, v2  }
0x94: {  	v22 =	vmul.f32 v16, v3;
	v16 =	vmul.f32 v16, v2;
	vm10 =	vge.f32 v21, v4  }
0x95: {  	v25 =	vadd.f32 v15, v11;
	v13 =	vadd.f32 v13, v12;
	v15 =	vsel vm10, $0x3F800000, v1  }
0x96: {  	v26 =	vadd.f32 v22, v11;
	v16 =	vadd.f32 v16, v12;
	v22 =	vmul.f32 v15, v4  }
0x97: {  	vm3 =	vlt.f32 v14, v6;
	v27 =	vtrunc.f32 v25;
	v28 =	vtrunc.f32 v13  }
0x98: {  	v14 =	vadd.f32 v15, v14;
	v15 =	vtrunc.f32 v26;
	v29 =	vtrunc.f32 v16  }
0x99: {  	v15 =	vcvt.f32.s32 v15;
	v29 =	vcvt.f32.s32 v29  }
0x9a: {  	v21 =	vsub.f32 v21, v22;
	vm11 =	vlt.f32 v14, v6;
	v14 =	vcvt.f32.s32 v27  }
0x9b: {  	vm1 =	vmand vm13, vm1;
	v27 =	vcvt.f32.s32 v28;
	v22 =	vcvt.s32.f32 v15  }
0x9c: {  	v24 =	vadd.f32 v20, v24;
	vm12 =	vlt.f32 v21, v5;
	v21 =	vcvt.s32.f32 v29  }
0x9d: {  	v28 =	vcvt.s32.f32 v14;
	v15 =	vcvt.s32.f32 v27;
	v14 =	vsub.f32 v22, v7  }
0x9e: {  	vm3 =	vmand vm9, vm3;
	v48 =	vadd.f32 $1.000000000e+00, v22;
	v27 =	vsub.f32 v21, v8  }
0x9f: {  	vm4 =	vmand vm12, vm11;
	v30 =	vsub.f32 v28, v7;
	v31 =	vadd.f32 $1.000000000e+00, v15  }
0xa0: {  	vm0 =	vmand vm4, vm0;
	v47 =	vsub.f32 v15, v8;
	v38 =	vadd.f32 $1.000000000e+00, v28  }
0xa1: {  	v29 =	vsel vm0, $0x3F800000, v1;
	vm0 =	vmand vm3, vm2;
	v45 =	vmax.f32 v14, $0.0e+00  }
0xa2: {  	v27 =	vmax.f32 v27, $0.0e+00;
	v14 =	vmul.f32 v45, v9;
	v30 =	vmax.f32 v30, $0.0e+00  }
0xa3: {  	v46 =	vsel vm0, $0x3F800000, v1;
	v34 =	vmax.f32 v47, $0.0e+00;
	v36 =	vmul.f32 v30, v9  }
0xa4: {  	v37 =	vmul.f32 v27, v9;
	v29 =	vsub.f32 v29, v46;
	v14 =	vadd.f32 $5.000000000e-01, v14  }
0xa5: {  	vm0 =	vge.f32 v31, v8;
	v51 =	vmul.f32 v34, v9;
	v31 =	vadd.f32 $5.000000000e-01, v36  }
0xa6: {  	v49 =	vadd.f32 $5.000000000e-01, v37;
	v17 =	vmul.f32 v29, v17;
	v14 =	vtrunc.f32 v14  }
0xa7: {  	v16 =	vsub.f32 v16, v21;
	v31 =	vtrunc.f32 v31;
	v50 =	vcvt.f32.s32 v14  }
0xa8: {  	v29 =	vadd.f32 $5.000000000e-01, v51;
	v35 =	vtrunc.f32 v49;
	v31 =	vcvt.f32.s32 v31  }
0xa9: {  	v14 =	vsub.f32 v13, v15;
	v13 =	vsub.f32 v26, v22;
	v26 =	vcvt.f32.s32 v35  }
0xaa: {  	v25 =	vsub.f32 v25, v28;
	v29 =	vtrunc.f32 v29;
	v31 =	vcvt.s32.f32 v31  }
0xab: {  	v53 =	vadd.f32 $1.000000000e+00, v21;
	v20 =	vcvt.s32.f32 v50;
	v26 =	vcvt.s32.f32 v26  }
0xac: {  	v17 =	vadd.f32 v17, v46;
	v29 =	vcvt.f32.s32 v29;
	v52 =	vmul.f32 v31, v4  }
0xad: {  	vm9 =	vle.f32 v7, v28;
	v54 =	vmul.f32 v20, v4;
	v55 =	vmul.f32 v26, v4  }
0xae: {  	s16 =	simm.s32 $0x0;
	v56 =	vadd.f32 v17, v23;
	v23 =	vmul.f32 v17, v23;
	v30 =	vsub.f32 v30, v52  }
0xaf: {  	s0 =	sand.u32 $0x18, s16;
	vm2 =	vge.f32 v48, v7;
	v32 =	vsub.f32 v45, v54;
	v27 =	vsub.f32 v27, v55  }
0xb0: {  	s0 =	sor.u32 s9, s0;
	v17 =	vcvt.s32.f32 v29;
	v57 =	vsub.f32 v56, v23;
	vm3 =	vlt.f32 v30, $0.0e+00  }
0xb1: {  	s17 =	sand.u32 $0x70, s6;
	s0 =	sshll.u32 s0, $0x7;
	vm13 =	vlt.f32 v32, $0.0e+00;
	v29 =	vsel vm3, $0x3F800000, v1;
	vm3 =	vlt.f32 v27, $0.0e+00  }
0xb2: {  	s16 =	sor.u32 s17, s0;
	v23 =	vmul.f32 v29, v4;
	v29 =	vsub.f32 v31, v29;
	v58 =	vsel vm3, $0x3F800000, v1  }
0xb3: {  	v31 =	vsel vm13, $0x3F800000, v1;
	vm3 =	vle.f32 v8, v21;
	v21 =	vld [tilespmem:s16+$0x400];
	v39 =	vmul.f32 v58, v4  }
0xb4: {  	v59 =	vmul.f32 v17, v4;
	v20 =	vsub.f32 v20, v31;
	v23 =	vadd.f32 v23, v30  }
0xb5: {  	v31 =	vmul.f32 v31, v4;
	v26 =	vsub.f32 v26, v58;
	v27 =	vadd.f32 v39, v27  }
0xb6: {  	v30 =	vld [tilespmem:s16+$0x1400];
	vm15 =	vlt.f32 v29, v6;
	vm14 =	vlt.f32 v23, v5;
	v23 =	vadd.f32 $1.000000000e+00, v23  }
0xb7: {  	vm4 =	vlt.f32 v26, v6;
	vm5 =	vmand vm14, vm15;
	v60 =	vadd.f32 $1.000000000e+00, v27  }
0xb8: {  	vm6 =	vlt.f32 v27, v5;
	v21 =	vmul.f32 v21, v57;
	vm10 =	vge.f32 v23, v4  }
0xb9: {  	v27 =	vsel vm1, $0x3F800000, v1;
	vm14 =	vge.f32 v38, v7;
	v28 =	vsel vm10, $0x3F800000, v1  }
0xba: {  	vm5 =	vmand vm5, vm9;
	v19 =	vsub.f32 v19, v27;
	v61 =	vmul.f32 v28, v4  }
0xbb: {  	vm4 =	vmand vm6, vm4;
	v30 =	vmul.f32 v30, v57;
	vm11 =	vge.f32 v60, v4  }
0xbc: {  	vm10 =	vge.f32 v53, v8;
	v28 =	vadd.f32 v28, v29;
	v23 =	vsub.f32 v23, v61  }
0xbd: {  	vm3 =	vmand vm4, vm3;
	v29 =	vadd.f32 v31, v32;
	v62 =	vsel vm11, $0x3F800000, v1  }
0xbe: {  	v18 =	vmul.f32 v19, v18;
	vm12 =	vlt.f32 v28, v6;
	vm1 =	vlt.f32 v23, v5  }
0xbf: {  	v63 =	vmul.f32 v62, v4;
	v31 =	vadd.f32 $1.000000000e+00, v29;
	vm1 =	vmand vm1, vm12  }
0xc0: {  	vm13 =	vlt.f32 v29, v5;
	v23 =	vadd.f32 v62, v26;
	vm1 =	vmand vm1, vm14  }
0xc1: {  	v28 =	vsel vm5, $0x3F800000, v1;
	v26 =	vsub.f32 v60, v63;
	v29 =	vsel vm1, $0x3F800000, v1  }
0xc2: {  	vm15 =	vge.f32 v31, v4;
	vm1 =	vlt.f32 v23, v6;
	v23 =	vsub.f32 v29, v28  }
0xc3: {  	vm11 =	vlt.f32 v26, v5;
	v26 =	vsub.f32 v34, v59;
	v29 =	vsel vm15, $0x3F800000, v1  }
0xc4: {  	vm12 =	vmand vm11, vm1;
	v19 =	vmul.f32 v23, v25;
	v23 =	vmul.f32 v29, v4  }
0xc5: {  	vm1 =	vlt.f32 v20, v6;
	v25 =	vadd.f32 v18, v27;
	v27 =	vadd.f32 v29, v20  }
0xc6: {  	s20 =	sand.u32 $0x60, s12;
	vm1 =	vmand vm13, vm1;
	v29 =	vld [tilespmem:s16+$0x2400];
	v18 =	vadd.f32 v19, v28;
	v19 =	vsub.f32 v31, v23  }
0xc7: {  	s17 =	sor.u32 s20, s0;
	v20 =	vsel vm3, $0x3F800000, v1;
	vm3 =	vle.f32 v7, v22;
	v31 =	vadd.f32 v24, v25  }
0xc8: {  	s15 =	simm.s32 $0x2;
	vm14 =	vlt.f32 v27, v6;
	v25 =	vmul.f32 v24, v25;
	v23 =	vld [tilespmem:s17+$0x400];
	vm13 =	vlt.f32 v19, v5  }
0xc9: {  	s21 =	sand.u32 $0x18, s15;
	vm15 =	vmand vm12, vm10;
	v22 =	vld [tilespmem:s17+$0x1400];
	vm1 =	vmand vm1, vm3;
	vm3 =	vmand vm13, vm14  }
0xca: {  	s0 =	sor.u32 s9, s21;
	v28 =	vsel vm15, $0x3F800000, v1;
	v24 =	vld [tilespmem:s17+$0x2400];
	v25 =	vsub.f32 v31, v25;
	vm3 =	vmand vm3, vm2  }
0xcb: {  	s6 =	simm.s32 $0x50;
	s12 =	sshll.u32 s0, $0x7;
	[tilespmem:s16+$0x7400] =	vst v30;
	v27 =	vmul.f32 v29, v57;
	vm2 =	vlt.f32 v26, $0.0e+00;
	v19 =	vsel vm3, $0x3F800000, v1  }
.LBB2_4:
0xcc: {  	s15 =	sadd.s32 $0x2, s15;
	s2 =	sadd.s32 $0xFFFFFFF0, s6;
	s0 =	scvt.s32.f32 s6;
	v28 =	vsub.f32 v28, v20;
	v29 =	vsel vm2, $0x3F800000, v1;
	[tilespmem:s16+$0x6400] =	vst v21  }
0xcd: {  	s20 =	scvt.s32.f32 s2;
	s21 =	sand.u32 $0x18, s15;
	p1 =	slt.u32 s15, $0x1E;
	v17 =	vsub.f32 v17, v29;
	v21 =	vmul.f32 v29, v4;
	v23 =	vmul.f32 v23, v25;
	[tilespmem:s16+$0x8400] =	vst v27  }
0xce: {  	s16 =	sor.u32 s9, s21;
	v27 =	vadd.f32 s0, v0;
	v28 =	vmul.f32 v28, v16;
	v16 =	vmul.f32 v22, v25  }
0xcf: {  	v22 =	vadd.f32 s20, v0;
	s0 =	sshll.u32 s16, $0x7;
	v21 =	vadd.f32 v21, v26;
	v24 =	vmul.f32 v24, v25  }
0xd0: {  	vm2 =	vle.f32 v8, v15;
	vm3 =	vlt.f32 v17, v6;
	v25 =	vadd.f32 $-2.555000000e+02, v27;
	[tilespmem:s17+$0x6400] =	vst v23  }
0xd1: {  	v15 =	vadd.f32 $-2.555000000e+02, v22;
	vm4 =	vlt.f32 v21, v5;
	v21 =	vadd.f32 $1.000000000e+00, v21;
	[tilespmem:s17+$0x8400] =	vst v24  }
0xd2: {  	v22 =	vmul.f32 v25, v3;
	v23 =	vmul.f32 v25, v2;
	vm3 =	vmand vm4, vm3;
	[tilespmem:s17+$0x7400] =	vst v16  }
0xd3: {  	v16 =	vmul.f32 v15, v3;
	v15 =	vmul.f32 v15, v2;
	vm4 =	vge.f32 v21, v4  }
0xd4: {  	v24 =	vadd.f32 v22, v11;
	v25 =	vadd.f32 v23, v12;
	v22 =	vsel vm4, $0x3F800000, v1  }
0xd5: {  	v26 =	vadd.f32 v16, v11;
	v16 =	vadd.f32 v15, v12;
	v15 =	vmul.f32 v22, v4  }
0xd6: {  	v17 =	vadd.f32 v22, v17;
	v23 =	vtrunc.f32 v24;
	v27 =	vtrunc.f32 v25  }
0xd7: {  	v22 =	vtrunc.f32 v26;
	v29 =	vtrunc.f32 v16;
	v15 =	vsub.f32 v21, v15  }
0xd8: {  	vm4 =	vlt.f32 v17, v6;
	v21 =	vcvt.f32.s32 v22;
	v29 =	vcvt.f32.s32 v29  }
0xd9: {  	v17 =	vcvt.f32.s32 v23;
	v23 =	vcvt.f32.s32 v27;
	vm5 =	vlt.f32 v15, v5  }
0xda: {  	v22 =	vcvt.s32.f32 v21;
	v21 =	vcvt.s32.f32 v29;
	vm4 =	vmand vm5, vm4  }
0xdb: {  	v27 =	vcvt.s32.f32 v17;
	v15 =	vcvt.s32.f32 v23;
	vm0 =	vmand vm4, vm0  }
0xdc: {  	v17 =	vsub.f32 v22, v7;
	v23 =	vsub.f32 v21, v8;
	v29 =	vsel vm0, $0x3F800000, v1  }
0xdd: {  	v30 =	vsub.f32 v27, v7;
	v31 =	vadd.f32 $1.000000000e+00, v15;
	vm0 =	vmand vm3, vm2  }
0xde: {  	v33 =	vsel vm0, $0x3F800000, v1;
	v17 =	vmax.f32 v17, $0.0e+00;
	v32 =	vmax.f32 v23, $0.0e+00  }
0xdf: {  	v34 =	vsub.f32 v15, v8;
	v30 =	vmax.f32 v30, $0.0e+00;
	v23 =	vmul.f32 v17, v9  }
0xe0: {  	v35 =	vadd.f32 $1.000000000e+00, v22;
	vm0 =	vge.f32 v31, v8;
	v36 =	vmul.f32 v30, v9  }
0xe1: {  	v37 =	vadd.f32 $1.000000000e+00, v27;
	v31 =	vmul.f32 v32, v9;
	v23 =	vadd.f32 $5.000000000e-01, v23  }
0xe2: {  	v16 =	vsub.f32 v16, v21;
	vm2 =	vge.f32 v35, v7;
	v35 =	vadd.f32 $5.000000000e-01, v36  }
0xe3: {  	v38 =	vsub.f32 v24, v27;
	v31 =	vadd.f32 $5.000000000e-01, v31;
	v36 =	vtrunc.f32 v23  }
0xe4: {  	v29 =	vsub.f32 v29, v33;
	v24 =	vtrunc.f32 v35;
	v23 =	vmax.f32 v34, $0.0e+00  }
0xe5: {  	v25 =	vsub.f32 v25, v15;
	v24 =	vcvt.f32.s32 v24;
	v34 =	vcvt.f32.s32 v36  }
0xe6: {  	v26 =	vsub.f32 v26, v22;
	v31 =	vtrunc.f32 v31;
	v35 =	vmul.f32 v23, v9  }
0xe7: {  	v31 =	vcvt.f32.s32 v31;
	v36 =	vcvt.s32.f32 v24;
	v24 =	vadd.f32 v28, v20  }
0xe8: {  	v29 =	vmul.f32 v29, v14;
	v14 =	vmovc v25;
	v20 =	vcvt.s32.f32 v34;
	v28 =	vadd.f32 $5.000000000e-01, v35  }
0xe9: {  	v25 =	vcvt.s32.f32 v31;
	v31 =	vadd.f32 $1.000000000e+00, v21;
	v34 =	vmul.f32 v36, v4  }
0xea: {  	v29 =	vadd.f32 v29, v33;
	v35 =	vmul.f32 v20, v4;
	v28 =	vtrunc.f32 v28  }
0xeb: {  	v33 =	vmul.f32 v25, v4;
	v30 =	vsub.f32 v30, v34;
	v28 =	vcvt.f32.s32 v28  }
0xec: {  	v34 =	vsub.f32 v17, v35;
	v35 =	vadd.f32 v29, v18;
	v18 =	vmul.f32 v29, v18  }
0xed: {  	v29 =	vsub.f32 v32, v33;
	vm3 =	vlt.f32 v30, $0.0e+00;
	v17 =	vcvt.s32.f32 v28  }
0xee: {  	vm4 =	vlt.f32 v34, $0.0e+00;
	v28 =	vsel vm3, $0x3F800000, v1;
	v32 =	vsub.f32 v35, v18  }
0xef: {  	s16 =	sand.u32 $0x70, s11;
	s11 =	smov.u32 s6;
	vm3 =	vlt.f32 v29, $0.0e+00;
	v18 =	vsub.f32 v36, v28;
	v28 =	vmul.f32 v28, v4  }
0xf0: {  	s16 =	sor.u32 s16, s12;
	v33 =	vsel vm4, $0x3F800000, v1;
	v35 =	vsel vm3, $0x3F800000, v1;
	v36 =	vmul.f32 v17, v4  }
0xf1: {  	v20 =	vsub.f32 v20, v33;
	v39 =	vmul.f32 v35, v4;
	v28 =	vadd.f32 v28, v30;
	v30 =	vld [tilespmem:s16+$0x1400]  }
0xf2: {  	vm3 =	vle.f32 v8, v21;
	v33 =	vmul.f32 v33, v4;
	v25 =	vsub.f32 v25, v35;
	v35 =	vld [tilespmem:s16+$0x2400]  }
0xf3: {  	vm6 =	vlt.f32 v18, v6;
	vm5 =	vlt.f32 v28, v5;
	v28 =	vadd.f32 $1.000000000e+00, v28;
	v21 =	vld [tilespmem:s16+$0x400]  }
0xf4: {  	vm7 =	vle.f32 v7, v27;
	vm4 =	vlt.f32 v25, v6;
	vm5 =	vmand vm5, vm6  }
0xf5: {  	v27 =	vadd.f32 v39, v29;
	vm5 =	vmand vm5, vm7;
	vm6 =	vge.f32 v28, v4  }
0xf6: {  	v29 =	vsel vm6, $0x3F800000, v1;
	v30 =	vmul.f32 v30, v32  }
0xf7: {  	v39 =	vadd.f32 $1.000000000e+00, v27;
	v40 =	vmul.f32 v29, v4;
	v18 =	vadd.f32 v29, v18  }
0xf8: {  	vm6 =	vlt.f32 v27, v5;
	v29 =	vadd.f32 v33, v34;
	v21 =	vmul.f32 v21, v32;
	[tilespmem:s16+$0x7400] =	vst v30  }
0xf9: {  	vm7 =	vge.f32 v39, v4;
	v27 =	vsub.f32 v28, v40;
	v28 =	vsel vm1, $0x3F800000, v1  }
0xfa: {  	v33 =	vsel vm7, $0x3F800000, v1;
	v30 =	vadd.f32 $1.000000000e+00, v29;
	v19 =	vsub.f32 v19, v28  }
0xfb: {  	v34 =	vmul.f32 v33, v4;
	vm8 =	vlt.f32 v18, v6;
	vm7 =	vlt.f32 v27, v5  }
0xfc: {  	vm9 =	vge.f32 v37, v7;
	vm1 =	vlt.f32 v29, v5;
	vm7 =	vmand vm7, vm8  }
0xfd: {  	v18 =	vadd.f32 v33, v25;
	vm8 =	vge.f32 v30, v4;
	vm7 =	vmand vm7, vm9  }
0xfe: {  	v25 =	vsub.f32 v39, v34;
	v27 =	vsel vm5, $0x3F800000, v1;
	v29 =	vsel vm7, $0x3F800000, v1  }
0xff: {  	vm5 =	vge.f32 v31, v8;
	vm7 =	vlt.f32 v18, v6;
	v18 =	vsub.f32 v29, v27  }
0x100: {  	v19 =	vmul.f32 v19, v13;
	v13 =	vmovc v26;
	v29 =	vsel vm8, $0x3F800000, v1;
	vm8 =	vlt.f32 v25, v5  }
0x101: {  	vm4 =	vmand vm6, vm4;
	vm6 =	vmand vm8, vm7;
	v18 =	vmul.f32 v18, v38  }
0x102: {  	v19 =	vadd.f32 v19, v28;
	vm7 =	vlt.f32 v20, v6;
	v25 =	vmul.f32 v29, v4  }
0x103: {  	vm3 =	vmand vm4, vm3;
	v28 =	vadd.f32 v29, v20;
	v18 =	vadd.f32 v18, v27  }
0x104: {  	s17 =	sand.u32 $0x60, s10;
	s10 =	smov.u32 s2;
	v20 =	vsel vm3, $0x3F800000, v1;
	v25 =	vsub.f32 v30, v25;
	v27 =	vadd.f32 v24, v19  }
.Ltmp2:
0x105: {  	s17 =	sor.u32 s17, s12;
	s12 =	smov.u32 s0;
	v26 =	vsub.f32 v23, v36;
	vm3 =	vle.f32 v7, v22;
	vm1 =	vmand vm1, vm7;
	(pc) =	sbr.rel @p1 .LBB2_4-.Ltmp2, $4  }
0x106: {  	vm7 =	vlt.f32 v28, v6;
	vm4 =	vlt.f32 v25, v5;
	v25 =	vmul.f32 v24, v19;
	v23 =	vld [tilespmem:s17+$0x400]  }
0x107: {  	vm1 =	vmand vm1, vm3;
	vm3 =	vmand vm4, vm7;
	vm4 =	vmand vm6, vm5;
	v22 =	vld [tilespmem:s17+$0x1400]  }
0x108: {  	vm3 =	vmand vm3, vm2;
	v28 =	vsel vm4, $0x3F800000, v1;
	vm2 =	vlt.f32 v26, $0.0e+00;
	v24 =	vld [tilespmem:s17+$0x2400]  }
0x109: {  	s6 =	sadd.s32 $0x20, s6;
	v25 =	vsub.f32 v27, v25;
	v27 =	vmul.f32 v35, v32;
	v19 =	vsel vm3, $0x3F800000, v1  }
0x10a: {  	v11 =	vsel vm2, $0x3F800000, v1  }
0x10b: {  	v12 =	vmul.f32 v11, v4;
	_ =	sdelay $0x1  }
0x10c: {  	v12 =	vadd.f32 v12, v26;
	_ =	sdelay $0x1  }
0x10d: {  	v26 =	vadd.f32 $1.000000000e+00, v12;
	_ =	sdelay $0x1  }
0x10e: {  	vm13 =	vge.f32 v26, v4  }
0x10f: {  	v29 =	vsel vm13, $0x3F800000, v1  }
0x110: {  	v11 =	vsub.f32 v17, v11;
	v44 =	vmul.f32 v29, v4;
	_ =	sdelay $0x1  }
0x111: {  	v45 =	vadd.f32 v29, v11;
	v17 =	vsub.f32 v26, v44  }
0x112: {  	vm15 =	vle.f32 v8, v15;
	vm14 =	vlt.f32 v11, v6  }
0x113: {  	vm3 =	vlt.f32 v12, v5;
	vm4 =	vlt.f32 v45, v6;
	vm5 =	vlt.f32 v17, v5  }
0x114: {  	v47 =	vsel vm1, $0x3F800000, v1;
	vm2 =	vmand vm3, vm14;
	vm4 =	vmand vm5, vm4  }
0x115: {  	v48 =	vsub.f32 v28, v20;
	vm2 =	vmand vm2, vm15;
	vm0 =	vmand vm4, vm0  }
0x116: {  	v49 =	vsub.f32 v19, v47;
	v46 =	vsel vm2, $0x3F800000, v1;
	v11 =	vsel vm0, $0x3F800000, v1  }
0x117: {  	v11 =	vsub.f32 v11, v46  }
0x118: {  	s0 =	sand.u32 $0x70, s11;
	v50 =	vmul.f32 v48, v16;
	v13 =	vmul.f32 v49, v13  }
0x119: {  	s2 =	sand.u32 $0x60, s10;
	s0 =	sor.u32 s0, s12;
	v11 =	vmul.f32 v11, v14  }
0x11a: {  	s2 =	sor.u32 s2, s12;
	v51 =	vld [tilespmem:s0+$0x1400];
	v12 =	vadd.f32 v50, v20;
	v13 =	vadd.f32 v13, v47  }
0x11b: {  	v57 =	vld [tilespmem:s2+$0x400];
	v11 =	vadd.f32 v11, v46  }
0x11c: {  	v53 =	vld [tilespmem:s0+$0x400];
	v59 =	vadd.f32 v12, v13;
	v12 =	vmul.f32 v12, v13  }
0x11d: {  	[tilespmem:s16+$0x6400] =	vst v21;
	v54 =	vmul.f32 v23, v25;
	v55 =	vld [tilespmem:s0+$0x2400];
	v52 =	vadd.f32 v11, v18;
	v11 =	vmul.f32 v11, v18  }
0x11e: {  	[tilespmem:s16+$0x8400] =	vst v27;
	v58 =	vmul.f32 v22, v25;
	v12 =	vsub.f32 v59, v12  }
0x11f: {  	v60 =	vld [tilespmem:s2+$0x2400];
	v56 =	vmul.f32 v24, v25;
	[tilespmem:s17+$0x6400] =	vst v54;
	v11 =	vsub.f32 v52, v11  }
0x120: {  	v62 =	vld [tilespmem:s2+$0x1400];
	[tilespmem:s17+$0x7400] =	vst v58;
	v63 =	vmul.f32 v57, v12  }
0x121: {  	s9 =	sadd.s32 $0x1, s9;
	[tilespmem:s17+$0x8400] =	vst v56;
	v61 =	vmul.f32 v51, v11  }
0x122: {  	p1 =	sne.s32 s9, $0x8;
	[tilespmem:s2+$0x6400] =	vst v63;
	v17 =	vmul.f32 v53, v11;
	v11 =	vmul.f32 v55, v11  }
.Ltmp3:
0x123: {  	[tilespmem:s0+$0x7400] =	vst v61;
	(pc) =	sbr.rel @p1 .LBB2_3-.Ltmp3, $4  }
0x124: {  	[tilespmem:s0+$0x8400] =	vst v11;
	v11 =	vmul.f32 v60, v12  }
0x125: {  	[tilespmem:s0+$0x6400] =	vst v17;
	v12 =	vmul.f32 v62, v12  }
0x126: {  	[tilespmem:s2+$0x8400] =	vst v11  }
0x127: {  	[tilespmem:s2+$0x7400] =	vst v12  }
0x128: {  	s0 =	sor.u32 s5, s19  }
0x129: {  	s0 =	sshrl.u32 s0, $0x3  }
0x12a: {  	s0 =	sadd.s32 s3, s0  }
0x12b: {  	[hbm4b:s0+s4] =	stream.linear.scatter [tilespmem:s24], [sflag:$0x3], $0x1000, $0x38;
	[tilespmem:$0xC400] =	vst v63  }
0x12c: {  	s2 =	sadd.s32 $0x8000, s0  }
0x12d: {  	[hbm4b:s2+s4] =	stream.linear.scatter [tilespmem:s25], [sflag:$0x3], $0x1000, $0x38;
	[tilespmem:$0xC400] =	vst v63  }
0x12e: {  	p1 =	seq.s32 s18, $0x1F;
	s0 =	sadd.s32 $0x10000, s0  }
0x12f: {  	[hbm4b:s0+s4] =	stream.linear.scatter [tilespmem:s26], [sflag:$0x3], $0x1000, $0x38;
	[tilespmem:$0xC400] =	vst v63  }
0x130: {  	s0 =	sadd.s32 @!p1 s19, s13  }
0x131: {  	s0 =	sshrl.u32 @!p1 s0, $0x3  }
0x132: {  	s6 =	simm.s32 @!p1 $0x400;
	s2 =	simm.s32 @!p1 $0x0;
	s0 =	sadd.s32 @!p1 s1, s0  }
0x133: {  	[tilespmem:s6], [sflag:$0x1] =	stream.linear.gather @!p1 [hbm4b:s0+s2], $0x1000, $0x38;
	[tilespmem:$0xC400] =	vst v63  }
0x134: {  	s8 =	simm.s32 @!p1 $0x1400;
	s6 =	sadd.s32 @!p1 $0x8000, s0  }
0x135: {  	[tilespmem:s8], [sflag:$0x1] =	stream.linear.gather @!p1 [hbm4b:s6+s2], $0x1000, $0x38;
	[tilespmem:$0xC400] =	vst v63  }
0x136: {  	s0 =	sadd.s32 @!p1 $0x10000, s0;
	s6 =	simm.s32 @!p1 $0x2400  }
0x137: {  	[tilespmem:s6], [sflag:$0x1] =	stream.linear.gather @!p1 [hbm4b:s0+s2], $0x1000, $0x38;
	[tilespmem:$0xC400] =	vst v63  }
0x138: {  	_ =	swait.ge [sflag:s28], $0x1000  }
0x139: {  	[sflag:s28] =	ssyncset.done $0x0  }
0x13a: {  	[sflag:s28] =	ssyncadd.s32 $0xFFFFF000  }
0x13b: {  	_ =	swait.ge [sflag:s28], $0x1000  }
0x13c: {  	[sflag:s28] =	ssyncset.done $0x0  }
0x13d: {  	[sflag:s28] =	ssyncadd.s32 $0xFFFFF000  }
0x13e: {  	_ =	swait.ge [sflag:s28], $0x1000  }
0x13f: {  	[sflag:s28] =	ssyncset.done $0x0  }
0x140: {  	s0 =	simm.s32 @!p0 $0x4;
	[sflag:s28] =	ssyncadd.s32 $0xFFFFF000  }
0x141: {  	_ =	swait.ge @!p0 [sflag:s0], $0x1000  }
0x142: {  	[sflag:s0] =	ssyncset.done @!p0 $0x0  }
0x143: {  	[sflag:s0] =	ssyncadd.s32 @!p0 $0xFFFFF000  }
0x144: {  	_ =	swait.ge @!p0 [sflag:s0], $0x1000  }
0x145: {  	[sflag:s0] =	ssyncset.done @!p0 $0x0  }
0x146: {  	[sflag:s0] =	ssyncadd.s32 @!p0 $0xFFFFF000  }
0x147: {  	_ =	swait.ge @!p0 [sflag:s0], $0x1000  }
0x148: {  	[sflag:s0] =	ssyncset.done @!p0 $0x0  }
0x149: {  	s7 =	sadd.s32 $0x108, s7;
	s8 =	simm.s32 $0x0;
	[sflag:s0] =	ssyncadd.s32 @!p0 $0xFFFFF000  }
.LBB2_7:
0x14a: {  	s0 =	sadd.s32 s8, s7;
	s6 =	simm.s32 $0x10  }
0x14b: {  	s11 =	simm.s32 $0x0;
	s0 =	scvt.s32.f32 s0;
	s2 =	scvt.s32.f32 s6  }
0x14c: {  	s9 =	scvt.s32.f32 s11  }
0x14d: {  	s0 =	sadd.f32 $-5.115000000e+02, s0;
	v11 =	vadd.f32 s2, v0  }
0x14e: {  	v12 =	vadd.f32 s9, v0  }
0x14f: {  	v13 =	vmul.f32 s0, v2;
	v14 =	vadd.f32 $-2.555000000e+02, v11  }
0x150: {  	v15 =	vadd.f32 $-2.555000000e+02, v12  }
0x151: {  	v11 =	vadd.f32 $5.115000000e+02, v13;
	v12 =	vmul.f32 v14, v3  }
0x152: {  	v13 =	vmul.f32 s0, v10;
	v16 =	vmul.f32 v15, v3  }
0x153: {  	v17 =	vadd.f32 v12, v11  }
0x154: {  	v12 =	vadd.f32 $5.115000000e+02, v13;
	v13 =	vmul.f32 v15, v2;
	v15 =	vadd.f32 v16, v11  }
0x155: {  	v16 =	vtrunc.f32 v17  }
0x156: {  	v13 =	vadd.f32 v13, v12;
	v18 =	vtrunc.f32 v15;
	v16 =	vcvt.f32.s32 v16  }
0x157: {  	v14 =	vmul.f32 v14, v2;
	v18 =	vcvt.f32.s32 v18  }
0x158: {  	v19 =	vtrunc.f32 v13;
	v16 =	vcvt.s32.f32 v16  }
0x159: {  	v14 =	vadd.f32 v14, v12;
	v19 =	vcvt.f32.s32 v19  }
0x15a: {  	v20 =	vcvt.s32.f32 v18;
	v18 =	vsub.f32 v16, v7  }
0x15b: {  	v21 =	vtrunc.f32 v14;
	v19 =	vcvt.s32.f32 v19  }
0x15c: {  	v21 =	vcvt.f32.s32 v21;
	v18 =	vmax.f32 v18, $0.0e+00  }
0x15d: {  	v23 =	vsub.f32 v19, v8;
	v24 =	vmul.f32 v18, v9  }
0x15e: {  	v22 =	vsub.f32 v20, v7;
	v21 =	vcvt.s32.f32 v21  }
0x15f: {  	v23 =	vmax.f32 v23, $0.0e+00;
	v24 =	vadd.f32 $5.000000000e-01, v24  }
0x160: {  	v22 =	vmax.f32 v22, $0.0e+00;
	v27 =	vsub.f32 v21, v8;
	v26 =	vmul.f32 v23, v9  }
0x161: {  	v28 =	vadd.f32 $1.000000000e+00, v21;
	v25 =	vmul.f32 v22, v9;
	v24 =	vtrunc.f32 v24  }
0x162: {  	v27 =	vmax.f32 v27, $0.0e+00;
	v26 =	vadd.f32 $5.000000000e-01, v26;
	v24 =	vcvt.f32.s32 v24  }
0x163: {  	vm0 =	vge.f32 v28, v8;
	v25 =	vadd.f32 $5.000000000e-01, v25;
	v28 =	vmul.f32 v27, v9  }
0x164: {  	v26 =	vtrunc.f32 v26;
	v24 =	vcvt.s32.f32 v24  }
0x165: {  	v25 =	vtrunc.f32 v25;
	v26 =	vcvt.f32.s32 v26  }
0x166: {  	v29 =	vadd.f32 $1.000000000e+00, v20;
	v25 =	vcvt.f32.s32 v25;
	v31 =	vmul.f32 v24, v4  }
0x167: {  	v30 =	vadd.f32 $1.000000000e+00, v16;
	v28 =	vadd.f32 $5.000000000e-01, v28;
	v26 =	vcvt.s32.f32 v26  }
0x168: {  	v32 =	vsub.f32 v17, v16;
	v25 =	vcvt.s32.f32 v25;
	v31 =	vsub.f32 v18, v31  }
0x169: {  	vm11 =	vle.f32 v7, v16;
	v18 =	vtrunc.f32 v28;
	v28 =	vmul.f32 v26, v4  }
0x16a: {  	vm2 =	vge.f32 v29, v7;
	v29 =	vmul.f32 v25, v4;
	vm1 =	vlt.f32 v31, $0.0e+00  }
0x16b: {  	v17 =	vsub.f32 v14, v21;
	v23 =	vsub.f32 v23, v28;
	v28 =	vsel vm1, $0x3F800000, v1  }
0x16c: {  	v22 =	vsub.f32 v22, v29;
	v14 =	vcvt.f32.s32 v18;
	v29 =	vmul.f32 v28, v4  }
0x16d: {  	v13 =	vsub.f32 v13, v19;
	vm9 =	vge.f32 v30, v7;
	v18 =	vsub.f32 v15, v20  }
0x16e: {  	v15 =	vadd.f32 $1.000000000e+00, v19;
	v14 =	vcvt.s32.f32 v14;
	v29 =	vadd.f32 v29, v31  }
0x16f: {  	vm1 =	vlt.f32 v22, $0.0e+00;
	vm3 =	vlt.f32 v23, $0.0e+00;
	v24 =	vsub.f32 v24, v28  }
0x170: {  	v28 =	vsel vm3, $0x3F800000, v1;
	v33 =	vmul.f32 v14, v4;
	v35 =	vadd.f32 $1.000000000e+00, v29  }
0x171: {  	v31 =	vsel vm1, $0x3F800000, v1;
	v34 =	vmul.f32 v28, v4;
	v26 =	vsub.f32 v26, v28  }
0x172: {  	vm1 =	vle.f32 v8, v19;
	v25 =	vsub.f32 v25, v31;
	vm5 =	vge.f32 v35, v4  }
0x173: {  	v31 =	vmul.f32 v31, v4;
	v19 =	vadd.f32 v34, v23;
	v23 =	vsel vm5, $0x3F800000, v1  }
0x174: {  	vm4 =	vlt.f32 v24, v6;
	vm3 =	vlt.f32 v29, v5;
	v16 =	vmul.f32 v23, v4  }
0x175: {  	vm6 =	vlt.f32 v26, v6;
	v22 =	vadd.f32 v31, v22;
	v28 =	vadd.f32 $1.000000000e+00, v19  }
0x176: {  	vm3 =	vmand vm3, vm4;
	v23 =	vadd.f32 v23, v24;
	v16 =	vsub.f32 v35, v16  }
0x177: {  	vm3 =	vmand vm3, vm11;
	vm13 =	vlt.f32 v19, v5;
	v19 =	vadd.f32 $1.000000000e+00, v22  }
0x178: {  	vm12 =	vge.f32 v28, v4;
	vm7 =	vlt.f32 v23, v6;
	vm14 =	vlt.f32 v16, v5  }
0x179: {  	vm8 =	vlt.f32 v22, v5;
	v24 =	vsel vm12, $0x3F800000, v1;
	vm5 =	vmand vm14, vm7  }
0x17a: {  	vm4 =	vmand vm13, vm6;
	v29 =	vmul.f32 v24, v4;
	vm5 =	vmand vm5, vm9  }
0x17b: {  	v23 =	vsel vm3, $0x3F800000, v1;
	v16 =	vadd.f32 v24, v26;
	v24 =	vsel vm5, $0x3F800000, v1  }
0x17c: {  	vm1 =	vmand vm4, vm1;
	vm3 =	vge.f32 v15, v8;
	v15 =	vsub.f32 v24, v23  }
0x17d: {  	vm15 =	vge.f32 v19, v4;
	vm12 =	vlt.f32 v25, v6;
	v22 =	vsub.f32 v28, v29  }
0x17e: {  	s9 =	simm.s32 $0x20;
	vm10 =	vlt.f32 v16, v6;
	v16 =	vsel vm15, $0x3F800000, v1;
	v15 =	vmul.f32 v15, v32  }
0x17f: {  	s15 =	scvt.s32.f32 s9;
	vm11 =	vlt.f32 v22, v5;
	v22 =	vmul.f32 v16, v4;
	v16 =	vadd.f32 v16, v25  }
0x180: {  	vm13 =	vmand vm8, vm12;
	v23 =	vadd.f32 v15, v23;
	v15 =	vsub.f32 v27, v33  }
0x181: {  	vm5 =	vmand vm11, vm10;
	v25 =	vadd.f32 s15, v0;
	v19 =	vsub.f32 v19, v22  }
0x182: {  	s10 =	simm.s32 $0x30;
	v24 =	vsel vm1, $0x3F800000, v1;
	vm1 =	vle.f32 v7, v20;
	vm8 =	vlt.f32 v15, $0.0e+00  }
0x183: {  	s12 =	scvt.s32.f32 s10;
	vm3 =	vmand vm5, vm3;
	vm14 =	vlt.f32 v19, v5;
	v19 =	vsel vm8, $0x3F800000, v1  }
0x184: {  	vm15 =	vlt.f32 v16, v6;
	v16 =	vsel vm3, $0x3F800000, v1;
	v20 =	vmul.f32 v19, v4  }
0x185: {  	v22 =	vadd.f32 s12, v0;
	v16 =	vsub.f32 v16, v24;
	vm3 =	vmand vm14, vm15  }
0x186: {  	vm2 =	vmand vm3, vm2;
	v14 =	vsub.f32 v14, v19;
	v15 =	vadd.f32 v20, v15  }
0x187: {  	v19 =	vsel vm2, $0x3F800000, v1;
	v20 =	vmul.f32 v16, v13;
	v13 =	vadd.f32 $-2.555000000e+02, v22  }
0x188: {  	vm2 =	vle.f32 v8, v21;
	v16 =	vadd.f32 $-2.555000000e+02, v25;
	v21 =	vadd.f32 $1.000000000e+00, v15  }
0x189: {  	vm9 =	vlt.f32 v15, v5;
	v15 =	vmul.f32 v13, v3;
	v13 =	vmul.f32 v13, v2  }
0x18a: {  	v22 =	vmul.f32 v16, v3;
	v16 =	vmul.f32 v16, v2;
	vm10 =	vge.f32 v21, v4  }
0x18b: {  	v25 =	vadd.f32 v15, v11;
	v13 =	vadd.f32 v13, v12;
	v15 =	vsel vm10, $0x3F800000, v1  }
0x18c: {  	v26 =	vadd.f32 v22, v11;
	v16 =	vadd.f32 v16, v12;
	v22 =	vmul.f32 v15, v4  }
0x18d: {  	vm3 =	vlt.f32 v14, v6;
	v27 =	vtrunc.f32 v25;
	v28 =	vtrunc.f32 v13  }
0x18e: {  	v14 =	vadd.f32 v15, v14;
	v15 =	vtrunc.f32 v26;
	v29 =	vtrunc.f32 v16  }
0x18f: {  	v15 =	vcvt.f32.s32 v15;
	v29 =	vcvt.f32.s32 v29  }
0x190: {  	v21 =	vsub.f32 v21, v22;
	vm11 =	vlt.f32 v14, v6;
	v14 =	vcvt.f32.s32 v27  }
0x191: {  	vm1 =	vmand vm13, vm1;
	v27 =	vcvt.f32.s32 v28;
	v22 =	vcvt.s32.f32 v15  }
0x192: {  	v24 =	vadd.f32 v20, v24;
	vm12 =	vlt.f32 v21, v5;
	v21 =	vcvt.s32.f32 v29  }
0x193: {  	v28 =	vcvt.s32.f32 v14;
	v15 =	vcvt.s32.f32 v27;
	v14 =	vsub.f32 v22, v7  }
0x194: {  	vm3 =	vmand vm9, vm3;
	v48 =	vadd.f32 $1.000000000e+00, v22;
	v27 =	vsub.f32 v21, v8  }
0x195: {  	vm4 =	vmand vm12, vm11;
	v30 =	vsub.f32 v28, v7;
	v31 =	vadd.f32 $1.000000000e+00, v15  }
0x196: {  	vm0 =	vmand vm4, vm0;
	v47 =	vsub.f32 v15, v8;
	v38 =	vadd.f32 $1.000000000e+00, v28  }
0x197: {  	v29 =	vsel vm0, $0x3F800000, v1;
	vm0 =	vmand vm3, vm2;
	v45 =	vmax.f32 v14, $0.0e+00  }
0x198: {  	v27 =	vmax.f32 v27, $0.0e+00;
	v14 =	vmul.f32 v45, v9;
	v30 =	vmax.f32 v30, $0.0e+00  }
0x199: {  	v46 =	vsel vm0, $0x3F800000, v1;
	v34 =	vmax.f32 v47, $0.0e+00;
	v36 =	vmul.f32 v30, v9  }
0x19a: {  	v37 =	vmul.f32 v27, v9;
	v29 =	vsub.f32 v29, v46;
	v14 =	vadd.f32 $5.000000000e-01, v14  }
0x19b: {  	vm0 =	vge.f32 v31, v8;
	v51 =	vmul.f32 v34, v9;
	v31 =	vadd.f32 $5.000000000e-01, v36  }
0x19c: {  	v49 =	vadd.f32 $5.000000000e-01, v37;
	v17 =	vmul.f32 v29, v17;
	v14 =	vtrunc.f32 v14  }
0x19d: {  	v16 =	vsub.f32 v16, v21;
	v31 =	vtrunc.f32 v31;
	v50 =	vcvt.f32.s32 v14  }
0x19e: {  	v29 =	vadd.f32 $5.000000000e-01, v51;
	v35 =	vtrunc.f32 v49;
	v31 =	vcvt.f32.s32 v31  }
0x19f: {  	v14 =	vsub.f32 v13, v15;
	v13 =	vsub.f32 v26, v22;
	v26 =	vcvt.f32.s32 v35  }
0x1a0: {  	v25 =	vsub.f32 v25, v28;
	v29 =	vtrunc.f32 v29;
	v31 =	vcvt.s32.f32 v31  }
0x1a1: {  	v53 =	vadd.f32 $1.000000000e+00, v21;
	v20 =	vcvt.s32.f32 v50;
	v26 =	vcvt.s32.f32 v26  }
0x1a2: {  	v17 =	vadd.f32 v17, v46;
	v29 =	vcvt.f32.s32 v29;
	v52 =	vmul.f32 v31, v4  }
0x1a3: {  	vm9 =	vle.f32 v7, v28;
	v54 =	vmul.f32 v20, v4;
	v55 =	vmul.f32 v26, v4  }
0x1a4: {  	s16 =	simm.s32 $0x0;
	v56 =	vadd.f32 v17, v23;
	v23 =	vmul.f32 v17, v23;
	v30 =	vsub.f32 v30, v52  }
0x1a5: {  	s0 =	sand.u32 $0x18, s16;
	vm2 =	vge.f32 v48, v7;
	v32 =	vsub.f32 v45, v54;
	v27 =	vsub.f32 v27, v55  }
0x1a6: {  	s0 =	sor.u32 s8, s0;
	v17 =	vcvt.s32.f32 v29;
	v57 =	vsub.f32 v56, v23;
	vm3 =	vlt.f32 v30, $0.0e+00  }
0x1a7: {  	s17 =	sand.u32 $0x70, s6;
	s0 =	sshll.u32 s0, $0x7;
	vm13 =	vlt.f32 v32, $0.0e+00;
	v29 =	vsel vm3, $0x3F800000, v1;
	vm3 =	vlt.f32 v27, $0.0e+00  }
0x1a8: {  	s15 =	sor.u32 s17, s0;
	v23 =	vmul.f32 v29, v4;
	v29 =	vsub.f32 v31, v29;
	v58 =	vsel vm3, $0x3F800000, v1  }
0x1a9: {  	v31 =	vsel vm13, $0x3F800000, v1;
	vm3 =	vle.f32 v8, v21;
	v21 =	vld [tilespmem:s15+$0x3400];
	v39 =	vmul.f32 v58, v4  }
0x1aa: {  	v59 =	vmul.f32 v17, v4;
	v20 =	vsub.f32 v20, v31;
	v23 =	vadd.f32 v23, v30  }
0x1ab: {  	v31 =	vmul.f32 v31, v4;
	v26 =	vsub.f32 v26, v58;
	v27 =	vadd.f32 v39, v27  }
0x1ac: {  	v30 =	vld [tilespmem:s15+$0x4400];
	vm15 =	vlt.f32 v29, v6;
	vm14 =	vlt.f32 v23, v5;
	v23 =	vadd.f32 $1.000000000e+00, v23  }
0x1ad: {  	vm4 =	vlt.f32 v26, v6;
	vm5 =	vmand vm14, vm15;
	v60 =	vadd.f32 $1.000000000e+00, v27  }
0x1ae: {  	vm6 =	vlt.f32 v27, v5;
	v21 =	vmul.f32 v21, v57;
	vm10 =	vge.f32 v23, v4  }
0x1af: {  	v27 =	vsel vm1, $0x3F800000, v1;
	vm14 =	vge.f32 v38, v7;
	v28 =	vsel vm10, $0x3F800000, v1  }
0x1b0: {  	vm5 =	vmand vm5, vm9;
	v19 =	vsub.f32 v19, v27;
	v61 =	vmul.f32 v28, v4  }
0x1b1: {  	vm4 =	vmand vm6, vm4;
	v30 =	vmul.f32 v30, v57;
	vm11 =	vge.f32 v60, v4  }
0x1b2: {  	vm10 =	vge.f32 v53, v8;
	v28 =	vadd.f32 v28, v29;
	v23 =	vsub.f32 v23, v61  }
0x1b3: {  	vm3 =	vmand vm4, vm3;
	v29 =	vadd.f32 v31, v32;
	v62 =	vsel vm11, $0x3F800000, v1  }
0x1b4: {  	v18 =	vmul.f32 v19, v18;
	vm12 =	vlt.f32 v28, v6;
	vm1 =	vlt.f32 v23, v5  }
0x1b5: {  	v63 =	vmul.f32 v62, v4;
	v31 =	vadd.f32 $1.000000000e+00, v29;
	vm1 =	vmand vm1, vm12  }
0x1b6: {  	vm13 =	vlt.f32 v29, v5;
	v23 =	vadd.f32 v62, v26;
	vm1 =	vmand vm1, vm14  }
0x1b7: {  	v28 =	vsel vm5, $0x3F800000, v1;
	v26 =	vsub.f32 v60, v63;
	v29 =	vsel vm1, $0x3F800000, v1  }
0x1b8: {  	vm15 =	vge.f32 v31, v4;
	vm1 =	vlt.f32 v23, v6;
	v23 =	vsub.f32 v29, v28  }
0x1b9: {  	vm11 =	vlt.f32 v26, v5;
	v26 =	vsub.f32 v34, v59;
	v29 =	vsel vm15, $0x3F800000, v1  }
0x1ba: {  	vm12 =	vmand vm11, vm1;
	v19 =	vmul.f32 v23, v25;
	v23 =	vmul.f32 v29, v4  }
0x1bb: {  	vm1 =	vlt.f32 v20, v6;
	v25 =	vadd.f32 v18, v27;
	v27 =	vadd.f32 v29, v20  }
0x1bc: {  	s20 =	sand.u32 $0x60, s11;
	vm1 =	vmand vm13, vm1;
	v29 =	vld [tilespmem:s15+$0x5400];
	v18 =	vadd.f32 v19, v28;
	v19 =	vsub.f32 v31, v23  }
0x1bd: {  	s16 =	sor.u32 s20, s0;
	v20 =	vsel vm3, $0x3F800000, v1;
	vm3 =	vle.f32 v7, v22;
	v31 =	vadd.f32 v24, v25  }
0x1be: {  	s12 =	simm.s32 $0x2;
	vm14 =	vlt.f32 v27, v6;
	v25 =	vmul.f32 v24, v25;
	v23 =	vld [tilespmem:s16+$0x3400];
	vm13 =	vlt.f32 v19, v5  }
0x1bf: {  	s21 =	sand.u32 $0x18, s12;
	vm15 =	vmand vm12, vm10;
	v22 =	vld [tilespmem:s16+$0x4400];
	vm1 =	vmand vm1, vm3;
	vm3 =	vmand vm13, vm14  }
0x1c0: {  	s0 =	sor.u32 s8, s21;
	v28 =	vsel vm15, $0x3F800000, v1;
	v24 =	vld [tilespmem:s16+$0x5400];
	v25 =	vsub.f32 v31, v25;
	vm3 =	vmand vm3, vm2  }
0x1c1: {  	s6 =	simm.s32 $0x50;
	s11 =	sshll.u32 s0, $0x7;
	[tilespmem:s15+$0xA400] =	vst v30;
	v27 =	vmul.f32 v29, v57;
	vm2 =	vlt.f32 v26, $0.0e+00;
	v19 =	vsel vm3, $0x3F800000, v1  }
.LBB2_8:
0x1c2: {  	s12 =	sadd.s32 $0x2, s12;
	s2 =	sadd.s32 $0xFFFFFFF0, s6;
	s0 =	scvt.s32.f32 s6;
	v28 =	vsub.f32 v28, v20;
	v29 =	vsel vm2, $0x3F800000, v1;
	[tilespmem:s15+$0x9400] =	vst v21  }
0x1c3: {  	s17 =	scvt.s32.f32 s2;
	s20 =	sand.u32 $0x18, s12;
	p0 =	slt.u32 s12, $0x1E;
	v17 =	vsub.f32 v17, v29;
	v21 =	vmul.f32 v29, v4;
	v23 =	vmul.f32 v23, v25;
	[tilespmem:s15+$0xB400] =	vst v27  }
0x1c4: {  	s15 =	sor.u32 s8, s20;
	v27 =	vadd.f32 s0, v0;
	v28 =	vmul.f32 v28, v16;
	v16 =	vmul.f32 v22, v25  }
0x1c5: {  	v22 =	vadd.f32 s17, v0;
	s0 =	sshll.u32 s15, $0x7;
	v21 =	vadd.f32 v21, v26;
	v24 =	vmul.f32 v24, v25  }
0x1c6: {  	vm2 =	vle.f32 v8, v15;
	vm3 =	vlt.f32 v17, v6;
	v25 =	vadd.f32 $-2.555000000e+02, v27;
	[tilespmem:s16+$0x9400] =	vst v23  }
0x1c7: {  	v15 =	vadd.f32 $-2.555000000e+02, v22;
	vm4 =	vlt.f32 v21, v5;
	v21 =	vadd.f32 $1.000000000e+00, v21;
	[tilespmem:s16+$0xB400] =	vst v24  }
0x1c8: {  	v22 =	vmul.f32 v25, v3;
	v23 =	vmul.f32 v25, v2;
	vm3 =	vmand vm4, vm3;
	[tilespmem:s16+$0xA400] =	vst v16  }
0x1c9: {  	v16 =	vmul.f32 v15, v3;
	v15 =	vmul.f32 v15, v2;
	vm4 =	vge.f32 v21, v4  }
0x1ca: {  	v24 =	vadd.f32 v22, v11;
	v25 =	vadd.f32 v23, v12;
	v22 =	vsel vm4, $0x3F800000, v1  }
0x1cb: {  	v26 =	vadd.f32 v16, v11;
	v16 =	vadd.f32 v15, v12;
	v15 =	vmul.f32 v22, v4  }
0x1cc: {  	v17 =	vadd.f32 v22, v17;
	v23 =	vtrunc.f32 v24;
	v27 =	vtrunc.f32 v25  }
0x1cd: {  	v22 =	vtrunc.f32 v26;
	v29 =	vtrunc.f32 v16;
	v15 =	vsub.f32 v21, v15  }
0x1ce: {  	vm4 =	vlt.f32 v17, v6;
	v21 =	vcvt.f32.s32 v22;
	v29 =	vcvt.f32.s32 v29  }
0x1cf: {  	v17 =	vcvt.f32.s32 v23;
	v23 =	vcvt.f32.s32 v27;
	vm5 =	vlt.f32 v15, v5  }
0x1d0: {  	v22 =	vcvt.s32.f32 v21;
	v21 =	vcvt.s32.f32 v29;
	vm4 =	vmand vm5, vm4  }
0x1d1: {  	v27 =	vcvt.s32.f32 v17;
	v15 =	vcvt.s32.f32 v23;
	vm0 =	vmand vm4, vm0  }
0x1d2: {  	v17 =	vsub.f32 v22, v7;
	v23 =	vsub.f32 v21, v8;
	v29 =	vsel vm0, $0x3F800000, v1  }
0x1d3: {  	v30 =	vsub.f32 v27, v7;
	v31 =	vadd.f32 $1.000000000e+00, v15;
	vm0 =	vmand vm3, vm2  }
0x1d4: {  	v33 =	vsel vm0, $0x3F800000, v1;
	v17 =	vmax.f32 v17, $0.0e+00;
	v32 =	vmax.f32 v23, $0.0e+00  }
0x1d5: {  	v34 =	vsub.f32 v15, v8;
	v30 =	vmax.f32 v30, $0.0e+00;
	v23 =	vmul.f32 v17, v9  }
0x1d6: {  	v35 =	vadd.f32 $1.000000000e+00, v22;
	vm0 =	vge.f32 v31, v8;
	v36 =	vmul.f32 v30, v9  }
0x1d7: {  	v37 =	vadd.f32 $1.000000000e+00, v27;
	v31 =	vmul.f32 v32, v9;
	v23 =	vadd.f32 $5.000000000e-01, v23  }
0x1d8: {  	v16 =	vsub.f32 v16, v21;
	vm2 =	vge.f32 v35, v7;
	v35 =	vadd.f32 $5.000000000e-01, v36  }
0x1d9: {  	v38 =	vsub.f32 v24, v27;
	v31 =	vadd.f32 $5.000000000e-01, v31;
	v36 =	vtrunc.f32 v23  }
0x1da: {  	v29 =	vsub.f32 v29, v33;
	v24 =	vtrunc.f32 v35;
	v23 =	vmax.f32 v34, $0.0e+00  }
0x1db: {  	v25 =	vsub.f32 v25, v15;
	v24 =	vcvt.f32.s32 v24;
	v34 =	vcvt.f32.s32 v36  }
0x1dc: {  	v26 =	vsub.f32 v26, v22;
	v31 =	vtrunc.f32 v31;
	v35 =	vmul.f32 v23, v9  }
0x1dd: {  	v31 =	vcvt.f32.s32 v31;
	v36 =	vcvt.s32.f32 v24;
	v24 =	vadd.f32 v28, v20  }
0x1de: {  	v29 =	vmul.f32 v29, v14;
	v14 =	vmovc v25;
	v20 =	vcvt.s32.f32 v34;
	v28 =	vadd.f32 $5.000000000e-01, v35  }
0x1df: {  	v25 =	vcvt.s32.f32 v31;
	v31 =	vadd.f32 $1.000000000e+00, v21;
	v34 =	vmul.f32 v36, v4  }
0x1e0: {  	v29 =	vadd.f32 v29, v33;
	v35 =	vmul.f32 v20, v4;
	v28 =	vtrunc.f32 v28  }
0x1e1: {  	v33 =	vmul.f32 v25, v4;
	v30 =	vsub.f32 v30, v34;
	v28 =	vcvt.f32.s32 v28  }
0x1e2: {  	v34 =	vsub.f32 v17, v35;
	v35 =	vadd.f32 v29, v18;
	v18 =	vmul.f32 v29, v18  }
0x1e3: {  	v29 =	vsub.f32 v32, v33;
	vm3 =	vlt.f32 v30, $0.0e+00;
	v17 =	vcvt.s32.f32 v28  }
0x1e4: {  	vm4 =	vlt.f32 v34, $0.0e+00;
	v28 =	vsel vm3, $0x3F800000, v1;
	v32 =	vsub.f32 v35, v18  }
0x1e5: {  	s15 =	sand.u32 $0x70, s10;
	s10 =	smov.u32 s6;
	vm3 =	vlt.f32 v29, $0.0e+00;
	v18 =	vsub.f32 v36, v28;
	v28 =	vmul.f32 v28, v4  }
0x1e6: {  	s15 =	sor.u32 s15, s11;
	v33 =	vsel vm4, $0x3F800000, v1;
	v35 =	vsel vm3, $0x3F800000, v1;
	v36 =	vmul.f32 v17, v4  }
0x1e7: {  	v20 =	vsub.f32 v20, v33;
	v39 =	vmul.f32 v35, v4;
	v28 =	vadd.f32 v28, v30;
	v30 =	vld [tilespmem:s15+$0x4400]  }
0x1e8: {  	vm3 =	vle.f32 v8, v21;
	v33 =	vmul.f32 v33, v4;
	v25 =	vsub.f32 v25, v35;
	v35 =	vld [tilespmem:s15+$0x5400]  }
0x1e9: {  	vm6 =	vlt.f32 v18, v6;
	vm5 =	vlt.f32 v28, v5;
	v28 =	vadd.f32 $1.000000000e+00, v28;
	v21 =	vld [tilespmem:s15+$0x3400]  }
0x1ea: {  	vm7 =	vle.f32 v7, v27;
	vm4 =	vlt.f32 v25, v6;
	vm5 =	vmand vm5, vm6  }
0x1eb: {  	v27 =	vadd.f32 v39, v29;
	vm5 =	vmand vm5, vm7;
	vm6 =	vge.f32 v28, v4  }
0x1ec: {  	v29 =	vsel vm6, $0x3F800000, v1;
	v30 =	vmul.f32 v30, v32  }
0x1ed: {  	v39 =	vadd.f32 $1.000000000e+00, v27;
	v40 =	vmul.f32 v29, v4;
	v18 =	vadd.f32 v29, v18  }
0x1ee: {  	vm6 =	vlt.f32 v27, v5;
	v29 =	vadd.f32 v33, v34;
	v21 =	vmul.f32 v21, v32;
	[tilespmem:s15+$0xA400] =	vst v30  }
0x1ef: {  	vm7 =	vge.f32 v39, v4;
	v27 =	vsub.f32 v28, v40;
	v28 =	vsel vm1, $0x3F800000, v1  }
0x1f0: {  	v33 =	vsel vm7, $0x3F800000, v1;
	v30 =	vadd.f32 $1.000000000e+00, v29;
	v19 =	vsub.f32 v19, v28  }
0x1f1: {  	v34 =	vmul.f32 v33, v4;
	vm8 =	vlt.f32 v18, v6;
	vm7 =	vlt.f32 v27, v5  }
0x1f2: {  	vm9 =	vge.f32 v37, v7;
	vm1 =	vlt.f32 v29, v5;
	vm7 =	vmand vm7, vm8  }
0x1f3: {  	v18 =	vadd.f32 v33, v25;
	vm8 =	vge.f32 v30, v4;
	vm7 =	vmand vm7, vm9  }
0x1f4: {  	v25 =	vsub.f32 v39, v34;
	v27 =	vsel vm5, $0x3F800000, v1;
	v29 =	vsel vm7, $0x3F800000, v1  }
0x1f5: {  	vm5 =	vge.f32 v31, v8;
	vm7 =	vlt.f32 v18, v6;
	v18 =	vsub.f32 v29, v27  }
0x1f6: {  	v19 =	vmul.f32 v19, v13;
	v13 =	vmovc v26;
	v29 =	vsel vm8, $0x3F800000, v1;
	vm8 =	vlt.f32 v25, v5  }
0x1f7: {  	vm4 =	vmand vm6, vm4;
	vm6 =	vmand vm8, vm7;
	v18 =	vmul.f32 v18, v38  }
0x1f8: {  	v19 =	vadd.f32 v19, v28;
	vm7 =	vlt.f32 v20, v6;
	v25 =	vmul.f32 v29, v4  }
0x1f9: {  	vm3 =	vmand vm4, vm3;
	v28 =	vadd.f32 v29, v20;
	v18 =	vadd.f32 v18, v27  }
0x1fa: {  	s16 =	sand.u32 $0x60, s9;
	s9 =	smov.u32 s2;
	v20 =	vsel vm3, $0x3F800000, v1;
	v25 =	vsub.f32 v30, v25;
	v27 =	vadd.f32 v24, v19  }
.Ltmp4:
0x1fb: {  	s16 =	sor.u32 s16, s11;
	s11 =	smov.u32 s0;
	v26 =	vsub.f32 v23, v36;
	vm3 =	vle.f32 v7, v22;
	vm1 =	vmand vm1, vm7;
	(pc) =	sbr.rel @p0 .LBB2_8-.Ltmp4, $4  }
0x1fc: {  	vm7 =	vlt.f32 v28, v6;
	vm4 =	vlt.f32 v25, v5;
	v25 =	vmul.f32 v24, v19;
	v23 =	vld [tilespmem:s16+$0x3400]  }
0x1fd: {  	vm1 =	vmand vm1, vm3;
	vm3 =	vmand vm4, vm7;
	vm4 =	vmand vm6, vm5;
	v22 =	vld [tilespmem:s16+$0x4400]  }
0x1fe: {  	vm3 =	vmand vm3, vm2;
	v28 =	vsel vm4, $0x3F800000, v1;
	vm2 =	vlt.f32 v26, $0.0e+00;
	v24 =	vld [tilespmem:s16+$0x5400]  }
0x1ff: {  	s6 =	sadd.s32 $0x20, s6;
	v25 =	vsub.f32 v27, v25;
	v27 =	vmul.f32 v35, v32;
	v19 =	vsel vm3, $0x3F800000, v1  }
0x200: {  	v11 =	vsel vm2, $0x3F800000, v1  }
0x201: {  	v12 =	vmul.f32 v11, v4;
	_ =	sdelay $0x1  }
0x202: {  	v12 =	vadd.f32 v12, v26;
	_ =	sdelay $0x1  }
0x203: {  	v26 =	vadd.f32 $1.000000000e+00, v12;
	_ =	sdelay $0x1  }
0x204: {  	vm13 =	vge.f32 v26, v4  }
0x205: {  	v29 =	vsel vm13, $0x3F800000, v1  }
0x206: {  	v11 =	vsub.f32 v17, v11;
	v44 =	vmul.f32 v29, v4;
	_ =	sdelay $0x1  }
0x207: {  	v45 =	vadd.f32 v29, v11;
	v17 =	vsub.f32 v26, v44  }
0x208: {  	vm15 =	vle.f32 v8, v15;
	vm14 =	vlt.f32 v11, v6  }
0x209: {  	vm3 =	vlt.f32 v12, v5;
	vm4 =	vlt.f32 v45, v6;
	vm5 =	vlt.f32 v17, v5  }
0x20a: {  	v47 =	vsel vm1, $0x3F800000, v1;
	vm2 =	vmand vm3, vm14;
	vm4 =	vmand vm5, vm4  }
0x20b: {  	v48 =	vsub.f32 v28, v20;
	vm2 =	vmand vm2, vm15;
	vm0 =	vmand vm4, vm0  }
0x20c: {  	v49 =	vsub.f32 v19, v47;
	v46 =	vsel vm2, $0x3F800000, v1;
	v11 =	vsel vm0, $0x3F800000, v1  }
0x20d: {  	v11 =	vsub.f32 v11, v46  }
0x20e: {  	s0 =	sand.u32 $0x70, s10;
	v50 =	vmul.f32 v48, v16;
	v13 =	vmul.f32 v49, v13  }
0x20f: {  	s2 =	sand.u32 $0x60, s9;
	s0 =	sor.u32 s0, s11;
	v11 =	vmul.f32 v11, v14  }
0x210: {  	s2 =	sor.u32 s2, s11;
	v51 =	vld [tilespmem:s0+$0x4400];
	v12 =	vadd.f32 v50, v20;
	v13 =	vadd.f32 v13, v47  }
0x211: {  	v57 =	vld [tilespmem:s2+$0x3400];
	v11 =	vadd.f32 v11, v46  }
0x212: {  	v53 =	vld [tilespmem:s0+$0x3400];
	v59 =	vadd.f32 v12, v13;
	v12 =	vmul.f32 v12, v13  }
0x213: {  	[tilespmem:s15+$0x9400] =	vst v21;
	v54 =	vmul.f32 v23, v25;
	v55 =	vld [tilespmem:s0+$0x5400];
	v52 =	vadd.f32 v11, v18;
	v11 =	vmul.f32 v11, v18  }
0x214: {  	[tilespmem:s15+$0xB400] =	vst v27;
	v58 =	vmul.f32 v22, v25;
	v12 =	vsub.f32 v59, v12  }
0x215: {  	v60 =	vld [tilespmem:s2+$0x5400];
	v56 =	vmul.f32 v24, v25;
	[tilespmem:s16+$0x9400] =	vst v54;
	v11 =	vsub.f32 v52, v11  }
0x216: {  	v62 =	vld [tilespmem:s2+$0x4400];
	[tilespmem:s16+$0xA400] =	vst v58;
	v63 =	vmul.f32 v57, v12  }
0x217: {  	s8 =	sadd.s32 $0x1, s8;
	[tilespmem:s16+$0xB400] =	vst v56;
	v61 =	vmul.f32 v51, v11  }
0x218: {  	p0 =	sne.s32 s8, $0x8;
	[tilespmem:s2+$0x9400] =	vst v63;
	v17 =	vmul.f32 v53, v11;
	v11 =	vmul.f32 v55, v11  }
.Ltmp5:
0x219: {  	[tilespmem:s0+$0xA400] =	vst v61;
	(pc) =	sbr.rel @p0 .LBB2_7-.Ltmp5, $4  }
0x21a: {  	[tilespmem:s0+$0xB400] =	vst v11;
	v11 =	vmul.f32 v60, v12  }
0x21b: {  	[tilespmem:s0+$0x9400] =	vst v17;
	v12 =	vmul.f32 v62, v12  }
0x21c: {  	[tilespmem:s2+$0xB400] =	vst v11  }
0x21d: {  	[tilespmem:s2+$0xA400] =	vst v12  }
0x21e: {  	s0 =	sadd.s32 s19, s5  }
0x21f: {  	s0 =	sadd.s32 $0x1000, s0  }
0x220: {  	s0 =	sshrl.u32 s0, $0x3  }
0x221: {  	s0 =	sadd.s32 s3, s0  }
0x222: {  	[hbm4b:s0+s4] =	stream.linear.scatter [tilespmem:s29], [sflag:$0x4], $0x1000, $0x38;
	[tilespmem:$0xC400] =	vst v63  }
.Ltmp6:
0x223: {  	_ = 	snop;
	(pc) =	sbr.rel @p1 .LBB2_12-.Ltmp6, $4  }
0x224: {  	s2 =	sadd.s32 $0x8000, s0  }
0x225: {  	[hbm4b:s2+s4] =	stream.linear.scatter [tilespmem:s30], [sflag:$0x4], $0x1000, $0x38;
	[tilespmem:$0xC400] =	vst v63  }
0x226: {  	s0 =	sadd.s32 $0x10000, s0  }
0x227: {  	[hbm4b:s0+s4] =	stream.linear.scatter [tilespmem:s31], [sflag:$0x4], $0x1000, $0x38;
	[tilespmem:$0xC400] =	vst v63  }
0x228: {  	s0 =	sadd.s32 s19, s14  }
0x229: {  	s0 =	sshrl.u32 s0, $0x3  }
0x22a: {  	s2 =	simm.s32 $0x3400;
	s0 =	sadd.s32 s1, s0  }
0x22b: {  	[tilespmem:s2], [sflag:$0x2] =	stream.linear.gather [hbm4b:s0+s4], $0x1000, $0x38;
	[tilespmem:$0xC400] =	vst v63  }
.Ltmp7:
0x22c: {  	_ = 	snop;
	(pc) =	sbr.rel .LBB2_2-.Ltmp7, $4  }
0x22d: {  	s6 =	simm.s32 $0x4400;
	s21 =	sadd.s32 $0x8000, s0  }
0x22e: {  	[tilespmem:s6], [sflag:$0x2] =	stream.linear.gather [hbm4b:s21+s4], $0x1000, $0x38;
	[tilespmem:$0xC400] =	vst v63  }
0x22f: {  	s18 =	sadd.s32 $0x1, s18;
	s0 =	sadd.s32 $0x10000, s0  }
0x230: {  	[tilespmem:s22], [sflag:$0x2] =	stream.linear.gather [hbm4b:s0+s4], $0x1000, $0x38;
	[tilespmem:$0xC400] =	vst v63  }
.LBB2_13:
0x231: {  	_ =	sfence.sel $0x180000  }
0x232: {  	[bflag:$0x0] =	sbarrier.arrive $0xFFFF  }
0x233: {  	_ =	strace $0x90000047  }
0x234: {  	s0 =	stileid.u32;
	[bflag:$0x2] =	sbarrier.arrive $0xFFFF  }
0x235: {  	p0 =	sne.s32 s0, $0x0;
	s0 =	rddreg [dreg:$0x3]  }
0x236: {  	s0 =	sadd.s32 @!p0 $0x100000, s0  }
0x237: {  	[sflag:s0] =	ssyncadd.tile.s32 @!p0 $0x1;
	_ =	shalt  }
.Lfunc_end2:
_tile_overlayer_lowered:
.L_overlay_start_2:
0x238: {  	(tag) =	ssettag $0x2  }
0x239: {  	s0 =	rddreg [dreg:$0x0];
	s2 =	stileid.u32  }
0x23a: {  	s1 =	rddreg [dreg:$0x1];
	p0 =	sne.s32 s2, $0x0  }
0x23b: {  	s3 =	rddreg [dreg:$0x2];
	[bflag:$0x3] =	sbarrier.arrive $0xFFFF;
	s2 =	simm.s32 @!p0 $0x1C05  }
0x23c: {  	[timem:s3], [sflag:s2] =	dma.local @!p0 [hbm:s0], s1  }
0x23d: {  	s0 =	simm.s32 @!p0 $0x5  }
0x23e: {  	_ =	swait.ge @!p0 [sflag:s0], s1  }
0x23f: {  	s1 =	ssub.s32 @!p0 $0x0, s1;
	[sflag:s0] =	ssyncset.done @!p0 $0x0  }
0x240: {  	[sflag:s0] =	ssyncadd.s32 @!p0 s1  }
0x241: {  	[bflag:$0x3] =	sbarrier.arrive $0xFFFF  }
0x242: {  	_ =	shalt  }

</sc_bundles>
